<compile_context>
chip_gen: v7x
topology: tpu7x:2x2x1
jax: 0.10.2.dev20260603
libtpu: 0.0.44.dev20260713+nightly
codegen_flags: <defaults>
</compile_context>

<pallas_src>
import functools

import jax
import jax.numpy as jnp
from jax import lax
from jax.experimental import pallas as pl
from jax.experimental.pallas import tpu as pltpu
from jax.experimental.pallas import tpu_sc as plsc

BATCH = 16384
EMBED_DIM = 64
NUM_CORES = 2
NUM_SUBCORES = 16
NUM_TILES = NUM_CORES * NUM_SUBCORES
ROWS_PER_TILE = BATCH // NUM_TILES


@functools.cache
def _sc_gather():
    mesh = plsc.VectorSubcoreMesh(core_axis_name="c", subcore_axis_name="s")

    @functools.partial(
        pl.kernel,
        mesh=mesh,
        out_type=jax.ShapeDtypeStruct((BATCH, EMBED_DIM), jnp.float32),
        scratch_types=[
            pltpu.VMEM((ROWS_PER_TILE,), jnp.int32),
            pltpu.VMEM((ROWS_PER_TILE, EMBED_DIM), jnp.float32),
            pltpu.SemaphoreType.DMA,
            pltpu.SemaphoreType.DMA,
            pltpu.SemaphoreType.DMA,
        ],
    )
    def gather(tab_hbm, ids_hbm, out_hbm, idx_v, rows_v, sem0, sem1, wsem):
        wid = lax.axis_index("s") * NUM_CORES + lax.axis_index("c")
        base = wid * ROWS_PER_TILE
        half = ROWS_PER_TILE // 2
        pltpu.async_copy(ids_hbm.at[pl.ds(base, ROWS_PER_TILE)], idx_v,
                         sem0).wait()

        for g, sem in ((0, sem0), (1, sem1)):
            @pl.loop(g * half, (g + 1) * half, step=16)
            def _fire(c):
                vec = idx_v[pl.ds(c, 16)]
                for k in range(16):
                    pltpu.async_copy(tab_hbm.at[pl.ds(vec[k], 1)],
                                     rows_v.at[pl.ds(c + k, 1)], sem)

        for g, sem in ((0, sem0), (1, sem1)):
            @pl.loop(0, half)
            def _drain(j):
                pltpu.make_async_copy(tab_hbm.at[pl.ds(0, 1)],
                                      rows_v.at[pl.ds(0, 1)], sem).wait()

            pltpu.async_copy(rows_v.at[pl.ds(g * half, half)],
                             out_hbm.at[pl.ds(base + g * half, half)], wsem)

        @pl.loop(0, 2)
        def _wdrain(c):
            pltpu.make_async_copy(rows_v.at[pl.ds(0, half)],
                                  out_hbm.at[pl.ds(base, half)], wsem).wait()

    return gather


_BB = 2048


def _mlp_body(u_ref, m_ref, w1_ref, b1_ref, w2_ref, b2_ref, w3_ref, b3_ref,
              o_ref):
    f32 = jnp.float32
    hi = lax.Precision.HIGHEST
    dims = (((1,), (1,)), ((), ()))
    h = lax.dot_general(u_ref[...], w1_ref[:, :EMBED_DIM], dims,
                        precision=hi, preferred_element_type=f32)
    h += lax.dot_general(m_ref[...], w1_ref[:, EMBED_DIM:], dims,
                         precision=hi, preferred_element_type=f32)
    h = jnp.maximum(h + b1_ref[...], 0.0)
    h = lax.dot_general(h, w2_ref[...], dims, precision=hi,
                        preferred_element_type=f32)
    h = jnp.maximum(h + b2_ref[...], 0.0)
    o = jnp.sum(h * w3_ref[...], axis=1, keepdims=True)
    o_ref[...] = o + b3_ref[0]


def _mlp(user_vec, movie_vec, W1, b1, W2, b2, W3, b3):
    grid = (BATCH // _BB,)
    full = lambda *_: (0, 0)
    return pl.pallas_call(
        _mlp_body,
        grid=grid,
        in_specs=[
            pl.BlockSpec((_BB, EMBED_DIM), lambda i: (i, 0)),
            pl.BlockSpec((_BB, EMBED_DIM), lambda i: (i, 0)),
            pl.BlockSpec(W1.shape, full),
            pl.BlockSpec((1, 128), full),
            pl.BlockSpec(W2.shape, full),
            pl.BlockSpec((1, 64), full),
            pl.BlockSpec(W3.shape, full),
            pl.BlockSpec(memory_space=pltpu.SMEM),
        ],
        out_specs=pl.BlockSpec((_BB, 1), lambda i: (i, 0)),
        out_shape=jax.ShapeDtypeStruct((BATCH, 1), jnp.float32),
    )(user_vec, movie_vec, W1, b1, W2, b2, W3, b3)


def kernel(user_ids, movie_ids, user_emb, movie_emb, W1, b1, W2, b2, W3, b3):
    gather = _sc_gather()
    movie_vec = gather(movie_emb, movie_ids)
    user_vec = gather(user_emb, user_ids)
    out = _mlp(user_vec, movie_vec, W1,
               b1.reshape(1, 128), W2, b2.reshape(1, 64), W3, b3)
    return jnp.squeeze(out, axis=1)

# --- scband reference (transcript-rebuilt; emitter-appended) ---
"""Pipeline reference for scband-ncf-54245436948765 (READ-ONLY COPY).

The authoritative reference and input builder live on the scoring server;
editing this copy changes nothing except your own understanding.
"""

import jax, jax.numpy as jnp
import numpy as np

NUM_USERS = 1000000
NUM_MOVIES = 100000
EMBED_DIM = 64
BATCH = 16384

def setup_inputs(seed: int = 0) -> dict:
    key = jax.random.key(seed)
    ks = jax.random.split(key, 12)
    user_ids = jax.random.randint(ks[0], (BATCH,), 0, NUM_USERS)
    movie_ids = jax.random.randint(ks[1], (BATCH,), 0, NUM_MOVIES)
    user_emb = jax.random.normal(ks[2], (NUM_USERS, EMBED_DIM), dtype=jnp.float32)
    movie_emb = jax.random.normal(ks[3], (NUM_MOVIES, EMBED_DIM), dtype=jnp.float32)
    # torch Linear weights: [out_features, in_features]
    W1 = jax.random.normal(ks[4], (128, EMBED_DIM * 2), dtype=jnp.float32) * (1.0 / np.sqrt(EMBED_DIM * 2))
    b1 = jax.random.normal(ks[5], (128,), dtype=jnp.float32) * 0.01
    W2 = jax.random.normal(ks[6], (64, 128), dtype=jnp.float32) * (1.0 / np.sqrt(128))
    b2 = jax.random.normal(ks[7], (64,), dtype=jnp.float32) * 0.01
    W3 = jax.random.normal(ks[8], (1, 64), dtype=jnp.float32) * (1.0 / np.sqrt(64))
    b3 = jax.random.normal(ks[9], (1,), dtype=jnp.float32) * 0.01
    return {"user_ids": user_ids, "movie_ids": movie_ids,
            "user_emb": user_emb, "movie_emb": movie_emb,
            "W1": W1, "b1": b1, "W2": W2, "b2": b2, "W3": W3, "b3": b3}

def reference(user_ids, movie_ids, user_emb, movie_emb, W1, b1, W2, b2, W3, b3):
    # embedding lookups (SparseCore gather)
    user_vec = jnp.take(user_emb, user_ids, axis=0)
    movie_vec = jnp.take(movie_emb, movie_ids, axis=0)
    x = jnp.concatenate([user_vec, movie_vec], axis=1)
    h = jax.nn.relu(x @ W1.T + b1)
    # dropout is identity in eval mode
    h = jax.nn.relu(h @ W2.T + b2)
    out = h @ W3.T + b3
    return jnp.squeeze(out)

if __name__ == "__main__":
    import jax
    _d = setup_inputs()
    print(jax.jit(kernel)(*tuple(_d.values())))

</pallas_src>

<mosaic_0001>
#map = affine_map<(d0, d1) -> (0, 0)>
#map1 = affine_map<(d0, d1) -> (0)>
module attributes {stable_mosaic.version = 14 : i64} {
  func.func @gather(%arg0: i32, %arg1: i32, %arg2: memref<100000x64xf32, #tpu.memory_space<hbm>>, %arg3: memref<16384xi32, #tpu.memory_space<hbm>>, %arg4: memref<16384x64xf32, #tpu.memory_space<hbm>>, %arg5: memref<512xi32, #tpu.memory_space<vmem>>, %arg6: memref<512x64xf32, #tpu.memory_space<vmem>>, %arg7: memref<!tpu.dma_semaphore, #tpu.memory_space<semaphore_mem>>, %arg8: memref<!tpu.dma_semaphore, #tpu.memory_space<semaphore_mem>>, %arg9: memref<!tpu.dma_semaphore, #tpu.memory_space<semaphore_mem>>) attributes {dimension_semantics = [#tpu.dimension_semantics<core_parallel>, #tpu.dimension_semantics<subcore_parallel>], iteration_bounds = array<i64: 2, 16>, scalar_prefetch = 0 : i64, scratch_operands = 5 : i64, tpu.core_type = #tpu.core_type<sc_vector_subcore>, window_params = [{transform_indices = #map}, {transform_indices = #map1}, {transform_indices = #map}]} {
    %mul3A = arith.constant 2 : i32
    %mul3A_0 = arith.muli %arg1, %mul3A : i32
    %add3A = arith.addi %mul3A_0, %arg0 : i32
    %mul3A_1 = arith.constant 512 : i32
    %mul3A_2 = arith.muli %add3A, %mul3A_1 : i32
    %dma_start3A = tpu.memref_slice %arg3[%mul3A_2] : memref<16384xi32, #tpu.memory_space<hbm>> -> memref<512xi32, #tpu.memory_space<hbm>>
    %dma_start3A_3 = tpu.memref_slice %arg3[%mul3A_2] : memref<16384xi32, #tpu.memory_space<hbm>> -> memref<512xi32, #tpu.memory_space<hbm>>
    tpu.enqueue_dma source(%dma_start3A_3 : memref<512xi32, #tpu.memory_space<hbm>>) target(%arg5 : memref<512xi32, #tpu.memory_space<vmem>>) target_semaphore(%arg7 : memref<!tpu.dma_semaphore, #tpu.memory_space<semaphore_mem>>)
    %dma_wait3A = tpu.memref_slice %arg3[%mul3A_2] : memref<16384xi32, #tpu.memory_space<hbm>> -> memref<512xi32, #tpu.memory_space<hbm>>
    %dma_wait3A_4 = tpu.memref_slice %arg3[%mul3A_2] : memref<16384xi32, #tpu.memory_space<hbm>> -> memref<512xi32, #tpu.memory_space<hbm>>
    tpu.wait_dma2 semaphore(%arg7 : memref<!tpu.dma_semaphore, #tpu.memory_space<semaphore_mem>>) src(%dma_wait3A_4 : memref<512xi32, #tpu.memory_space<hbm>>) dst(%arg5 : memref<512xi32, #tpu.memory_space<vmem>>)
    %scan3A = arith.constant 0 : i32
    %scan3A_5 = arith.constant 16 : i32
    %scan3A_6 = arith.addi %scan3A, %scan3A_5 : i32
    %scan3A_7 = arith.constant 1 : i32
    scf.for %scan3A_53 = %scan3A to %scan3A_6 step %scan3A_7  : i32 {
      %mul3A_54 = arith.constant 16 : i32
      %mul3A_55 = arith.muli %scan3A_53, %mul3A_54 : i32
      %add3A_56 = arith.constant 0 : i32
      %add3A_57 = arith.addi %add3A_56, %mul3A_55 : i32
      %get3A = arith.index_cast %add3A_57 : i32 to index
      %get3A_58 = tpu.vector_load %arg5[%get3A] {strides = array<i32>} : memref<512xi32, #tpu.memory_space<vmem>>, vector<16xi32>,
      %get3A_59 = vector.shape_cast %get3A_58 : vector<16xi32> to vector<16xi32>
      %slice3A = vector.extract_strided_slice %get3A_59 {offsets = [0], sizes = [1], strides = [1]} : vector<16xi32> to vector<1xi32>
      %squeeze3A = vector.extract %slice3A[0] : i32 from vector<1xi32>
      %add3A_60 = arith.constant 0 : i32
      %add3A_61 = arith.addi %add3A_57, %add3A_60 : i32
      %dma_start3A_62 = arith.constant 0 : i32
      %dma_start3A_63 = tpu.memref_slice %arg6[%add3A_61, %dma_start3A_62] : memref<512x64xf32, #tpu.memory_space<vmem>> -> memref<1x64xf32, #tpu.memory_space<vmem>>
      %dma_start3A_64 = arith.constant 0 : i32
      %dma_start3A_65 = tpu.memref_slice %arg2[%squeeze3A, %dma_start3A_64] : memref<100000x64xf32, #tpu.memory_space<hbm>> -> memref<1x64xf32, #tpu.memory_space<hbm>>
      %dma_start3A_66 = arith.constant 0 : i32
      %dma_start3A_67 = tpu.memref_slice %arg6[%add3A_61, %dma_start3A_66] : memref<512x64xf32, #tpu.memory_space<vmem>> -> memref<1x64xf32, #tpu.memory_space<vmem>>
      %dma_start3A_68 = arith.constant 0 : i32
      %dma_start3A_69 = tpu.memref_slice %arg2[%squeeze3A, %dma_start3A_68] : memref<100000x64xf32, #tpu.memory_space<hbm>> -> memref<1x64xf32, #tpu.memory_space<hbm>>
      tpu.enqueue_dma source(%dma_start3A_69 : memref<1x64xf32, #tpu.memory_space<hbm>>) target(%dma_start3A_67 : memref<1x64xf32, #tpu.memory_space<vmem>>) target_semaphore(%arg7 : memref<!tpu.dma_semaphore, #tpu.memory_space<semaphore_mem>>)
      %slice3A_70 = vector.extract_strided_slice %get3A_59 {offsets = [1], sizes = [1], strides = [1]} : vector<16xi32> to vector<1xi32>
      %squeeze3A_71 = vector.extract %slice3A_70[0] : i32 from vector<1xi32>
      %add3A_72 = arith.constant 1 : i32
      %add3A_73 = arith.addi %add3A_57, %add3A_72 : i32
      %dma_start3A_74 = arith.constant 0 : i32
      %dma_start3A_75 = tpu.memref_slice %arg6[%add3A_73, %dma_start3A_74] : memref<512x64xf32, #tpu.memory_space<vmem>> -> memref<1x64xf32, #tpu.memory_space<vmem>>
      %dma_start3A_76 = arith.constant 0 : i32
      %dma_start3A_77 = tpu.memref_slice %arg2[%squeeze3A_71, %dma_start3A_76] : memref<100000x64xf32, #tpu.memory_space<hbm>> -> memref<1x64xf32, #tpu.memory_space<hbm>>
      %dma_start3A_78 = arith.constant 0 : i32
      %dma_start3A_79 = tpu.memref_slice %arg6[%add3A_73, %dma_start3A_78] : memref<512x64xf32, #tpu.memory_space<vmem>> -> memref<1x64xf32, #tpu.memory_space<vmem>>
      %dma_start3A_80 = arith.constant 0 : i32
      %dma_start3A_81 = tpu.memref_slice %arg2[%squeeze3A_71, %dma_start3A_80] : memref<100000x64xf32, #tpu.memory_space<hbm>> -> memref<1x64xf32, #tpu.memory_space<hbm>>
      tpu.enqueue_dma source(%dma_start3A_81 : memref<1x64xf32, #tpu.memory_space<hbm>>) target(%dma_start3A_79 : memref<1x64xf32, #tpu.memory_space<vmem>>) target_semaphore(%arg7 : memref<!tpu.dma_semaphore, #tpu.memory_space<semaphore_mem>>)
      %slice3A_82 = vector.extract_strided_slice %get3A_59 {offsets = [2], sizes = [1], strides = [1]} : vector<16xi32> to vector<1xi32>
      %squeeze3A_83 = vector.extract %slice3A_82[0] : i32 from vector<1xi32>
      %add3A_84 = arith.constant 2 : i32
      %add3A_85 = arith.addi %add3A_57, %add3A_84 : i32
      %dma_start3A_86 = arith.constant 0 : i32
      %dma_start3A_87 = tpu.memref_slice %arg6[%add3A_85, %dma_start3A_86] : memref<512x64xf32, #tpu.memory_space<vmem>> -> memref<1x64xf32, #tpu.memory_space<vmem>>
      %dma_start3A_88 = arith.constant 0 : i32
      %dma_start3A_89 = tpu.memref_slice %arg2[%squeeze3A_83, %dma_start3A_88] : memref<100000x64xf32, #tpu.memory_space<hbm>> -> memref<1x64xf32, #tpu.memory_space<hbm>>
      %dma_start3A_90 = arith.constant 0 : i32
      %dma_start3A_91 = tpu.memref_slice %arg6[%add3A_85, %dma_start3A_90] : memref<512x64xf32, #tpu.memory_space<vmem>> -> memref<1x64xf32, #tpu.memory_space<vmem>>
      %dma_start3A_92 = arith.constant 0 : i32
      %dma_start3A_93 = tpu.memref_slice %arg2[%squeeze3A_83, %dma_start3A_92] : memref<100000x64xf32, #tpu.memory_space<hbm>> -> memref<1x64xf32, #tpu.memory_space<hbm>>
      tpu.enqueue_dma source(%dma_start3A_93 : memref<1x64xf32, #tpu.memory_space<hbm>>) target(%dma_start3A_91 : memref<1x64xf32, #tpu.memory_space<vmem>>) target_semaphore(%arg7 : memref<!tpu.dma_semaphore, #tpu.memory_space<semaphore_mem>>)
      %slice3A_94 = vector.extract_strided_slice %get3A_59 {offsets = [3], sizes = [1], strides = [1]} : vector<16xi32> to vector<1xi32>
      %squeeze3A_95 = vector.extract %slice3A_94[0] : i32 from vector<1xi32>
      %add3A_96 = arith.constant 3 : i32
      %add3A_97 = arith.addi %add3A_57, %add3A_96 : i32
      %dma_start3A_98 = arith.constant 0 : i32
      %dma_start3A_99 = tpu.memref_slice %arg6[%add3A_97, %dma_start3A_98] : memref<512x64xf32, #tpu.memory_space<vmem>> -> memref<1x64xf32, #tpu.memory_space<vmem>>
      %dma_start3A_100 = arith.constant 0 : i32
      %dma_start3A_101 = tpu.memref_slice %arg2[%squeeze3A_95, %dma_start3A_100] : memref<100000x64xf32, #tpu.memory_space<hbm>> -> memref<1x64xf32, #tpu.memory_space<hbm>>
      %dma_start3A_102 = arith.constant 0 : i32
      %dma_start3A_103 = tpu.memref_slice %arg6[%add3A_97, %dma_start3A_102] : memref<512x64xf32, #tpu.memory_space<vmem>> -> memref<1x64xf32, #tpu.memory_space<vmem>>
      %dma_start3A_104 = arith.constant 0 : i32
      %dma_start3A_105 = tpu.memref_slice %arg2[%squeeze3A_95, %dma_start3A_104] : memref<100000x64xf32, #tpu.memory_space<hbm>> -> memref<1x64xf32, #tpu.memory_space<hbm>>
      tpu.enqueue_dma source(%dma_start3A_105 : memref<1x64xf32, #tpu.memory_space<hbm>>) target(%dma_start3A_103 : memref<1x64xf32, #tpu.memory_space<vmem>>) target_semaphore(%arg7 : memref<!tpu.dma_semaphore, #tpu.memory_space<semaphore_mem>>)
      %slice3A_106 = vector.extract_strided_slice %get3A_59 {offsets = [4], sizes = [1], strides = [1]} : vector<16xi32> to vector<1xi32>
      %squeeze3A_107 = vector.extract %slice3A_106[0] : i32 from vector<1xi32>
      %add3A_108 = arith.constant 4 : i32
      %add3A_109 = arith.addi %add3A_57, %add3A_108 : i32
      %dma_start3A_110 = arith.constant 0 : i32
      %dma_start3A_111 = tpu.memref_slice %arg6[%add3A_109, %dma_start3A_110] : memref<512x64xf32, #tpu.memory_space<vmem>> -> memref<1x64xf32, #tpu.memory_space<vmem>>
      %dma_start3A_112 = arith.constant 0 : i32
      %dma_start3A_113 = tpu.memref_slice %arg2[%squeeze3A_107, %dma_start3A_112] : memref<100000x64xf32, #tpu.memory_space<hbm>> -> memref<1x64xf32, #tpu.memory_space<hbm>>
      %dma_start3A_114 = arith.constant 0 : i32
      %dma_start3A_115 = tpu.memref_slice %arg6[%add3A_109, %dma_start3A_114] : memref<512x64xf32, #tpu.memory_space<vmem>> -> memref<1x64xf32, #tpu.memory_space<vmem>>
      %dma_start3A_116 = arith.constant 0 : i32
      %dma_start3A_117 = tpu.memref_slice %arg2[%squeeze3A_107, %dma_start3A_116] : memref<100000x64xf32, #tpu.memory_space<hbm>> -> memref<1x64xf32, #tpu.memory_space<hbm>>
      tpu.enqueue_dma source(%dma_start3A_117 : memref<1x64xf32, #tpu.memory_space<hbm>>) target(%dma_start3A_115 : memref<1x64xf32, #tpu.memory_space<vmem>>) target_semaphore(%arg7 : memref<!tpu.dma_semaphore, #tpu.memory_space<semaphore_mem>>)
      %slice3A_118 = vector.extract_strided_slice %get3A_59 {offsets = [5], sizes = [1], strides = [1]} : vector<16xi32> to vector<1xi32>
      %squeeze3A_119 = vector.extract %slice3A_118[0] : i32 from vector<1xi32>
      %add3A_120 = arith.constant 5 : i32
      %add3A_121 = arith.addi %add3A_57, %add3A_120 : i32
      %dma_start3A_122 = arith.constant 0 : i32
      %dma_start3A_123 = tpu.memref_slice %arg6[%add3A_121, %dma_start3A_122] : memref<512x64xf32, #tpu.memory_space<vmem>> -> memref<1x64xf32, #tpu.memory_space<vmem>>
      %dma_start3A_124 = arith.constant 0 : i32
      %dma_start3A_125 = tpu.memref_slice %arg2[%squeeze3A_119, %dma_start3A_124] : memref<100000x64xf32, #tpu.memory_space<hbm>> -> memref<1x64xf32, #tpu.memory_space<hbm>>
      %dma_start3A_126 = arith.constant 0 : i32
      %dma_start3A_127 = tpu.memref_slice %arg6[%add3A_121, %dma_start3A_126] : memref<512x64xf32, #tpu.memory_space<vmem>> -> memref<1x64xf32, #tpu.memory_space<vmem>>
      %dma_start3A_128 = arith.constant 0 : i32
      %dma_start3A_129 = tpu.memref_slice %arg2[%squeeze3A_119, %dma_start3A_128] : memref<100000x64xf32, #tpu.memory_space<hbm>> -> memref<1x64xf32, #tpu.memory_space<hbm>>
      tpu.enqueue_dma source(%dma_start3A_129 : memref<1x64xf32, #tpu.memory_space<hbm>>) target(%dma_start3A_127 : memref<1x64xf32, #tpu.memory_space<vmem>>) target_semaphore(%arg7 : memref<!tpu.dma_semaphore, #tpu.memory_space<semaphore_mem>>)
      %slice3A_130 = vector.extract_strided_slice %get3A_59 {offsets = [6], sizes = [1], strides = [1]} : vector<16xi32> to vector<1xi32>
      %squeeze3A_131 = vector.extract %slice3A_130[0] : i32 from vector<1xi32>
      %add3A_132 = arith.constant 6 : i32
      %add3A_133 = arith.addi %add3A_57, %add3A_132 : i32
      %dma_start3A_134 = arith.constant 0 : i32
      %dma_start3A_135 = tpu.memref_slice %arg6[%add3A_133, %dma_start3A_134] : memref<512x64xf32, #tpu.memory_space<vmem>> -> memref<1x64xf32, #tpu.memory_space<vmem>>
      %dma_start3A_136 = arith.constant 0 : i32
      %dma_start3A_137 = tpu.memref_slice %arg2[%squeeze3A_131, %dma_start3A_136] : memref<100000x64xf32, #tpu.memory_space<hbm>> -> memref<1x64xf32, #tpu.memory_space<hbm>>
      %dma_start3A_138 = arith.constant 0 : i32
      %dma_start3A_139 = tpu.memref_slice %arg6[%add3A_133, %dma_start3A_138] : memref<512x64xf32, #tpu.memory_space<vmem>> -> memref<1x64xf32, #tpu.memory_space<vmem>>
      %dma_start3A_140 = arith.constant 0 : i32
      %dma_start3A_141 = tpu.memref_slice %arg2[%squeeze3A_131, %dma_start3A_140] : memref<100000x64xf32, #tpu.memory_space<hbm>> -> memref<1x64xf32, #tpu.memory_space<hbm>>
      tpu.enqueue_dma source(%dma_start3A_141 : memref<1x64xf32, #tpu.memory_space<hbm>>) target(%dma_start3A_139 : memref<1x64xf32, #tpu.memory_space<vmem>>) target_semaphore(%arg7 : memref<!tpu.dma_semaphore, #tpu.memory_space<semaphore_mem>>)
      %slice3A_142 = vector.extract_strided_slice %get3A_59 {offsets = [7], sizes = [1], strides = [1]} : vector<16xi32> to vector<1xi32>
      %squeeze3A_143 = vector.extract %slice3A_142[0] : i32 from vector<1xi32>
      %add3A_144 = arith.constant 7 : i32
      %add3A_145 = arith.addi %add3A_57, %add3A_144 : i32
      %dma_start3A_146 = arith.constant 0 : i32
      %dma_start3A_147 = tpu.memref_slice %arg6[%add3A_145, %dma_start3A_146] : memref<512x64xf32, #tpu.memory_space<vmem>> -> memref<1x64xf32, #tpu.memory_space<vmem>>
      %dma_start3A_148 = arith.constant 0 : i32
      %dma_start3A_149 = tpu.memref_slice %arg2[%squeeze3A_143, %dma_start3A_148] : memref<100000x64xf32, #tpu.memory_space<hbm>> -> memref<1x64xf32, #tpu.memory_space<hbm>>
      %dma_start3A_150 = arith.constant 0 : i32
      %dma_start3A_151 = tpu.memref_slice %arg6[%add3A_145, %dma_start3A_150] : memref<512x64xf32, #tpu.memory_space<vmem>> -> memref<1x64xf32, #tpu.memory_space<vmem>>
      %dma_start3A_152 = arith.constant 0 : i32
      %dma_start3A_153 = tpu.memref_slice %arg2[%squeeze3A_143, %dma_start3A_152] : memref<100000x64xf32, #tpu.memory_space<hbm>> -> memref<1x64xf32, #tpu.memory_space<hbm>>
      tpu.enqueue_dma source(%dma_start3A_153 : memref<1x64xf32, #tpu.memory_space<hbm>>) target(%dma_start3A_151 : memref<1x64xf32, #tpu.memory_space<vmem>>) target_semaphore(%arg7 : memref<!tpu.dma_semaphore, #tpu.memory_space<semaphore_mem>>)
      %slice3A_154 = vector.extract_strided_slice %get3A_59 {offsets = [8], sizes = [1], strides = [1]} : vector<16xi32> to vector<1xi32>
      %squeeze3A_155 = vector.extract %slice3A_154[0] : i32 from vector<1xi32>
      %add3A_156 = arith.constant 8 : i32
      %add3A_157 = arith.addi %add3A_57, %add3A_156 : i32
      %dma_start3A_158 = arith.constant 0 : i32
      %dma_start3A_159 = tpu.memref_slice %arg6[%add3A_157, %dma_start3A_158] : memref<512x64xf32, #tpu.memory_space<vmem>> -> memref<1x64xf32, #tpu.memory_space<vmem>>
      %dma_start3A_160 = arith.constant 0 : i32
      %dma_start3A_161 = tpu.memref_slice %arg2[%squeeze3A_155, %dma_start3A_160] : memref<100000x64xf32, #tpu.memory_space<hbm>> -> memref<1x64xf32, #tpu.memory_space<hbm>>
      %dma_start3A_162 = arith.constant 0 : i32
      %dma_start3A_163 = tpu.memref_slice %arg6[%add3A_157, %dma_start3A_162] : memref<512x64xf32, #tpu.memory_space<vmem>> -> memref<1x64xf32, #tpu.memory_space<vmem>>
      %dma_start3A_164 = arith.constant 0 : i32
      %dma_start3A_165 = tpu.memref_slice %arg2[%squeeze3A_155, %dma_start3A_164] : memref<100000x64xf32, #tpu.memory_space<hbm>> -> memref<1x64xf32, #tpu.memory_space<hbm>>
      tpu.enqueue_dma source(%dma_start3A_165 : memref<1x64xf32, #tpu.memory_space<hbm>>) target(%dma_start3A_163 : memref<1x64xf32, #tpu.memory_space<vmem>>) target_semaphore(%arg7 : memref<!tpu.dma_semaphore, #tpu.memory_space<semaphore_mem>>)
      %slice3A_166 = vector.extract_strided_slice %get3A_59 {offsets = [9], sizes = [1], strides = [1]} : vector<16xi32> to vector<1xi32>
      %squeeze3A_167 = vector.extract %slice3A_166[0] : i32 from vector<1xi32>
      %add3A_168 = arith.constant 9 : i32
      %add3A_169 = arith.addi %add3A_57, %add3A_168 : i32
      %dma_start3A_170 = arith.constant 0 : i32
      %dma_start3A_171 = tpu.memref_slice %arg6[%add3A_169, %dma_start3A_170] : memref<512x64xf32, #tpu.memory_space<vmem>> -> memref<1x64xf32, #tpu.memory_space<vmem>>
      %dma_start3A_172 = arith.constant 0 : i32
      %dma_start3A_173 = tpu.memref_slice %arg2[%squeeze3A_167, %dma_start3A_172] : memref<100000x64xf32, #tpu.memory_space<hbm>> -> memref<1x64xf32, #tpu.memory_space<hbm>>
      %dma_start3A_174 = arith.constant 0 : i32
      %dma_start3A_175 = tpu.memref_slice %arg6[%add3A_169, %dma_start3A_174] : memref<512x64xf32, #tpu.memory_space<vmem>> -> memref<1x64xf32, #tpu.memory_space<vmem>>
      %dma_start3A_176 = arith.constant 0 : i32
      %dma_start3A_177 = tpu.memref_slice %arg2[%squeeze3A_167, %dma_start3A_176] : memref<100000x64xf32, #tpu.memory_space<hbm>> -> memref<1x64xf32, #tpu.memory_space<hbm>>
      tpu.enqueue_dma source(%dma_start3A_177 : memref<1x64xf32, #tpu.memory_space<hbm>>) target(%dma_start3A_175 : memref<1x64xf32, #tpu.memory_space<vmem>>) target_semaphore(%arg7 : memref<!tpu.dma_semaphore, #tpu.memory_space<semaphore_mem>>)
      %slice3A_178 = vector.extract_strided_slice %get3A_59 {offsets = [10], sizes = [1], strides = [1]} : vector<16xi32> to vector<1xi32>
      %squeeze3A_179 = vector.extract %slice3A_178[0] : i32 from vector<1xi32>
      %add3A_180 = arith.constant 10 : i32
      %add3A_181 = arith.addi %add3A_57, %add3A_180 : i32
      %dma_start3A_182 = arith.constant 0 : i32
      %dma_start3A_183 = tpu.memref_slice %arg6[%add3A_181, %dma_start3A_182] : memref<512x64xf32, #tpu.memory_space<vmem>> -> memref<1x64xf32, #tpu.memory_space<vmem>>
      %dma_start3A_184 = arith.constant 0 : i32
      %dma_start3A_185 = tpu.memref_slice %arg2[%squeeze3A_179, %dma_start3A_184] : memref<100000x64xf32, #tpu.memory_space<hbm>> -> memref<1x64xf32, #tpu.memory_space<hbm>>
      %dma_start3A_186 = arith.constant 0 : i32
      %dma_start3A_187 = tpu.memref_slice %arg6[%add3A_181, %dma_start3A_186] : memref<512x64xf32, #tpu.memory_space<vmem>> -> memref<1x64xf32, #tpu.memory_space<vmem>>
      %dma_start3A_188 = arith.constant 0 : i32
      %dma_start3A_189 = tpu.memref_slice %arg2[%squeeze3A_179, %dma_start3A_188] : memref<100000x64xf32, #tpu.memory_space<hbm>> -> memref<1x64xf32, #tpu.memory_space<hbm>>
      tpu.enqueue_dma source(%dma_start3A_189 : memref<1x64xf32, #tpu.memory_space<hbm>>) target(%dma_start3A_187 : memref<1x64xf32, #tpu.memory_space<vmem>>) target_semaphore(%arg7 : memref<!tpu.dma_semaphore, #tpu.memory_space<semaphore_mem>>)
      %slice3A_190 = vector.extract_strided_slice %get3A_59 {offsets = [11], sizes = [1], strides = [1]} : vector<16xi32> to vector<1xi32>
      %squeeze3A_191 = vector.extract %slice3A_190[0] : i32 from vector<1xi32>
      %add3A_192 = arith.constant 11 : i32
      %add3A_193 = arith.addi %add3A_57, %add3A_192 : i32
      %dma_start3A_194 = arith.constant 0 : i32
      %dma_start3A_195 = tpu.memref_slice %arg6[%add3A_193, %dma_start3A_194] : memref<512x64xf32, #tpu.memory_space<vmem>> -> memref<1x64xf32, #tpu.memory_space<vmem>>
      %dma_start3A_196 = arith.constant 0 : i32
      %dma_start3A_197 = tpu.memref_slice %arg2[%squeeze3A_191, %dma_start3A_196] : memref<100000x64xf32, #tpu.memory_space<hbm>> -> memref<1x64xf32, #tpu.memory_space<hbm>>
      %dma_start3A_198 = arith.constant 0 : i32
      %dma_start3A_199 = tpu.memref_slice %arg6[%add3A_193, %dma_start3A_198] : memref<512x64xf32, #tpu.memory_space<vmem>> -> memref<1x64xf32, #tpu.memory_space<vmem>>
      %dma_start3A_200 = arith.constant 0 : i32
      %dma_start3A_201 = tpu.memref_slice %arg2[%squeeze3A_191, %dma_start3A_200] : memref<100000x64xf32, #tpu.memory_space<hbm>> -> memref<1x64xf32, #tpu.memory_space<hbm>>
      tpu.enqueue_dma source(%dma_start3A_201 : memref<1x64xf32, #tpu.memory_space<hbm>>) target(%dma_start3A_199 : memref<1x64xf32, #tpu.memory_space<vmem>>) target_semaphore(%arg7 : memref<!tpu.dma_semaphore, #tpu.memory_space<semaphore_mem>>)
      %slice3A_202 = vector.extract_strided_slice %get3A_59 {offsets = [12], sizes = [1], strides = [1]} : vector<16xi32> to vector<1xi32>
      %squeeze3A_203 = vector.extract %slice3A_202[0] : i32 from vector<1xi32>
      %add3A_204 = arith.constant 12 : i32
      %add3A_205 = arith.addi %add3A_57, %add3A_204 : i32
      %dma_start3A_206 = arith.constant 0 : i32
      %dma_start3A_207 = tpu.memref_slice %arg6[%add3A_205, %dma_start3A_206] : memref<512x64xf32, #tpu.memory_space<vmem>> -> memref<1x64xf32, #tpu.memory_space<vmem>>
      %dma_start3A_208 = arith.constant 0 : i32
      %dma_start3A_209 = tpu.memref_slice %arg2[%squeeze3A_203, %dma_start3A_208] : memref<100000x64xf32, #tpu.memory_space<hbm>> -> memref<1x64xf32, #tpu.memory_space<hbm>>
      %dma_start3A_210 = arith.constant 0 : i32
      %dma_start3A_211 = tpu.memref_slice %arg6[%add3A_205, %dma_start3A_210] : memref<512x64xf32, #tpu.memory_space<vmem>> -> memref<1x64xf32, #tpu.memory_space<vmem>>
      %dma_start3A_212 = arith.constant 0 : i32
      %dma_start3A_213 = tpu.memref_slice %arg2[%squeeze3A_203, %dma_start3A_212] : memref<100000x64xf32, #tpu.memory_space<hbm>> -> memref<1x64xf32, #tpu.memory_space<hbm>>
      tpu.enqueue_dma source(%dma_start3A_213 : memref<1x64xf32, #tpu.memory_space<hbm>>) target(%dma_start3A_211 : memref<1x64xf32, #tpu.memory_space<vmem>>) target_semaphore(%arg7 : memref<!tpu.dma_semaphore, #tpu.memory_space<semaphore_mem>>)
      %slice3A_214 = vector.extract_strided_slice %get3A_59 {offsets = [13], sizes = [1], strides = [1]} : vector<16xi32> to vector<1xi32>
      %squeeze3A_215 = vector.extract %slice3A_214[0] : i32 from vector<1xi32>
      %add3A_216 = arith.constant 13 : i32
      %add3A_217 = arith.addi %add3A_57, %add3A_216 : i32
      %dma_start3A_218 = arith.constant 0 : i32
      %dma_start3A_219 = tpu.memref_slice %arg6[%add3A_217, %dma_start3A_218] : memref<512x64xf32, #tpu.memory_space<vmem>> -> memref<1x64xf32, #tpu.memory_space<vmem>>
      %dma_start3A_220 = arith.constant 0 : i32
      %dma_start3A_221 = tpu.memref_slice %arg2[%squeeze3A_215, %dma_start3A_220] : memref<100000x64xf32, #tpu.memory_space<hbm>> -> memref<1x64xf32, #tpu.memory_space<hbm>>
      %dma_start3A_222 = arith.constant 0 : i32
      %dma_start3A_223 = tpu.memref_slice %arg6[%add3A_217, %dma_start3A_222] : memref<512x64xf32, #tpu.memory_space<vmem>> -> memref<1x64xf32, #tpu.memory_space<vmem>>
      %dma_start3A_224 = arith.constant 0 : i32
      %dma_start3A_225 = tpu.memref_slice %arg2[%squeeze3A_215, %dma_start3A_224] : memref<100000x64xf32, #tpu.memory_space<hbm>> -> memref<1x64xf32, #tpu.memory_space<hbm>>
      tpu.enqueue_dma source(%dma_start3A_225 : memref<1x64xf32, #tpu.memory_space<hbm>>) target(%dma_start3A_223 : memref<1x64xf32, #tpu.memory_space<vmem>>) target_semaphore(%arg7 : memref<!tpu.dma_semaphore, #tpu.memory_space<semaphore_mem>>)
      %slice3A_226 = vector.extract_strided_slice %get3A_59 {offsets = [14], sizes = [1], strides = [1]} : vector<16xi32> to vector<1xi32>
      %squeeze3A_227 = vector.extract %slice3A_226[0] : i32 from vector<1xi32>
      %add3A_228 = arith.constant 14 : i32
      %add3A_229 = arith.addi %add3A_57, %add3A_228 : i32
      %dma_start3A_230 = arith.constant 0 : i32
      %dma_start3A_231 = tpu.memref_slice %arg6[%add3A_229, %dma_start3A_230] : memref<512x64xf32, #tpu.memory_space<vmem>> -> memref<1x64xf32, #tpu.memory_space<vmem>>
      %dma_start3A_232 = arith.constant 0 : i32
      %dma_start3A_233 = tpu.memref_slice %arg2[%squeeze3A_227, %dma_start3A_232] : memref<100000x64xf32, #tpu.memory_space<hbm>> -> memref<1x64xf32, #tpu.memory_space<hbm>>
      %dma_start3A_234 = arith.constant 0 : i32
      %dma_start3A_235 = tpu.memref_slice %arg6[%add3A_229, %dma_start3A_234] : memref<512x64xf32, #tpu.memory_space<vmem>> -> memref<1x64xf32, #tpu.memory_space<vmem>>
      %dma_start3A_236 = arith.constant 0 : i32
      %dma_start3A_237 = tpu.memref_slice %arg2[%squeeze3A_227, %dma_start3A_236] : memref<100000x64xf32, #tpu.memory_space<hbm>> -> memref<1x64xf32, #tpu.memory_space<hbm>>
      tpu.enqueue_dma source(%dma_start3A_237 : memref<1x64xf32, #tpu.memory_space<hbm>>) target(%dma_start3A_235 : memref<1x64xf32, #tpu.memory_space<vmem>>) target_semaphore(%arg7 : memref<!tpu.dma_semaphore, #tpu.memory_space<semaphore_mem>>)
      %slice3A_238 = vector.extract_strided_slice %get3A_59 {offsets = [15], sizes = [1], strides = [1]} : vector<16xi32> to vector<1xi32>
      %squeeze3A_239 = vector.extract %slice3A_238[0] : i32 from vector<1xi32>
      %add3A_240 = arith.constant 15 : i32
      %add3A_241 = arith.addi %add3A_57, %add3A_240 : i32
      %dma_start3A_242 = arith.constant 0 : i32
      %dma_start3A_243 = tpu.memref_slice %arg6[%add3A_241, %dma_start3A_242] : memref<512x64xf32, #tpu.memory_space<vmem>> -> memref<1x64xf32, #tpu.memory_space<vmem>>
      %dma_start3A_244 = arith.constant 0 : i32
      %dma_start3A_245 = tpu.memref_slice %arg2[%squeeze3A_239, %dma_start3A_244] : memref<100000x64xf32, #tpu.memory_space<hbm>> -> memref<1x64xf32, #tpu.memory_space<hbm>>
      %dma_start3A_246 = arith.constant 0 : i32
      %dma_start3A_247 = tpu.memref_slice %arg6[%add3A_241, %dma_start3A_246] : memref<512x64xf32, #tpu.memory_space<vmem>> -> memref<1x64xf32, #tpu.memory_space<vmem>>
      %dma_start3A_248 = arith.constant 0 : i32
      %dma_start3A_249 = tpu.memref_slice %arg2[%squeeze3A_239, %dma_start3A_248] : memref<100000x64xf32, #tpu.memory_space<hbm>> -> memref<1x64xf32, #tpu.memory_space<hbm>>
      tpu.enqueue_dma source(%dma_start3A_249 : memref<1x64xf32, #tpu.memory_space<hbm>>) target(%dma_start3A_247 : memref<1x64xf32, #tpu.memory_space<vmem>>) target_semaphore(%arg7 : memref<!tpu.dma_semaphore, #tpu.memory_space<semaphore_mem>>)
    }
    %scan3A_8 = arith.constant 16 : i32
    %scan3A_9 = arith.constant 0 : i32
    %scan3A_10 = arith.constant 16 : i32
    %scan3A_11 = arith.addi %scan3A_9, %scan3A_10 : i32
    %scan3A_12 = arith.constant 1 : i32
    scf.for %scan3A_53 = %scan3A_9 to %scan3A_11 step %scan3A_12  : i32 {
      %mul3A_54 = arith.constant 16 : i32
      %mul3A_55 = arith.muli %scan3A_53, %mul3A_54 : i32
      %add3A_56 = arith.constant 256 : i32
      %add3A_57 = arith.addi %add3A_56, %mul3A_55 : i32
      %get3A = arith.index_cast %add3A_57 : i32 to index
      %get3A_58 = tpu.vector_load %arg5[%get3A] {strides = array<i32>} : memref<512xi32, #tpu.memory_space<vmem>>, vector<16xi32>,
      %get3A_59 = vector.shape_cast %get3A_58 : vector<16xi32> to vector<16xi32>
      %slice3A = vector.extract_strided_slice %get3A_59 {offsets = [0], sizes = [1], strides = [1]} : vector<16xi32> to vector<1xi32>
      %squeeze3A = vector.extract %slice3A[0] : i32 from vector<1xi32>
      %add3A_60 = arith.constant 0 : i32
      %add3A_61 = arith.addi %add3A_57, %add3A_60 : i32
      %dma_start3A_62 = arith.constant 0 : i32
      %dma_start3A_63 = tpu.memref_slice %arg6[%add3A_61, %dma_start3A_62] : memref<512x64xf32, #tpu.memory_space<vmem>> -> memref<1x64xf32, #tpu.memory_space<vmem>>
      %dma_start3A_64 = arith.constant 0 : i32
      %dma_start3A_65 = tpu.memref_slice %arg2[%squeeze3A, %dma_start3A_64] : memref<100000x64xf32, #tpu.memory_space<hbm>> -> memref<1x64xf32, #tpu.memory_space<hbm>>
      %dma_start3A_66 = arith.constant 0 : i32
      %dma_start3A_67 = tpu.memref_slice %arg6[%add3A_61, %dma_start3A_66] : memref<512x64xf32, #tpu.memory_space<vmem>> -> memref<1x64xf32, #tpu.memory_space<vmem>>
      %dma_start3A_68 = arith.constant 0 : i32
      %dma_start3A_69 = tpu.memref_slice %arg2[%squeeze3A, %dma_start3A_68] : memref<100000x64xf32, #tpu.memory_space<hbm>> -> memref<1x64xf32, #tpu.memory_space<hbm>>
      tpu.enqueue_dma source(%dma_start3A_69 : memref<1x64xf32, #tpu.memory_space<hbm>>) target(%dma_start3A_67 : memref<1x64xf32, #tpu.memory_space<vmem>>) target_semaphore(%arg8 : memref<!tpu.dma_semaphore, #tpu.memory_space<semaphore_mem>>)
      %slice3A_70 = vector.extract_strided_slice %get3A_59 {offsets = [1], sizes = [1], strides = [1]} : vector<16xi32> to vector<1xi32>
      %squeeze3A_71 = vector.extract %slice3A_70[0] : i32 from vector<1xi32>
      %add3A_72 = arith.constant 1 : i32
      %add3A_73 = arith.addi %add3A_57, %add3A_72 : i32
      %dma_start3A_74 = arith.constant 0 : i32
      %dma_start3A_75 = tpu.memref_slice %arg6[%add3A_73, %dma_start3A_74] : memref<512x64xf32, #tpu.memory_space<vmem>> -> memref<1x64xf32, #tpu.memory_space<vmem>>
      %dma_start3A_76 = arith.constant 0 : i32
      %dma_start3A_77 = tpu.memref_slice %arg2[%squeeze3A_71, %dma_start3A_76] : memref<100000x64xf32, #tpu.memory_space<hbm>> -> memref<1x64xf32, #tpu.memory_space<hbm>>
      %dma_start3A_78 = arith.constant 0 : i32
      %dma_start3A_79 = tpu.memref_slice %arg6[%add3A_73, %dma_start3A_78] : memref<512x64xf32, #tpu.memory_space<vmem>> -> memref<1x64xf32, #tpu.memory_space<vmem>>
      %dma_start3A_80 = arith.constant 0 : i32
      %dma_start3A_81 = tpu.memref_slice %arg2[%squeeze3A_71, %dma_start3A_80] : memref<100000x64xf32, #tpu.memory_space<hbm>> -> memref<1x64xf32, #tpu.memory_space<hbm>>
      tpu.enqueue_dma source(%dma_start3A_81 : memref<1x64xf32, #tpu.memory_space<hbm>>) target(%dma_start3A_79 : memref<1x64xf32, #tpu.memory_space<vmem>>) target_semaphore(%arg8 : memref<!tpu.dma_semaphore, #tpu.memory_space<semaphore_mem>>)
      %slice3A_82 = vector.extract_strided_slice %get3A_59 {offsets = [2], sizes = [1], strides = [1]} : vector<16xi32> to vector<1xi32>
      %squeeze3A_83 = vector.extract %slice3A_82[0] : i32 from vector<1xi32>
      %add3A_84 = arith.constant 2 : i32
      %add3A_85 = arith.addi %add3A_57, %add3A_84 : i32
      %dma_start3A_86 = arith.constant 0 : i32
      %dma_start3A_87 = tpu.memref_slice %arg6[%add3A_85, %dma_start3A_86] : memref<512x64xf32, #tpu.memory_space<vmem>> -> memref<1x64xf32, #tpu.memory_space<vmem>>
      %dma_start3A_88 = arith.constant 0 : i32
      %dma_start3A_89 = tpu.memref_slice %arg2[%squeeze3A_83, %dma_start3A_88] : memref<100000x64xf32, #tpu.memory_space<hbm>> -> memref<1x64xf32, #tpu.memory_space<hbm>>
      %dma_start3A_90 = arith.constant 0 : i32
      %dma_start3A_91 = tpu.memref_slice %arg6[%add3A_85, %dma_start3A_90] : memref<512x64xf32, #tpu.memory_space<vmem>> -> memref<1x64xf32, #tpu.memory_space<vmem>>
      %dma_start3A_92 = arith.constant 0 : i32
      %dma_start3A_93 = tpu.memref_slice %arg2[%squeeze3A_83, %dma_start3A_92] : memref<100000x64xf32, #tpu.memory_space<hbm>> -> memref<1x64xf32, #tpu.memory_space<hbm>>
      tpu.enqueue_dma source(%dma_start3A_93 : memref<1x64xf32, #tpu.memory_space<hbm>>) target(%dma_start3A_91 : memref<1x64xf32, #tpu.memory_space<vmem>>) target_semaphore(%arg8 : memref<!tpu.dma_semaphore, #tpu.memory_space<semaphore_mem>>)
      %slice3A_94 = vector.extract_strided_slice %get3A_59 {offsets = [3], sizes = [1], strides = [1]} : vector<16xi32> to vector<1xi32>
      %squeeze3A_95 = vector.extract %slice3A_94[0] : i32 from vector<1xi32>
      %add3A_96 = arith.constant 3 : i32
      %add3A_97 = arith.addi %add3A_57, %add3A_96 : i32
      %dma_start3A_98 = arith.constant 0 : i32
      %dma_start3A_99 = tpu.memref_slice %arg6[%add3A_97, %dma_start3A_98] : memref<512x64xf32, #tpu.memory_space<vmem>> -> memref<1x64xf32, #tpu.memory_space<vmem>>
      %dma_start3A_100 = arith.constant 0 : i32
      %dma_start3A_101 = tpu.memref_slice %arg2[%squeeze3A_95, %dma_start3A_100] : memref<100000x64xf32, #tpu.memory_space<hbm>> -> memref<1x64xf32, #tpu.memory_space<hbm>>
      %dma_start3A_102 = arith.constant 0 : i32
      %dma_start3A_103 = tpu.memref_slice %arg6[%add3A_97, %dma_start3A_102] : memref<512x64xf32, #tpu.memory_space<vmem>> -> memref<1x64xf32, #tpu.memory_space<vmem>>
      %dma_start3A_104 = arith.constant 0 : i32
      %dma_start3A_105 = tpu.memref_slice %arg2[%squeeze3A_95, %dma_start3A_104] : memref<100000x64xf32, #tpu.memory_space<hbm>> -> memref<1x64xf32, #tpu.memory_space<hbm>>
      tpu.enqueue_dma source(%dma_start3A_105 : memref<1x64xf32, #tpu.memory_space<hbm>>) target(%dma_start3A_103 : memref<1x64xf32, #tpu.memory_space<vmem>>) target_semaphore(%arg8 : memref<!tpu.dma_semaphore, #tpu.memory_space<semaphore_mem>>)
      %slice3A_106 = vector.extract_strided_slice %get3A_59 {offsets = [4], sizes = [1], strides = [1]} : vector<16xi32> to vector<1xi32>
      %squeeze3A_107 = vector.extract %slice3A_106[0] : i32 from vector<1xi32>
      %add3A_108 = arith.constant 4 : i32
      %add3A_109 = arith.addi %add3A_57, %add3A_108 : i32
      %dma_start3A_110 = arith.constant 0 : i32
      %dma_start3A_111 = tpu.memref_slice %arg6[%add3A_109, %dma_start3A_110] : memref<512x64xf32, #tpu.memory_space<vmem>> -> memref<1x64xf32, #tpu.memory_space<vmem>>
      %dma_start3A_112 = arith.constant 0 : i32
      %dma_start3A_113 = tpu.memref_slice %arg2[%squeeze3A_107, %dma_start3A_112] : memref<100000x64xf32, #tpu.memory_space<hbm>> -> memref<1x64xf32, #tpu.memory_space<hbm>>
      %dma_start3A_114 = arith.constant 0 : i32
      %dma_start3A_115 = tpu.memref_slice %arg6[%add3A_109, %dma_start3A_114] : memref<512x64xf32, #tpu.memory_space<vmem>> -> memref<1x64xf32, #tpu.memory_space<vmem>>
      %dma_start3A_116 = arith.constant 0 : i32
      %dma_start3A_117 = tpu.memref_slice %arg2[%squeeze3A_107, %dma_start3A_116] : memref<100000x64xf32, #tpu.memory_space<hbm>> -> memref<1x64xf32, #tpu.memory_space<hbm>>
      tpu.enqueue_dma source(%dma_start3A_117 : memref<1x64xf32, #tpu.memory_space<hbm>>) target(%dma_start3A_115 : memref<1x64xf32, #tpu.memory_space<vmem>>) target_semaphore(%arg8 : memref<!tpu.dma_semaphore, #tpu.memory_space<semaphore_mem>>)
      %slice3A_118 = vector.extract_strided_slice %get3A_59 {offsets = [5], sizes = [1], strides = [1]} : vector<16xi32> to vector<1xi32>
      %squeeze3A_119 = vector.extract %slice3A_118[0] : i32 from vector<1xi32>
      %add3A_120 = arith.constant 5 : i32
      %add3A_121 = arith.addi %add3A_57, %add3A_120 : i32
      %dma_start3A_122 = arith.constant 0 : i32
      %dma_start3A_123 = tpu.memref_slice %arg6[%add3A_121, %dma_start3A_122] : memref<512x64xf32, #tpu.memory_space<vmem>> -> memref<1x64xf32, #tpu.memory_space<vmem>>
      %dma_start3A_124 = arith.constant 0 : i32
      %dma_start3A_125 = tpu.memref_slice %arg2[%squeeze3A_119, %dma_start3A_124] : memref<100000x64xf32, #tpu.memory_space<hbm>> -> memref<1x64xf32, #tpu.memory_space<hbm>>
      %dma_start3A_126 = arith.constant 0 : i32
      %dma_start3A_127 = tpu.memref_slice %arg6[%add3A_121, %dma_start3A_126] : memref<512x64xf32, #tpu.memory_space<vmem>> -> memref<1x64xf32, #tpu.memory_space<vmem>>
      %dma_start3A_128 = arith.constant 0 : i32
      %dma_start3A_129 = tpu.memref_slice %arg2[%squeeze3A_119, %dma_start3A_128] : memref<100000x64xf32, #tpu.memory_space<hbm>> -> memref<1x64xf32, #tpu.memory_space<hbm>>
      tpu.enqueue_dma source(%dma_start3A_129 : memref<1x64xf32, #tpu.memory_space<hbm>>) target(%dma_start3A_127 : memref<1x64xf32, #tpu.memory_space<vmem>>) target_semaphore(%arg8 : memref<!tpu.dma_semaphore, #tpu.memory_space<semaphore_mem>>)
      %slice3A_130 = vector.extract_strided_slice %get3A_59 {offsets = [6], sizes = [1], strides = [1]} : vector<16xi32> to vector<1xi32>
      %squeeze3A_131 = vector.extract %slice3A_130[0] : i32 from vector<1xi32>
      %add3A_132 = arith.constant 6 : i32
      %add3A_133 = arith.addi %add3A_57, %add3A_132 : i32
      %dma_start3A_134 = arith.constant 0 : i32
      %dma_start3A_135 = tpu.memref_slice %arg6[%add3A_133, %dma_start3A_134] : memref<512x64xf32, #tpu.memory_space<vmem>> -> memref<1x64xf32, #tpu.memory_space<vmem>>
      %dma_start3A_136 = arith.constant 0 : i32
      %dma_start3A_137 = tpu.memref_slice %arg2[%squeeze3A_131, %dma_start3A_136] : memref<100000x64xf32, #tpu.memory_space<hbm>> -> memref<1x64xf32, #tpu.memory_space<hbm>>
      %dma_start3A_138 = arith.constant 0 : i32
      %dma_start3A_139 = tpu.memref_slice %arg6[%add3A_133, %dma_start3A_138] : memref<512x64xf32, #tpu.memory_space<vmem>> -> memref<1x64xf32, #tpu.memory_space<vmem>>
      %dma_start3A_140 = arith.constant 0 : i32
      %dma_start3A_141 = tpu.memref_slice %arg2[%squeeze3A_131, %dma_start3A_140] : memref<100000x64xf32, #tpu.memory_space<hbm>> -> memref<1x64xf32, #tpu.memory_space<hbm>>
      tpu.enqueue_dma source(%dma_start3A_141 : memref<1x64xf32, #tpu.memory_space<hbm>>) target(%dma_start3A_139 : memref<1x64xf32, #tpu.memory_space<vmem>>) target_semaphore(%arg8 : memref<!tpu.dma_semaphore, #tpu.memory_space<semaphore_mem>>)
      %slice3A_142 = vector.extract_strided_slice %get3A_59 {offsets = [7], sizes = [1], strides = [1]} : vector<16xi32> to vector<1xi32>
      %squeeze3A_143 = vector.extract %slice3A_142[0] : i32 from vector<1xi32>
      %add3A_144 = arith.constant 7 : i32
      %add3A_145 = arith.addi %add3A_57, %add3A_144 : i32
      %dma_start3A_146 = arith.constant 0 : i32
      %dma_start3A_147 = tpu.memref_slice %arg6[%add3A_145, %dma_start3A_146] : memref<512x64xf32, #tpu.memory_space<vmem>> -> memref<1x64xf32, #tpu.memory_space<vmem>>
      %dma_start3A_148 = arith.constant 0 : i32
      %dma_start3A_149 = tpu.memref_slice %arg2[%squeeze3A_143, %dma_start3A_148] : memref<100000x64xf32, #tpu.memory_space<hbm>> -> memref<1x64xf32, #tpu.memory_space<hbm>>
      %dma_start3A_150 = arith.constant 0 : i32
      %dma_start3A_151 = tpu.memref_slice %arg6[%add3A_145, %dma_start3A_150] : memref<512x64xf32, #tpu.memory_space<vmem>> -> memref<1x64xf32, #tpu.memory_space<vmem>>
      %dma_start3A_152 = arith.constant 0 : i32
      %dma_start3A_153 = tpu.memref_slice %arg2[%squeeze3A_143, %dma_start3A_152] : memref<100000x64xf32, #tpu.memory_space<hbm>> -> memref<1x64xf32, #tpu.memory_space<hbm>>
      tpu.enqueue_dma source(%dma_start3A_153 : memref<1x64xf32, #tpu.memory_space<hbm>>) target(%dma_start3A_151 : memref<1x64xf32, #tpu.memory_space<vmem>>) target_semaphore(%arg8 : memref<!tpu.dma_semaphore, #tpu.memory_space<semaphore_mem>>)
      %slice3A_154 = vector.extract_strided_slice %get3A_59 {offsets = [8], sizes = [1], strides = [1]} : vector<16xi32> to vector<1xi32>
      %squeeze3A_155 = vector.extract %slice3A_154[0] : i32 from vector<1xi32>
      %add3A_156 = arith.constant 8 : i32
      %add3A_157 = arith.addi %add3A_57, %add3A_156 : i32
      %dma_start3A_158 = arith.constant 0 : i32
      %dma_start3A_159 = tpu.memref_slice %arg6[%add3A_157, %dma_start3A_158] : memref<512x64xf32, #tpu.memory_space<vmem>> -> memref<1x64xf32, #tpu.memory_space<vmem>>
      %dma_start3A_160 = arith.constant 0 : i32
      %dma_start3A_161 = tpu.memref_slice %arg2[%squeeze3A_155, %dma_start3A_160] : memref<100000x64xf32, #tpu.memory_space<hbm>> -> memref<1x64xf32, #tpu.memory_space<hbm>>
      %dma_start3A_162 = arith.constant 0 : i32
      %dma_start3A_163 = tpu.memref_slice %arg6[%add3A_157, %dma_start3A_162] : memref<512x64xf32, #tpu.memory_space<vmem>> -> memref<1x64xf32, #tpu.memory_space<vmem>>
      %dma_start3A_164 = arith.constant 0 : i32
      %dma_start3A_165 = tpu.memref_slice %arg2[%squeeze3A_155, %dma_start3A_164] : memref<100000x64xf32, #tpu.memory_space<hbm>> -> memref<1x64xf32, #tpu.memory_space<hbm>>
      tpu.enqueue_dma source(%dma_start3A_165 : memref<1x64xf32, #tpu.memory_space<hbm>>) target(%dma_start3A_163 : memref<1x64xf32, #tpu.memory_space<vmem>>) target_semaphore(%arg8 : memref<!tpu.dma_semaphore, #tpu.memory_space<semaphore_mem>>)
      %slice3A_166 = vector.extract_strided_slice %get3A_59 {offsets = [9], sizes = [1], strides = [1]} : vector<16xi32> to vector<1xi32>
      %squeeze3A_167 = vector.extract %slice3A_166[0] : i32 from vector<1xi32>
      %add3A_168 = arith.constant 9 : i32
      %add3A_169 = arith.addi %add3A_57, %add3A_168 : i32
      %dma_start3A_170 = arith.constant 0 : i32
      %dma_start3A_171 = tpu.memref_slice %arg6[%add3A_169, %dma_start3A_170] : memref<512x64xf32, #tpu.memory_space<vmem>> -> memref<1x64xf32, #tpu.memory_space<vmem>>
      %dma_start3A_172 = arith.constant 0 : i32
      %dma_start3A_173 = tpu.memref_slice %arg2[%squeeze3A_167, %dma_start3A_172] : memref<100000x64xf32, #tpu.memory_space<hbm>> -> memref<1x64xf32, #tpu.memory_space<hbm>>
      %dma_start3A_174 = arith.constant 0 : i32
      %dma_start3A_175 = tpu.memref_slice %arg6[%add3A_169, %dma_start3A_174] : memref<512x64xf32, #tpu.memory_space<vmem>> -> memref<1x64xf32, #tpu.memory_space<vmem>>
      %dma_start3A_176 = arith.constant 0 : i32
      %dma_start3A_177 = tpu.memref_slice %arg2[%squeeze3A_167, %dma_start3A_176] : memref<100000x64xf32, #tpu.memory_space<hbm>> -> memref<1x64xf32, #tpu.memory_space<hbm>>
      tpu.enqueue_dma source(%dma_start3A_177 : memref<1x64xf32, #tpu.memory_space<hbm>>) target(%dma_start3A_175 : memref<1x64xf32, #tpu.memory_space<vmem>>) target_semaphore(%arg8 : memref<!tpu.dma_semaphore, #tpu.memory_space<semaphore_mem>>)
      %slice3A_178 = vector.extract_strided_slice %get3A_59 {offsets = [10], sizes = [1], strides = [1]} : vector<16xi32> to vector<1xi32>
      %squeeze3A_179 = vector.extract %slice3A_178[0] : i32 from vector<1xi32>
      %add3A_180 = arith.constant 10 : i32
      %add3A_181 = arith.addi %add3A_57, %add3A_180 : i32
      %dma_start3A_182 = arith.constant 0 : i32
      %dma_start3A_183 = tpu.memref_slice %arg6[%add3A_181, %dma_start3A_182] : memref<512x64xf32, #tpu.memory_space<vmem>> -> memref<1x64xf32, #tpu.memory_space<vmem>>
      %dma_start3A_184 = arith.constant 0 : i32
      %dma_start3A_185 = tpu.memref_slice %arg2[%squeeze3A_179, %dma_start3A_184] : memref<100000x64xf32, #tpu.memory_space<hbm>> -> memref<1x64xf32, #tpu.memory_space<hbm>>
      %dma_start3A_186 = arith.constant 0 : i32
      %dma_start3A_187 = tpu.memref_slice %arg6[%add3A_181, %dma_start3A_186] : memref<512x64xf32, #tpu.memory_space<vmem>> -> memref<1x64xf32, #tpu.memory_space<vmem>>
      %dma_start3A_188 = arith.constant 0 : i32
      %dma_start3A_189 = tpu.memref_slice %arg2[%squeeze3A_179, %dma_start3A_188] : memref<100000x64xf32, #tpu.memory_space<hbm>> -> memref<1x64xf32, #tpu.memory_space<hbm>>
      tpu.enqueue_dma source(%dma_start3A_189 : memref<1x64xf32, #tpu.memory_space<hbm>>) target(%dma_start3A_187 : memref<1x64xf32, #tpu.memory_space<vmem>>) target_semaphore(%arg8 : memref<!tpu.dma_semaphore, #tpu.memory_space<semaphore_mem>>)
      %slice3A_190 = vector.extract_strided_slice %get3A_59 {offsets = [11], sizes = [1], strides = [1]} : vector<16xi32> to vector<1xi32>
      %squeeze3A_191 = vector.extract %slice3A_190[0] : i32 from vector<1xi32>
      %add3A_192 = arith.constant 11 : i32
      %add3A_193 = arith.addi %add3A_57, %add3A_192 : i32
      %dma_start3A_194 = arith.constant 0 : i32
      %dma_start3A_195 = tpu.memref_slice %arg6[%add3A_193, %dma_start3A_194] : memref<512x64xf32, #tpu.memory_space<vmem>> -> memref<1x64xf32, #tpu.memory_space<vmem>>
      %dma_start3A_196 = arith.constant 0 : i32
      %dma_start3A_197 = tpu.memref_slice %arg2[%squeeze3A_191, %dma_start3A_196] : memref<100000x64xf32, #tpu.memory_space<hbm>> -> memref<1x64xf32, #tpu.memory_space<hbm>>
      %dma_start3A_198 = arith.constant 0 : i32
      %dma_start3A_199 = tpu.memref_slice %arg6[%add3A_193, %dma_start3A_198] : memref<512x64xf32, #tpu.memory_space<vmem>> -> memref<1x64xf32, #tpu.memory_space<vmem>>
      %dma_start3A_200 = arith.constant 0 : i32
      %dma_start3A_201 = tpu.memref_slice %arg2[%squeeze3A_191, %dma_start3A_200] : memref<100000x64xf32, #tpu.memory_space<hbm>> -> memref<1x64xf32, #tpu.memory_space<hbm>>
      tpu.enqueue_dma source(%dma_start3A_201 : memref<1x64xf32, #tpu.memory_space<hbm>>) target(%dma_start3A_199 : memref<1x64xf32, #tpu.memory_space<vmem>>) target_semaphore(%arg8 : memref<!tpu.dma_semaphore, #tpu.memory_space<semaphore_mem>>)
      %slice3A_202 = vector.extract_strided_slice %get3A_59 {offsets = [12], sizes = [1], strides = [1]} : vector<16xi32> to vector<1xi32>
      %squeeze3A_203 = vector.extract %slice3A_202[0] : i32 from vector<1xi32>
      %add3A_204 = arith.constant 12 : i32
      %add3A_205 = arith.addi %add3A_57, %add3A_204 : i32
      %dma_start3A_206 = arith.constant 0 : i32
      %dma_start3A_207 = tpu.memref_slice %arg6[%add3A_205, %dma_start3A_206] : memref<512x64xf32, #tpu.memory_space<vmem>> -> memref<1x64xf32, #tpu.memory_space<vmem>>
      %dma_start3A_208 = arith.constant 0 : i32
      %dma_start3A_209 = tpu.memref_slice %arg2[%squeeze3A_203, %dma_start3A_208] : memref<100000x64xf32, #tpu.memory_space<hbm>> -> memref<1x64xf32, #tpu.memory_space<hbm>>
      %dma_start3A_210 = arith.constant 0 : i32
      %dma_start3A_211 = tpu.memref_slice %arg6[%add3A_205, %dma_start3A_210] : memref<512x64xf32, #tpu.memory_space<vmem>> -> memref<1x64xf32, #tpu.memory_space<vmem>>
      %dma_start3A_212 = arith.constant 0 : i32
      %dma_start3A_213 = tpu.memref_slice %arg2[%squeeze3A_203, %dma_start3A_212] : memref<100000x64xf32, #tpu.memory_space<hbm>> -> memref<1x64xf32, #tpu.memory_space<hbm>>
      tpu.enqueue_dma source(%dma_start3A_213 : memref<1x64xf32, #tpu.memory_space<hbm>>) target(%dma_start3A_211 : memref<1x64xf32, #tpu.memory_space<vmem>>) target_semaphore(%arg8 : memref<!tpu.dma_semaphore, #tpu.memory_space<semaphore_mem>>)
      %slice3A_214 = vector.extract_strided_slice %get3A_59 {offsets = [13], sizes = [1], strides = [1]} : vector<16xi32> to vector<1xi32>
      %squeeze3A_215 = vector.extract %slice3A_214[0] : i32 from vector<1xi32>
      %add3A_216 = arith.constant 13 : i32
      %add3A_217 = arith.addi %add3A_57, %add3A_216 : i32
      %dma_start3A_218 = arith.constant 0 : i32
      %dma_start3A_219 = tpu.memref_slice %arg6[%add3A_217, %dma_start3A_218] : memref<512x64xf32, #tpu.memory_space<vmem>> -> memref<1x64xf32, #tpu.memory_space<vmem>>
      %dma_start3A_220 = arith.constant 0 : i32
      %dma_start3A_221 = tpu.memref_slice %arg2[%squeeze3A_215, %dma_start3A_220] : memref<100000x64xf32, #tpu.memory_space<hbm>> -> memref<1x64xf32, #tpu.memory_space<hbm>>
      %dma_start3A_222 = arith.constant 0 : i32
      %dma_start3A_223 = tpu.memref_slice %arg6[%add3A_217, %dma_start3A_222] : memref<512x64xf32, #tpu.memory_space<vmem>> -> memref<1x64xf32, #tpu.memory_space<vmem>>
      %dma_start3A_224 = arith.constant 0 : i32
      %dma_start3A_225 = tpu.memref_slice %arg2[%squeeze3A_215, %dma_start3A_224] : memref<100000x64xf32, #tpu.memory_space<hbm>> -> memref<1x64xf32, #tpu.memory_space<hbm>>
      tpu.enqueue_dma source(%dma_start3A_225 : memref<1x64xf32, #tpu.memory_space<hbm>>) target(%dma_start3A_223 : memref<1x64xf32, #tpu.memory_space<vmem>>) target_semaphore(%arg8 : memref<!tpu.dma_semaphore, #tpu.memory_space<semaphore_mem>>)
      %slice3A_226 = vector.extract_strided_slice %get3A_59 {offsets = [14], sizes = [1], strides = [1]} : vector<16xi32> to vector<1xi32>
      %squeeze3A_227 = vector.extract %slice3A_226[0] : i32 from vector<1xi32>
      %add3A_228 = arith.constant 14 : i32
      %add3A_229 = arith.addi %add3A_57, %add3A_228 : i32
      %dma_start3A_230 = arith.constant 0 : i32
      %dma_start3A_231 = tpu.memref_slice %arg6[%add3A_229, %dma_start3A_230] : memref<512x64xf32, #tpu.memory_space<vmem>> -> memref<1x64xf32, #tpu.memory_space<vmem>>
      %dma_start3A_232 = arith.constant 0 : i32
      %dma_start3A_233 = tpu.memref_slice %arg2[%squeeze3A_227, %dma_start3A_232] : memref<100000x64xf32, #tpu.memory_space<hbm>> -> memref<1x64xf32, #tpu.memory_space<hbm>>
      %dma_start3A_234 = arith.constant 0 : i32
      %dma_start3A_235 = tpu.memref_slice %arg6[%add3A_229, %dma_start3A_234] : memref<512x64xf32, #tpu.memory_space<vmem>> -> memref<1x64xf32, #tpu.memory_space<vmem>>
      %dma_start3A_236 = arith.constant 0 : i32
      %dma_start3A_237 = tpu.memref_slice %arg2[%squeeze3A_227, %dma_start3A_236] : memref<100000x64xf32, #tpu.memory_space<hbm>> -> memref<1x64xf32, #tpu.memory_space<hbm>>
      tpu.enqueue_dma source(%dma_start3A_237 : memref<1x64xf32, #tpu.memory_space<hbm>>) target(%dma_start3A_235 : memref<1x64xf32, #tpu.memory_space<vmem>>) target_semaphore(%arg8 : memref<!tpu.dma_semaphore, #tpu.memory_space<semaphore_mem>>)
      %slice3A_238 = vector.extract_strided_slice %get3A_59 {offsets = [15], sizes = [1], strides = [1]} : vector<16xi32> to vector<1xi32>
      %squeeze3A_239 = vector.extract %slice3A_238[0] : i32 from vector<1xi32>
      %add3A_240 = arith.constant 15 : i32
      %add3A_241 = arith.addi %add3A_57, %add3A_240 : i32
      %dma_start3A_242 = arith.constant 0 : i32
      %dma_start3A_243 = tpu.memref_slice %arg6[%add3A_241, %dma_start3A_242] : memref<512x64xf32, #tpu.memory_space<vmem>> -> memref<1x64xf32, #tpu.memory_space<vmem>>
      %dma_start3A_244 = arith.constant 0 : i32
      %dma_start3A_245 = tpu.memref_slice %arg2[%squeeze3A_239, %dma_start3A_244] : memref<100000x64xf32, #tpu.memory_space<hbm>> -> memref<1x64xf32, #tpu.memory_space<hbm>>
      %dma_start3A_246 = arith.constant 0 : i32
      %dma_start3A_247 = tpu.memref_slice %arg6[%add3A_241, %dma_start3A_246] : memref<512x64xf32, #tpu.memory_space<vmem>> -> memref<1x64xf32, #tpu.memory_space<vmem>>
      %dma_start3A_248 = arith.constant 0 : i32
      %dma_start3A_249 = tpu.memref_slice %arg2[%squeeze3A_239, %dma_start3A_248] : memref<100000x64xf32, #tpu.memory_space<hbm>> -> memref<1x64xf32, #tpu.memory_space<hbm>>
      tpu.enqueue_dma source(%dma_start3A_249 : memref<1x64xf32, #tpu.memory_space<hbm>>) target(%dma_start3A_247 : memref<1x64xf32, #tpu.memory_space<vmem>>) target_semaphore(%arg8 : memref<!tpu.dma_semaphore, #tpu.memory_space<semaphore_mem>>)
    }
    %scan3A_13 = arith.constant 16 : i32
    %scan3A_14 = arith.constant 0 : i32
    %scan3A_15 = arith.constant 256 : i32
    %scan3A_16 = arith.addi %scan3A_14, %scan3A_15 : i32
    %scan3A_17 = arith.constant 1 : i32
    scf.for %scan3A_53 = %scan3A_14 to %scan3A_16 step %scan3A_17  : i32 {
      %mul3A_54 = arith.constant 1 : i32
      %mul3A_55 = arith.muli %scan3A_53, %mul3A_54 : i32
      %add3A_56 = arith.constant 0 : i32
      %add3A_57 = arith.addi %add3A_56, %mul3A_55 : i32
      %dma_wait3A_58 = arith.constant 0 : i32
      %dma_wait3A_59 = arith.constant 0 : i32
      %dma_wait3A_60 = tpu.memref_slice %arg6[%dma_wait3A_58, %dma_wait3A_59] : memref<512x64xf32, #tpu.memory_space<vmem>> -> memref<1x64xf32, #tpu.memory_space<vmem>>
      %dma_wait3A_61 = arith.constant 0 : i32
      %dma_wait3A_62 = arith.constant 0 : i32
      %dma_wait3A_63 = tpu.memref_slice %arg2[%dma_wait3A_61, %dma_wait3A_62] : memref<100000x64xf32, #tpu.memory_space<hbm>> -> memref<1x64xf32, #tpu.memory_space<hbm>>
      %dma_wait3A_64 = arith.constant 0 : i32
      %dma_wait3A_65 = arith.constant 0 : i32
      %dma_wait3A_66 = tpu.memref_slice %arg6[%dma_wait3A_64, %dma_wait3A_65] : memref<512x64xf32, #tpu.memory_space<vmem>> -> memref<1x64xf32, #tpu.memory_space<vmem>>
      %dma_wait3A_67 = arith.constant 0 : i32
      %dma_wait3A_68 = arith.constant 0 : i32
      %dma_wait3A_69 = tpu.memref_slice %arg2[%dma_wait3A_67, %dma_wait3A_68] : memref<100000x64xf32, #tpu.memory_space<hbm>> -> memref<1x64xf32, #tpu.memory_space<hbm>>
      tpu.wait_dma2 semaphore(%arg7 : memref<!tpu.dma_semaphore, #tpu.memory_space<semaphore_mem>>) src(%dma_wait3A_69 : memref<1x64xf32, #tpu.memory_space<hbm>>) dst(%dma_wait3A_66 : memref<1x64xf32, #tpu.memory_space<vmem>>)
    }
    %scan3A_18 = arith.constant 256 : i32
    %add3A_19 = arith.constant 0 : i32
    %add3A_20 = arith.addi %mul3A_2, %add3A_19 : i32
    %dma_start3A_21 = arith.constant 0 : i32
    %dma_start3A_22 = arith.constant 0 : i32
    %dma_start3A_23 = tpu.memref_slice %arg6[%dma_start3A_21, %dma_start3A_22] : memref<512x64xf32, #tpu.memory_space<vmem>> -> memref<256x64xf32, #tpu.memory_space<vmem>>
    %dma_start3A_24 = arith.constant 0 : i32
    %dma_start3A_25 = tpu.memref_slice %arg4[%add3A_20, %dma_start3A_24] : memref<16384x64xf32, #tpu.memory_space<hbm>> -> memref<256x64xf32, #tpu.memory_space<hbm>>
    %dma_start3A_26 = arith.constant 0 : i32
    %dma_start3A_27 = tpu.memref_slice %arg4[%add3A_20, %dma_start3A_26] : memref<16384x64xf32, #tpu.memory_space<hbm>> -> memref<256x64xf32, #tpu.memory_space<hbm>>
    %dma_start3A_28 = arith.constant 0 : i32
    %dma_start3A_29 = arith.constant 0 : i32
    %dma_start3A_30 = tpu.memref_slice %arg6[%dma_start3A_28, %dma_start3A_29] : memref<512x64xf32, #tpu.memory_space<vmem>> -> memref<256x64xf32, #tpu.memory_space<vmem>>
    tpu.enqueue_dma source(%dma_start3A_30 : memref<256x64xf32, #tpu.memory_space<vmem>>) target(%dma_start3A_27 : memref<256x64xf32, #tpu.memory_space<hbm>>) target_semaphore(%arg9 : memref<!tpu.dma_semaphore, #tpu.memory_space<semaphore_mem>>)
    %scan3A_31 = arith.constant 0 : i32
    %scan3A_32 = arith.constant 256 : i32
    %scan3A_33 = arith.addi %scan3A_31, %scan3A_32 : i32
    %scan3A_34 = arith.constant 1 : i32
    scf.for %scan3A_53 = %scan3A_31 to %scan3A_33 step %scan3A_34  : i32 {
      %mul3A_54 = arith.constant 1 : i32
      %mul3A_55 = arith.muli %scan3A_53, %mul3A_54 : i32
      %add3A_56 = arith.constant 0 : i32
      %add3A_57 = arith.addi %add3A_56, %mul3A_55 : i32
      %dma_wait3A_58 = arith.constant 0 : i32
      %dma_wait3A_59 = arith.constant 0 : i32
      %dma_wait3A_60 = tpu.memref_slice %arg6[%dma_wait3A_58, %dma_wait3A_59] : memref<512x64xf32, #tpu.memory_space<vmem>> -> memref<1x64xf32, #tpu.memory_space<vmem>>
      %dma_wait3A_61 = arith.constant 0 : i32
      %dma_wait3A_62 = arith.constant 0 : i32
      %dma_wait3A_63 = tpu.memref_slice %arg2[%dma_wait3A_61, %dma_wait3A_62] : memref<100000x64xf32, #tpu.memory_space<hbm>> -> memref<1x64xf32, #tpu.memory_space<hbm>>
      %dma_wait3A_64 = arith.constant 0 : i32
      %dma_wait3A_65 = arith.constant 0 : i32
      %dma_wait3A_66 = tpu.memref_slice %arg6[%dma_wait3A_64, %dma_wait3A_65] : memref<512x64xf32, #tpu.memory_space<vmem>> -> memref<1x64xf32, #tpu.memory_space<vmem>>
      %dma_wait3A_67 = arith.constant 0 : i32
      %dma_wait3A_68 = arith.constant 0 : i32
      %dma_wait3A_69 = tpu.memref_slice %arg2[%dma_wait3A_67, %dma_wait3A_68] : memref<100000x64xf32, #tpu.memory_space<hbm>> -> memref<1x64xf32, #tpu.memory_space<hbm>>
      tpu.wait_dma2 semaphore(%arg8 : memref<!tpu.dma_semaphore, #tpu.memory_space<semaphore_mem>>) src(%dma_wait3A_69 : memref<1x64xf32, #tpu.memory_space<hbm>>) dst(%dma_wait3A_66 : memref<1x64xf32, #tpu.memory_space<vmem>>)
    }
    %scan3A_35 = arith.constant 256 : i32
    %add3A_36 = arith.constant 256 : i32
    %add3A_37 = arith.addi %mul3A_2, %add3A_36 : i32
    %dma_start3A_38 = arith.constant 256 : i32
    %dma_start3A_39 = arith.constant 0 : i32
    %dma_start3A_40 = tpu.memref_slice %arg6[%dma_start3A_38, %dma_start3A_39] : memref<512x64xf32, #tpu.memory_space<vmem>> -> memref<256x64xf32, #tpu.memory_space<vmem>>
    %dma_start3A_41 = arith.constant 0 : i32
    %dma_start3A_42 = tpu.memref_slice %arg4[%add3A_37, %dma_start3A_41] : memref<16384x64xf32, #tpu.memory_space<hbm>> -> memref<256x64xf32, #tpu.memory_space<hbm>>
    %dma_start3A_43 = arith.constant 0 : i32
    %dma_start3A_44 = tpu.memref_slice %arg4[%add3A_37, %dma_start3A_43] : memref<16384x64xf32, #tpu.memory_space<hbm>> -> memref<256x64xf32, #tpu.memory_space<hbm>>
    %dma_start3A_45 = arith.constant 256 : i32
    %dma_start3A_46 = arith.constant 0 : i32
    %dma_start3A_47 = tpu.memref_slice %arg6[%dma_start3A_45, %dma_start3A_46] : memref<512x64xf32, #tpu.memory_space<vmem>> -> memref<256x64xf32, #tpu.memory_space<vmem>>
    tpu.enqueue_dma source(%dma_start3A_47 : memref<256x64xf32, #tpu.memory_space<vmem>>) target(%dma_start3A_44 : memref<256x64xf32, #tpu.memory_space<hbm>>) target_semaphore(%arg9 : memref<!tpu.dma_semaphore, #tpu.memory_space<semaphore_mem>>)
    %scan3A_48 = arith.constant 0 : i32
    %scan3A_49 = arith.constant 2 : i32
    %scan3A_50 = arith.addi %scan3A_48, %scan3A_49 : i32
    %scan3A_51 = arith.constant 1 : i32
    scf.for %scan3A_53 = %scan3A_48 to %scan3A_50 step %scan3A_51  : i32 {
      %mul3A_54 = arith.constant 1 : i32
      %mul3A_55 = arith.muli %scan3A_53, %mul3A_54 : i32
      %add3A_56 = arith.constant 0 : i32
      %add3A_57 = arith.addi %add3A_56, %mul3A_55 : i32
      %dma_wait3A_58 = arith.constant 0 : i32
      %dma_wait3A_59 = arith.constant 0 : i32
      %dma_wait3A_60 = tpu.memref_slice %arg6[%dma_wait3A_58, %dma_wait3A_59] : memref<512x64xf32, #tpu.memory_space<vmem>> -> memref<256x64xf32, #tpu.memory_space<vmem>>
      %dma_wait3A_61 = arith.constant 0 : i32
      %dma_wait3A_62 = tpu.memref_slice %arg4[%mul3A_2, %dma_wait3A_61] : memref<16384x64xf32, #tpu.memory_space<hbm>> -> memref<256x64xf32, #tpu.memory_space<hbm>>
      %dma_wait3A_63 = arith.constant 0 : i32
      %dma_wait3A_64 = tpu.memref_slice %arg4[%mul3A_2, %dma_wait3A_63] : memref<16384x64xf32, #tpu.memory_space<hbm>> -> memref<256x64xf32, #tpu.memory_space<hbm>>
      %dma_wait3A_65 = arith.constant 0 : i32
      %dma_wait3A_66 = arith.constant 0 : i32
      %dma_wait3A_67 = tpu.memref_slice %arg6[%dma_wait3A_65, %dma_wait3A_66] : memref<512x64xf32, #tpu.memory_space<vmem>> -> memref<256x64xf32, #tpu.memory_space<vmem>>
      tpu.wait_dma2 semaphore(%arg9 : memref<!tpu.dma_semaphore, #tpu.memory_space<semaphore_mem>>) src(%dma_wait3A_67 : memref<256x64xf32, #tpu.memory_space<vmem>>) dst(%dma_wait3A_64 : memref<256x64xf32, #tpu.memory_space<hbm>>)
    }
    %scan3A_52 = arith.constant 2 : i32
    return
  }
}

#map = affine_map<(d0, d1) -> (0, 0)>
#map1 = affine_map<(d0, d1) -> (0)>
module attributes {stable_mosaic.version = 14 : i64} {
  func.func @gather(%arg0: i32, %arg1: i32, %arg2: memref<1000000x64xf32, #tpu.memory_space<hbm>>, %arg3: memref<16384xi32, #tpu.memory_space<hbm>>, %arg4: memref<16384x64xf32, #tpu.memory_space<hbm>>, %arg5: memref<512xi32, #tpu.memory_space<vmem>>, %arg6: memref<512x64xf32, #tpu.memory_space<vmem>>, %arg7: memref<!tpu.dma_semaphore, #tpu.memory_space<semaphore_mem>>, %arg8: memref<!tpu.dma_semaphore, #tpu.memory_space<semaphore_mem>>, %arg9: memref<!tpu.dma_semaphore, #tpu.memory_space<semaphore_mem>>) attributes {dimension_semantics = [#tpu.dimension_semantics<core_parallel>, #tpu.dimension_semantics<subcore_parallel>], iteration_bounds = array<i64: 2, 16>, scalar_prefetch = 0 : i64, scratch_operands = 5 : i64, tpu.core_type = #tpu.core_type<sc_vector_subcore>, window_params = [{transform_indices = #map}, {transform_indices = #map1}, {transform_indices = #map}]} {
    %mul3A = arith.constant 2 : i32
    %mul3A_0 = arith.muli %arg1, %mul3A : i32
    %add3A = arith.addi %mul3A_0, %arg0 : i32
    %mul3A_1 = arith.constant 512 : i32
    %mul3A_2 = arith.muli %add3A, %mul3A_1 : i32
    %dma_start3A = tpu.memref_slice %arg3[%mul3A_2] : memref<16384xi32, #tpu.memory_space<hbm>> -> memref<512xi32, #tpu.memory_space<hbm>>
    %dma_start3A_3 = tpu.memref_slice %arg3[%mul3A_2] : memref<16384xi32, #tpu.memory_space<hbm>> -> memref<512xi32, #tpu.memory_space<hbm>>
    tpu.enqueue_dma source(%dma_start3A_3 : memref<512xi32, #tpu.memory_space<hbm>>) target(%arg5 : memref<512xi32, #tpu.memory_space<vmem>>) target_semaphore(%arg7 : memref<!tpu.dma_semaphore, #tpu.memory_space<semaphore_mem>>)
    %dma_wait3A = tpu.memref_slice %arg3[%mul3A_2] : memref<16384xi32, #tpu.memory_space<hbm>> -> memref<512xi32, #tpu.memory_space<hbm>>
    %dma_wait3A_4 = tpu.memref_slice %arg3[%mul3A_2] : memref<16384xi32, #tpu.memory_space<hbm>> -> memref<512xi32, #tpu.memory_space<hbm>>
    tpu.wait_dma2 semaphore(%arg7 : memref<!tpu.dma_semaphore, #tpu.memory_space<semaphore_mem>>) src(%dma_wait3A_4 : memref<512xi32, #tpu.memory_space<hbm>>) dst(%arg5 : memref<512xi32, #tpu.memory_space<vmem>>)
    %scan3A = arith.constant 0 : i32
    %scan3A_5 = arith.constant 16 : i32
    %scan3A_6 = arith.addi %scan3A, %scan3A_5 : i32
    %scan3A_7 = arith.constant 1 : i32
    scf.for %scan3A_53 = %scan3A to %scan3A_6 step %scan3A_7  : i32 {
      %mul3A_54 = arith.constant 16 : i32
      %mul3A_55 = arith.muli %scan3A_53, %mul3A_54 : i32
      %add3A_56 = arith.constant 0 : i32
      %add3A_57 = arith.addi %add3A_56, %mul3A_55 : i32
      %get3A = arith.index_cast %add3A_57 : i32 to index
      %get3A_58 = tpu.vector_load %arg5[%get3A] {strides = array<i32>} : memref<512xi32, #tpu.memory_space<vmem>>, vector<16xi32>,
      %get3A_59 = vector.shape_cast %get3A_58 : vector<16xi32> to vector<16xi32>
      %slice3A = vector.extract_strided_slice %get3A_59 {offsets = [0], sizes = [1], strides = [1]} : vector<16xi32> to vector<1xi32>
      %squeeze3A = vector.extract %slice3A[0] : i32 from vector<1xi32>
      %add3A_60 = arith.constant 0 : i32
      %add3A_61 = arith.addi %add3A_57, %add3A_60 : i32
      %dma_start3A_62 = arith.constant 0 : i32
      %dma_start3A_63 = tpu.memref_slice %arg6[%add3A_61, %dma_start3A_62] : memref<512x64xf32, #tpu.memory_space<vmem>> -> memref<1x64xf32, #tpu.memory_space<vmem>>
      %dma_start3A_64 = arith.constant 0 : i32
      %dma_start3A_65 = tpu.memref_slice %arg2[%squeeze3A, %dma_start3A_64] : memref<1000000x64xf32, #tpu.memory_space<hbm>> -> memref<1x64xf32, #tpu.memory_space<hbm>>
      %dma_start3A_66 = arith.constant 0 : i32
      %dma_start3A_67 = tpu.memref_slice %arg6[%add3A_61, %dma_start3A_66] : memref<512x64xf32, #tpu.memory_space<vmem>> -> memref<1x64xf32, #tpu.memory_space<vmem>>
      %dma_start3A_68 = arith.constant 0 : i32
      %dma_start3A_69 = tpu.memref_slice %arg2[%squeeze3A, %dma_start3A_68] : memref<1000000x64xf32, #tpu.memory_space<hbm>> -> memref<1x64xf32, #tpu.memory_space<hbm>>
      tpu.enqueue_dma source(%dma_start3A_69 : memref<1x64xf32, #tpu.memory_space<hbm>>) target(%dma_start3A_67 : memref<1x64xf32, #tpu.memory_space<vmem>>) target_semaphore(%arg7 : memref<!tpu.dma_semaphore, #tpu.memory_space<semaphore_mem>>)
      %slice3A_70 = vector.extract_strided_slice %get3A_59 {offsets = [1], sizes = [1], strides = [1]} : vector<16xi32> to vector<1xi32>
      %squeeze3A_71 = vector.extract %slice3A_70[0] : i32 from vector<1xi32>
      %add3A_72 = arith.constant 1 : i32
      %add3A_73 = arith.addi %add3A_57, %add3A_72 : i32
      %dma_start3A_74 = arith.constant 0 : i32
      %dma_start3A_75 = tpu.memref_slice %arg6[%add3A_73, %dma_start3A_74] : memref<512x64xf32, #tpu.memory_space<vmem>> -> memref<1x64xf32, #tpu.memory_space<vmem>>
      %dma_start3A_76 = arith.constant 0 : i32
      %dma_start3A_77 = tpu.memref_slice %arg2[%squeeze3A_71, %dma_start3A_76] : memref<1000000x64xf32, #tpu.memory_space<hbm>> -> memref<1x64xf32, #tpu.memory_space<hbm>>
      %dma_start3A_78 = arith.constant 0 : i32
      %dma_start3A_79 = tpu.memref_slice %arg6[%add3A_73, %dma_start3A_78] : memref<512x64xf32, #tpu.memory_space<vmem>> -> memref<1x64xf32, #tpu.memory_space<vmem>>
      %dma_start3A_80 = arith.constant 0 : i32
      %dma_start3A_81 = tpu.memref_slice %arg2[%squeeze3A_71, %dma_start3A_80] : memref<1000000x64xf32, #tpu.memory_space<hbm>> -> memref<1x64xf32, #tpu.memory_space<hbm>>
      tpu.enqueue_dma source(%dma_start3A_81 : memref<1x64xf32, #tpu.memory_space<hbm>>) target(%dma_start3A_79 : memref<1x64xf32, #tpu.memory_space<vmem>>) target_semaphore(%arg7 : memref<!tpu.dma_semaphore, #tpu.memory_space<semaphore_mem>>)
      %slice3A_82 = vector.extract_strided_slice %get3A_59 {offsets = [2], sizes = [1], strides = [1]} : vector<16xi32> to vector<1xi32>
      %squeeze3A_83 = vector.extract %slice3A_82[0] : i32 from vector<1xi32>
      %add3A_84 = arith.constant 2 : i32
      %add3A_85 = arith.addi %add3A_57, %add3A_84 : i32
      %dma_start3A_86 = arith.constant 0 : i32
      %dma_start3A_87 = tpu.memref_slice %arg6[%add3A_85, %dma_start3A_86] : memref<512x64xf32, #tpu.memory_space<vmem>> -> memref<1x64xf32, #tpu.memory_space<vmem>>
      %dma_start3A_88 = arith.constant 0 : i32
      %dma_start3A_89 = tpu.memref_slice %arg2[%squeeze3A_83, %dma_start3A_88] : memref<1000000x64xf32, #tpu.memory_space<hbm>> -> memref<1x64xf32, #tpu.memory_space<hbm>>
      %dma_start3A_90 = arith.constant 0 : i32
      %dma_start3A_91 = tpu.memref_slice %arg6[%add3A_85, %dma_start3A_90] : memref<512x64xf32, #tpu.memory_space<vmem>> -> memref<1x64xf32, #tpu.memory_space<vmem>>
      %dma_start3A_92 = arith.constant 0 : i32
      %dma_start3A_93 = tpu.memref_slice %arg2[%squeeze3A_83, %dma_start3A_92] : memref<1000000x64xf32, #tpu.memory_space<hbm>> -> memref<1x64xf32, #tpu.memory_space<hbm>>
      tpu.enqueue_dma source(%dma_start3A_93 : memref<1x64xf32, #tpu.memory_space<hbm>>) target(%dma_start3A_91 : memref<1x64xf32, #tpu.memory_space<vmem>>) target_semaphore(%arg7 : memref<!tpu.dma_semaphore, #tpu.memory_space<semaphore_mem>>)
      %slice3A_94 = vector.extract_strided_slice %get3A_59 {offsets = [3], sizes = [1], strides = [1]} : vector<16xi32> to vector<1xi32>
      %squeeze3A_95 = vector.extract %slice3A_94[0] : i32 from vector<1xi32>
      %add3A_96 = arith.constant 3 : i32
      %add3A_97 = arith.addi %add3A_57, %add3A_96 : i32
      %dma_start3A_98 = arith.constant 0 : i32
      %dma_start3A_99 = tpu.memref_slice %arg6[%add3A_97, %dma_start3A_98] : memref<512x64xf32, #tpu.memory_space<vmem>> -> memref<1x64xf32, #tpu.memory_space<vmem>>
      %dma_start3A_100 = arith.constant 0 : i32
      %dma_start3A_101 = tpu.memref_slice %arg2[%squeeze3A_95, %dma_start3A_100] : memref<1000000x64xf32, #tpu.memory_space<hbm>> -> memref<1x64xf32, #tpu.memory_space<hbm>>
      %dma_start3A_102 = arith.constant 0 : i32
      %dma_start3A_103 = tpu.memref_slice %arg6[%add3A_97, %dma_start3A_102] : memref<512x64xf32, #tpu.memory_space<vmem>> -> memref<1x64xf32, #tpu.memory_space<vmem>>
      %dma_start3A_104 = arith.constant 0 : i32
      %dma_start3A_105 = tpu.memref_slice %arg2[%squeeze3A_95, %dma_start3A_104] : memref<1000000x64xf32, #tpu.memory_space<hbm>> -> memref<1x64xf32, #tpu.memory_space<hbm>>
      tpu.enqueue_dma source(%dma_start3A_105 : memref<1x64xf32, #tpu.memory_space<hbm>>) target(%dma_start3A_103 : memref<1x64xf32, #tpu.memory_space<vmem>>) target_semaphore(%arg7 : memref<!tpu.dma_semaphore, #tpu.memory_space<semaphore_mem>>)
      %slice3A_106 = vector.extract_strided_slice %get3A_59 {offsets = [4], sizes = [1], strides = [1]} : vector<16xi32> to vector<1xi32>
      %squeeze3A_107 = vector.extract %slice3A_106[0] : i32 from vector<1xi32>
      %add3A_108 = arith.constant 4 : i32
      %add3A_109 = arith.addi %add3A_57, %add3A_108 : i32
      %dma_start3A_110 = arith.constant 0 : i32
      %dma_start3A_111 = tpu.memref_slice %arg6[%add3A_109, %dma_start3A_110] : memref<512x64xf32, #tpu.memory_space<vmem>> -> memref<1x64xf32, #tpu.memory_space<vmem>>
      %dma_start3A_112 = arith.constant 0 : i32
      %dma_start3A_113 = tpu.memref_slice %arg2[%squeeze3A_107, %dma_start3A_112] : memref<1000000x64xf32, #tpu.memory_space<hbm>> -> memref<1x64xf32, #tpu.memory_space<hbm>>
      %dma_start3A_114 = arith.constant 0 : i32
      %dma_start3A_115 = tpu.memref_slice %arg6[%add3A_109, %dma_start3A_114] : memref<512x64xf32, #tpu.memory_space<vmem>> -> memref<1x64xf32, #tpu.memory_space<vmem>>
      %dma_start3A_116 = arith.constant 0 : i32
      %dma_start3A_117 = tpu.memref_slice %arg2[%squeeze3A_107, %dma_start3A_116] : memref<1000000x64xf32, #tpu.memory_space<hbm>> -> memref<1x64xf32, #tpu.memory_space<hbm>>
      tpu.enqueue_dma source(%dma_start3A_117 : memref<1x64xf32, #tpu.memory_space<hbm>>) target(%dma_start3A_115 : memref<1x64xf32, #tpu.memory_space<vmem>>) target_semaphore(%arg7 : memref<!tpu.dma_semaphore, #tpu.memory_space<semaphore_mem>>)
      %slice3A_118 = vector.extract_strided_slice %get3A_59 {offsets = [5], sizes = [1], strides = [1]} : vector<16xi32> to vector<1xi32>
      %squeeze3A_119 = vector.extract %slice3A_118[0] : i32 from vector<1xi32>
      %add3A_120 = arith.constant 5 : i32
      %add3A_121 = arith.addi %add3A_57, %add3A_120 : i32
      %dma_start3A_122 = arith.constant 0 : i32
      %dma_start3A_123 = tpu.memref_slice %arg6[%add3A_121, %dma_start3A_122] : memref<512x64xf32, #tpu.memory_space<vmem>> -> memref<1x64xf32, #tpu.memory_space<vmem>>
      %dma_start3A_124 = arith.constant 0 : i32
      %dma_start3A_125 = tpu.memref_slice %arg2[%squeeze3A_119, %dma_start3A_124] : memref<1000000x64xf32, #tpu.memory_space<hbm>> -> memref<1x64xf32, #tpu.memory_space<hbm>>
      %dma_start3A_126 = arith.constant 0 : i32
      %dma_start3A_127 = tpu.memref_slice %arg6[%add3A_121, %dma_start3A_126] : memref<512x64xf32, #tpu.memory_space<vmem>> -> memref<1x64xf32, #tpu.memory_space<vmem>>
      %dma_start3A_128 = arith.constant 0 : i32
      %dma_start3A_129 = tpu.memref_slice %arg2[%squeeze3A_119, %dma_start3A_128] : memref<1000000x64xf32, #tpu.memory_space<hbm>> -> memref<1x64xf32, #tpu.memory_space<hbm>>
      tpu.enqueue_dma source(%dma_start3A_129 : memref<1x64xf32, #tpu.memory_space<hbm>>) target(%dma_start3A_127 : memref<1x64xf32, #tpu.memory_space<vmem>>) target_semaphore(%arg7 : memref<!tpu.dma_semaphore, #tpu.memory_space<semaphore_mem>>)
      %slice3A_130 = vector.extract_strided_slice %get3A_59 {offsets = [6], sizes = [1], strides = [1]} : vector<16xi32> to vector<1xi32>
      %squeeze3A_131 = vector.extract %slice3A_130[0] : i32 from vector<1xi32>
      %add3A_132 = arith.constant 6 : i32
      %add3A_133 = arith.addi %add3A_57, %add3A_132 : i32
      %dma_start3A_134 = arith.constant 0 : i32
      %dma_start3A_135 = tpu.memref_slice %arg6[%add3A_133, %dma_start3A_134] : memref<512x64xf32, #tpu.memory_space<vmem>> -> memref<1x64xf32, #tpu.memory_space<vmem>>
      %dma_start3A_136 = arith.constant 0 : i32
      %dma_start3A_137 = tpu.memref_slice %arg2[%squeeze3A_131, %dma_start3A_136] : memref<1000000x64xf32, #tpu.memory_space<hbm>> -> memref<1x64xf32, #tpu.memory_space<hbm>>
      %dma_start3A_138 = arith.constant 0 : i32
      %dma_start3A_139 = tpu.memref_slice %arg6[%add3A_133, %dma_start3A_138] : memref<512x64xf32, #tpu.memory_space<vmem>> -> memref<1x64xf32, #tpu.memory_space<vmem>>
      %dma_start3A_140 = arith.constant 0 : i32
      %dma_start3A_141 = tpu.memref_slice %arg2[%squeeze3A_131, %dma_start3A_140] : memref<1000000x64xf32, #tpu.memory_space<hbm>> -> memref<1x64xf32, #tpu.memory_space<hbm>>
      tpu.enqueue_dma source(%dma_start3A_141 : memref<1x64xf32, #tpu.memory_space<hbm>>) target(%dma_start3A_139 : memref<1x64xf32, #tpu.memory_space<vmem>>) target_semaphore(%arg7 : memref<!tpu.dma_semaphore, #tpu.memory_space<semaphore_mem>>)
      %slice3A_142 = vector.extract_strided_slice %get3A_59 {offsets = [7], sizes = [1], strides = [1]} : vector<16xi32> to vector<1xi32>
      %squeeze3A_143 = vector.extract %slice3A_142[0] : i32 from vector<1xi32>
      %add3A_144 = arith.constant 7 : i32
      %add3A_145 = arith.addi %add3A_57, %add3A_144 : i32
      %dma_start3A_146 = arith.constant 0 : i32
      %dma_start3A_147 = tpu.memref_slice %arg6[%add3A_145, %dma_start3A_146] : memref<512x64xf32, #tpu.memory_space<vmem>> -> memref<1x64xf32, #tpu.memory_space<vmem>>
      %dma_start3A_148 = arith.constant 0 : i32
      %dma_start3A_149 = tpu.memref_slice %arg2[%squeeze3A_143, %dma_start3A_148] : memref<1000000x64xf32, #tpu.memory_space<hbm>> -> memref<1x64xf32, #tpu.memory_space<hbm>>
      %dma_start3A_150 = arith.constant 0 : i32
      %dma_start3A_151 = tpu.memref_slice %arg6[%add3A_145, %dma_start3A_150] : memref<512x64xf32, #tpu.memory_space<vmem>> -> memref<1x64xf32, #tpu.memory_space<vmem>>
      %dma_start3A_152 = arith.constant 0 : i32
      %dma_start3A_153 = tpu.memref_slice %arg2[%squeeze3A_143, %dma_start3A_152] : memref<1000000x64xf32, #tpu.memory_space<hbm>> -> memref<1x64xf32, #tpu.memory_space<hbm>>
      tpu.enqueue_dma source(%dma_start3A_153 : memref<1x64xf32, #tpu.memory_space<hbm>>) target(%dma_start3A_151 : memref<1x64xf32, #tpu.memory_space<vmem>>) target_semaphore(%arg7 : memref<!tpu.dma_semaphore, #tpu.memory_space<semaphore_mem>>)
      %slice3A_154 = vector.extract_strided_slice %get3A_59 {offsets = [8], sizes = [1], strides = [1]} : vector<16xi32> to vector<1xi32>
      %squeeze3A_155 = vector.extract %slice3A_154[0] : i32 from vector<1xi32>
      %add3A_156 = arith.constant 8 : i32
      %add3A_157 = arith.addi %add3A_57, %add3A_156 : i32
      %dma_start3A_158 = arith.constant 0 : i32
      %dma_start3A_159 = tpu.memref_slice %arg6[%add3A_157, %dma_start3A_158] : memref<512x64xf32, #tpu.memory_space<vmem>> -> memref<1x64xf32, #tpu.memory_space<vmem>>
      %dma_start3A_160 = arith.constant 0 : i32
      %dma_start3A_161 = tpu.memref_slice %arg2[%squeeze3A_155, %dma_start3A_160] : memref<1000000x64xf32, #tpu.memory_space<hbm>> -> memref<1x64xf32, #tpu.memory_space<hbm>>
      %dma_start3A_162 = arith.constant 0 : i32
      %dma_start3A_163 = tpu.memref_slice %arg6[%add3A_157, %dma_start3A_162] : memref<512x64xf32, #tpu.memory_space<vmem>> -> memref<1x64xf32, #tpu.memory_space<vmem>>
      %dma_start3A_164 = arith.constant 0 : i32
      %dma_start3A_165 = tpu.memref_slice %arg2[%squeeze3A_155, %dma_start3A_164] : memref<1000000x64xf32, #tpu.memory_space<hbm>> -> memref<1x64xf32, #tpu.memory_space<hbm>>
      tpu.enqueue_dma source(%dma_start3A_165 : memref<1x64xf32, #tpu.memory_space<hbm>>) target(%dma_start3A_163 : memref<1x64xf32, #tpu.memory_space<vmem>>) target_semaphore(%arg7 : memref<!tpu.dma_semaphore, #tpu.memory_space<semaphore_mem>>)
      %slice3A_166 = vector.extract_strided_slice %get3A_59 {offsets = [9], sizes = [1], strides = [1]} : vector<16xi32> to vector<1xi32>
      %squeeze3A_167 = vector.extract %slice3A_166[0] : i32 from vector<1xi32>
      %add3A_168 = arith.constant 9 : i32
      %add3A_169 = arith.addi %add3A_57, %add3A_168 : i32
      %dma_start3A_170 = arith.constant 0 : i32
      %dma_start3A_171 = tpu.memref_slice %arg6[%add3A_169, %dma_start3A_170] : memref<512x64xf32, #tpu.memory_space<vmem>> -> memref<1x64xf32, #tpu.memory_space<vmem>>
      %dma_start3A_172 = arith.constant 0 : i32
      %dma_start3A_173 = tpu.memref_slice %arg2[%squeeze3A_167, %dma_start3A_172] : memref<1000000x64xf32, #tpu.memory_space<hbm>> -> memref<1x64xf32, #tpu.memory_space<hbm>>
      %dma_start3A_174 = arith.constant 0 : i32
      %dma_start3A_175 = tpu.memref_slice %arg6[%add3A_169, %dma_start3A_174] : memref<512x64xf32, #tpu.memory_space<vmem>> -> memref<1x64xf32, #tpu.memory_space<vmem>>
      %dma_start3A_176 = arith.constant 0 : i32
      %dma_start3A_177 = tpu.memref_slice %arg2[%squeeze3A_167, %dma_start3A_176] : memref<1000000x64xf32, #tpu.memory_space<hbm>> -> memref<1x64xf32, #tpu.memory_space<hbm>>
      tpu.enqueue_dma source(%dma_start3A_177 : memref<1x64xf32, #tpu.memory_space<hbm>>) target(%dma_start3A_175 : memref<1x64xf32, #tpu.memory_space<vmem>>) target_semaphore(%arg7 : memref<!tpu.dma_semaphore, #tpu.memory_space<semaphore_mem>>)
      %slice3A_178 = vector.extract_strided_slice %get3A_59 {offsets = [10], sizes = [1], strides = [1]} : vector<16xi32> to vector<1xi32>
      %squeeze3A_179 = vector.extract %slice3A_178[0] : i32 from vector<1xi32>
      %add3A_180 = arith.constant 10 : i32
      %add3A_181 = arith.addi %add3A_57, %add3A_180 : i32
      %dma_start3A_182 = arith.constant 0 : i32
      %dma_start3A_183 = tpu.memref_slice %arg6[%add3A_181, %dma_start3A_182] : memref<512x64xf32, #tpu.memory_space<vmem>> -> memref<1x64xf32, #tpu.memory_space<vmem>>
      %dma_start3A_184 = arith.constant 0 : i32
      %dma_start3A_185 = tpu.memref_slice %arg2[%squeeze3A_179, %dma_start3A_184] : memref<1000000x64xf32, #tpu.memory_space<hbm>> -> memref<1x64xf32, #tpu.memory_space<hbm>>
      %dma_start3A_186 = arith.constant 0 : i32
      %dma_start3A_187 = tpu.memref_slice %arg6[%add3A_181, %dma_start3A_186] : memref<512x64xf32, #tpu.memory_space<vmem>> -> memref<1x64xf32, #tpu.memory_space<vmem>>
      %dma_start3A_188 = arith.constant 0 : i32
      %dma_start3A_189 = tpu.memref_slice %arg2[%squeeze3A_179, %dma_start3A_188] : memref<1000000x64xf32, #tpu.memory_space<hbm>> -> memref<1x64xf32, #tpu.memory_space<hbm>>
      tpu.enqueue_dma source(%dma_start3A_189 : memref<1x64xf32, #tpu.memory_space<hbm>>) target(%dma_start3A_187 : memref<1x64xf32, #tpu.memory_space<vmem>>) target_semaphore(%arg7 : memref<!tpu.dma_semaphore, #tpu.memory_space<semaphore_mem>>)
      %slice3A_190 = vector.extract_strided_slice %get3A_59 {offsets = [11], sizes = [1], strides = [1]} : vector<16xi32> to vector<1xi32>
      %squeeze3A_191 = vector.extract %slice3A_190[0] : i32 from vector<1xi32>
      %add3A_192 = arith.constant 11 : i32
      %add3A_193 = arith.addi %add3A_57, %add3A_192 : i32
      %dma_start3A_194 = arith.constant 0 : i32
      %dma_start3A_195 = tpu.memref_slice %arg6[%add3A_193, %dma_start3A_194] : memref<512x64xf32, #tpu.memory_space<vmem>> -> memref<1x64xf32, #tpu.memory_space<vmem>>
      %dma_start3A_196 = arith.constant 0 : i32
      %dma_start3A_197 = tpu.memref_slice %arg2[%squeeze3A_191, %dma_start3A_196] : memref<1000000x64xf32, #tpu.memory_space<hbm>> -> memref<1x64xf32, #tpu.memory_space<hbm>>
      %dma_start3A_198 = arith.constant 0 : i32
      %dma_start3A_199 = tpu.memref_slice %arg6[%add3A_193, %dma_start3A_198] : memref<512x64xf32, #tpu.memory_space<vmem>> -> memref<1x64xf32, #tpu.memory_space<vmem>>
      %dma_start3A_200 = arith.constant 0 : i32
      %dma_start3A_201 = tpu.memref_slice %arg2[%squeeze3A_191, %dma_start3A_200] : memref<1000000x64xf32, #tpu.memory_space<hbm>> -> memref<1x64xf32, #tpu.memory_space<hbm>>
      tpu.enqueue_dma source(%dma_start3A_201 : memref<1x64xf32, #tpu.memory_space<hbm>>) target(%dma_start3A_199 : memref<1x64xf32, #tpu.memory_space<vmem>>) target_semaphore(%arg7 : memref<!tpu.dma_semaphore, #tpu.memory_space<semaphore_mem>>)
      %slice3A_202 = vector.extract_strided_slice %get3A_59 {offsets = [12], sizes = [1], strides = [1]} : vector<16xi32> to vector<1xi32>
      %squeeze3A_203 = vector.extract %slice3A_202[0] : i32 from vector<1xi32>
      %add3A_204 = arith.constant 12 : i32
      %add3A_205 = arith.addi %add3A_57, %add3A_204 : i32
      %dma_start3A_206 = arith.constant 0 : i32
      %dma_start3A_207 = tpu.memref_slice %arg6[%add3A_205, %dma_start3A_206] : memref<512x64xf32, #tpu.memory_space<vmem>> -> memref<1x64xf32, #tpu.memory_space<vmem>>
      %dma_start3A_208 = arith.constant 0 : i32
      %dma_start3A_209 = tpu.memref_slice %arg2[%squeeze3A_203, %dma_start3A_208] : memref<1000000x64xf32, #tpu.memory_space<hbm>> -> memref<1x64xf32, #tpu.memory_space<hbm>>
      %dma_start3A_210 = arith.constant 0 : i32
      %dma_start3A_211 = tpu.memref_slice %arg6[%add3A_205, %dma_start3A_210] : memref<512x64xf32, #tpu.memory_space<vmem>> -> memref<1x64xf32, #tpu.memory_space<vmem>>
      %dma_start3A_212 = arith.constant 0 : i32
      %dma_start3A_213 = tpu.memref_slice %arg2[%squeeze3A_203, %dma_start3A_212] : memref<1000000x64xf32, #tpu.memory_space<hbm>> -> memref<1x64xf32, #tpu.memory_space<hbm>>
      tpu.enqueue_dma source(%dma_start3A_213 : memref<1x64xf32, #tpu.memory_space<hbm>>) target(%dma_start3A_211 : memref<1x64xf32, #tpu.memory_space<vmem>>) target_semaphore(%arg7 : memref<!tpu.dma_semaphore, #tpu.memory_space<semaphore_mem>>)
      %slice3A_214 = vector.extract_strided_slice %get3A_59 {offsets = [13], sizes = [1], strides = [1]} : vector<16xi32> to vector<1xi32>
      %squeeze3A_215 = vector.extract %slice3A_214[0] : i32 from vector<1xi32>
      %add3A_216 = arith.constant 13 : i32
      %add3A_217 = arith.addi %add3A_57, %add3A_216 : i32
      %dma_start3A_218 = arith.constant 0 : i32
      %dma_start3A_219 = tpu.memref_slice %arg6[%add3A_217, %dma_start3A_218] : memref<512x64xf32, #tpu.memory_space<vmem>> -> memref<1x64xf32, #tpu.memory_space<vmem>>
      %dma_start3A_220 = arith.constant 0 : i32
      %dma_start3A_221 = tpu.memref_slice %arg2[%squeeze3A_215, %dma_start3A_220] : memref<1000000x64xf32, #tpu.memory_space<hbm>> -> memref<1x64xf32, #tpu.memory_space<hbm>>
      %dma_start3A_222 = arith.constant 0 : i32
      %dma_start3A_223 = tpu.memref_slice %arg6[%add3A_217, %dma_start3A_222] : memref<512x64xf32, #tpu.memory_space<vmem>> -> memref<1x64xf32, #tpu.memory_space<vmem>>
      %dma_start3A_224 = arith.constant 0 : i32
      %dma_start3A_225 = tpu.memref_slice %arg2[%squeeze3A_215, %dma_start3A_224] : memref<1000000x64xf32, #tpu.memory_space<hbm>> -> memref<1x64xf32, #tpu.memory_space<hbm>>
      tpu.enqueue_dma source(%dma_start3A_225 : memref<1x64xf32, #tpu.memory_space<hbm>>) target(%dma_start3A_223 : memref<1x64xf32, #tpu.memory_space<vmem>>) target_semaphore(%arg7 : memref<!tpu.dma_semaphore, #tpu.memory_space<semaphore_mem>>)
      %slice3A_226 = vector.extract_strided_slice %get3A_59 {offsets = [14], sizes = [1], strides = [1]} : vector<16xi32> to vector<1xi32>
      %squeeze3A_227 = vector.extract %slice3A_226[0] : i32 from vector<1xi32>
      %add3A_228 = arith.constant 14 : i32
      %add3A_229 = arith.addi %add3A_57, %add3A_228 : i32
      %dma_start3A_230 = arith.constant 0 : i32
      %dma_start3A_231 = tpu.memref_slice %arg6[%add3A_229, %dma_start3A_230] : memref<512x64xf32, #tpu.memory_space<vmem>> -> memref<1x64xf32, #tpu.memory_space<vmem>>
      %dma_start3A_232 = arith.constant 0 : i32
      %dma_start3A_233 = tpu.memref_slice %arg2[%squeeze3A_227, %dma_start3A_232] : memref<1000000x64xf32, #tpu.memory_space<hbm>> -> memref<1x64xf32, #tpu.memory_space<hbm>>
      %dma_start3A_234 = arith.constant 0 : i32
      %dma_start3A_235 = tpu.memref_slice %arg6[%add3A_229, %dma_start3A_234] : memref<512x64xf32, #tpu.memory_space<vmem>> -> memref<1x64xf32, #tpu.memory_space<vmem>>
      %dma_start3A_236 = arith.constant 0 : i32
      %dma_start3A_237 = tpu.memref_slice %arg2[%squeeze3A_227, %dma_start3A_236] : memref<1000000x64xf32, #tpu.memory_space<hbm>> -> memref<1x64xf32, #tpu.memory_space<hbm>>
      tpu.enqueue_dma source(%dma_start3A_237 : memref<1x64xf32, #tpu.memory_space<hbm>>) target(%dma_start3A_235 : memref<1x64xf32, #tpu.memory_space<vmem>>) target_semaphore(%arg7 : memref<!tpu.dma_semaphore, #tpu.memory_space<semaphore_mem>>)
      %slice3A_238 = vector.extract_strided_slice %get3A_59 {offsets = [15], sizes = [1], strides = [1]} : vector<16xi32> to vector<1xi32>
      %squeeze3A_239 = vector.extract %slice3A_238[0] : i32 from vector<1xi32>
      %add3A_240 = arith.constant 15 : i32
      %add3A_241 = arith.addi %add3A_57, %add3A_240 : i32
      %dma_start3A_242 = arith.constant 0 : i32
      %dma_start3A_243 = tpu.memref_slice %arg6[%add3A_241, %dma_start3A_242] : memref<512x64xf32, #tpu.memory_space<vmem>> -> memref<1x64xf32, #tpu.memory_space<vmem>>
      %dma_start3A_244 = arith.constant 0 : i32
      %dma_start3A_245 = tpu.memref_slice %arg2[%squeeze3A_239, %dma_start3A_244] : memref<1000000x64xf32, #tpu.memory_space<hbm>> -> memref<1x64xf32, #tpu.memory_space<hbm>>
      %dma_start3A_246 = arith.constant 0 : i32
      %dma_start3A_247 = tpu.memref_slice %arg6[%add3A_241, %dma_start3A_246] : memref<512x64xf32, #tpu.memory_space<vmem>> -> memref<1x64xf32, #tpu.memory_space<vmem>>
      %dma_start3A_248 = arith.constant 0 : i32
      %dma_start3A_249 = tpu.memref_slice %arg2[%squeeze3A_239, %dma_start3A_248] : memref<1000000x64xf32, #tpu.memory_space<hbm>> -> memref<1x64xf32, #tpu.memory_space<hbm>>
      tpu.enqueue_dma source(%dma_start3A_249 : memref<1x64xf32, #tpu.memory_space<hbm>>) target(%dma_start3A_247 : memref<1x64xf32, #tpu.memory_space<vmem>>) target_semaphore(%arg7 : memref<!tpu.dma_semaphore, #tpu.memory_space<semaphore_mem>>)
    }
    %scan3A_8 = arith.constant 16 : i32
    %scan3A_9 = arith.constant 0 : i32
    %scan3A_10 = arith.constant 16 : i32
    %scan3A_11 = arith.addi %scan3A_9, %scan3A_10 : i32
    %scan3A_12 = arith.constant 1 : i32
    scf.for %scan3A_53 = %scan3A_9 to %scan3A_11 step %scan3A_12  : i32 {
      %mul3A_54 = arith.constant 16 : i32
      %mul3A_55 = arith.muli %scan3A_53, %mul3A_54 : i32
      %add3A_56 = arith.constant 256 : i32
      %add3A_57 = arith.addi %add3A_56, %mul3A_55 : i32
      %get3A = arith.index_cast %add3A_57 : i32 to index
      %get3A_58 = tpu.vector_load %arg5[%get3A] {strides = array<i32>} : memref<512xi32, #tpu.memory_space<vmem>>, vector<16xi32>,
      %get3A_59 = vector.shape_cast %get3A_58 : vector<16xi32> to vector<16xi32>
      %slice3A = vector.extract_strided_slice %get3A_59 {offsets = [0], sizes = [1], strides = [1]} : vector<16xi32> to vector<1xi32>
      %squeeze3A = vector.extract %slice3A[0] : i32 from vector<1xi32>
      %add3A_60 = arith.constant 0 : i32
      %add3A_61 = arith.addi %add3A_57, %add3A_60 : i32
      %dma_start3A_62 = arith.constant 0 : i32
      %dma_start3A_63 = tpu.memref_slice %arg6[%add3A_61, %dma_start3A_62] : memref<512x64xf32, #tpu.memory_space<vmem>> -> memref<1x64xf32, #tpu.memory_space<vmem>>
      %dma_start3A_64 = arith.constant 0 : i32
      %dma_start3A_65 = tpu.memref_slice %arg2[%squeeze3A, %dma_start3A_64] : memref<1000000x64xf32, #tpu.memory_space<hbm>> -> memref<1x64xf32, #tpu.memory_space<hbm>>
      %dma_start3A_66 = arith.constant 0 : i32
      %dma_start3A_67 = tpu.memref_slice %arg6[%add3A_61, %dma_start3A_66] : memref<512x64xf32, #tpu.memory_space<vmem>> -> memref<1x64xf32, #tpu.memory_space<vmem>>
      %dma_start3A_68 = arith.constant 0 : i32
      %dma_start3A_69 = tpu.memref_slice %arg2[%squeeze3A, %dma_start3A_68] : memref<1000000x64xf32, #tpu.memory_space<hbm>> -> memref<1x64xf32, #tpu.memory_space<hbm>>
      tpu.enqueue_dma source(%dma_start3A_69 : memref<1x64xf32, #tpu.memory_space<hbm>>) target(%dma_start3A_67 : memref<1x64xf32, #tpu.memory_space<vmem>>) target_semaphore(%arg8 : memref<!tpu.dma_semaphore, #tpu.memory_space<semaphore_mem>>)
      %slice3A_70 = vector.extract_strided_slice %get3A_59 {offsets = [1], sizes = [1], strides = [1]} : vector<16xi32> to vector<1xi32>
      %squeeze3A_71 = vector.extract %slice3A_70[0] : i32 from vector<1xi32>
      %add3A_72 = arith.constant 1 : i32
      %add3A_73 = arith.addi %add3A_57, %add3A_72 : i32
      %dma_start3A_74 = arith.constant 0 : i32
      %dma_start3A_75 = tpu.memref_slice %arg6[%add3A_73, %dma_start3A_74] : memref<512x64xf32, #tpu.memory_space<vmem>> -> memref<1x64xf32, #tpu.memory_space<vmem>>
      %dma_start3A_76 = arith.constant 0 : i32
      %dma_start3A_77 = tpu.memref_slice %arg2[%squeeze3A_71, %dma_start3A_76] : memref<1000000x64xf32, #tpu.memory_space<hbm>> -> memref<1x64xf32, #tpu.memory_space<hbm>>
      %dma_start3A_78 = arith.constant 0 : i32
      %dma_start3A_79 = tpu.memref_slice %arg6[%add3A_73, %dma_start3A_78] : memref<512x64xf32, #tpu.memory_space<vmem>> -> memref<1x64xf32, #tpu.memory_space<vmem>>
      %dma_start3A_80 = arith.constant 0 : i32
      %dma_start3A_81 = tpu.memref_slice %arg2[%squeeze3A_71, %dma_start3A_80] : memref<1000000x64xf32, #tpu.memory_space<hbm>> -> memref<1x64xf32, #tpu.memory_space<hbm>>
      tpu.enqueue_dma source(%dma_start3A_81 : memref<1x64xf32, #tpu.memory_space<hbm>>) target(%dma_start3A_79 : memref<1x64xf32, #tpu.memory_space<vmem>>) target_semaphore(%arg8 : memref<!tpu.dma_semaphore, #tpu.memory_space<semaphore_mem>>)
      %slice3A_82 = vector.extract_strided_slice %get3A_59 {offsets = [2], sizes = [1], strides = [1]} : vector<16xi32> to vector<1xi32>
      %squeeze3A_83 = vector.extract %slice3A_82[0] : i32 from vector<1xi32>
      %add3A_84 = arith.constant 2 : i32
      %add3A_85 = arith.addi %add3A_57, %add3A_84 : i32
      %dma_start3A_86 = arith.constant 0 : i32
      %dma_start3A_87 = tpu.memref_slice %arg6[%add3A_85, %dma_start3A_86] : memref<512x64xf32, #tpu.memory_space<vmem>> -> memref<1x64xf32, #tpu.memory_space<vmem>>
      %dma_start3A_88 = arith.constant 0 : i32
      %dma_start3A_89 = tpu.memref_slice %arg2[%squeeze3A_83, %dma_start3A_88] : memref<1000000x64xf32, #tpu.memory_space<hbm>> -> memref<1x64xf32, #tpu.memory_space<hbm>>
      %dma_start3A_90 = arith.constant 0 : i32
      %dma_start3A_91 = tpu.memref_slice %arg6[%add3A_85, %dma_start3A_90] : memref<512x64xf32, #tpu.memory_space<vmem>> -> memref<1x64xf32, #tpu.memory_space<vmem>>
      %dma_start3A_92 = arith.constant 0 : i32
      %dma_start3A_93 = tpu.memref_slice %arg2[%squeeze3A_83, %dma_start3A_92] : memref<1000000x64xf32, #tpu.memory_space<hbm>> -> memref<1x64xf32, #tpu.memory_space<hbm>>
      tpu.enqueue_dma source(%dma_start3A_93 : memref<1x64xf32, #tpu.memory_space<hbm>>) target(%dma_start3A_91 : memref<1x64xf32, #tpu.memory_space<vmem>>) target_semaphore(%arg8 : memref<!tpu.dma_semaphore, #tpu.memory_space<semaphore_mem>>)
      %slice3A_94 = vector.extract_strided_slice %get3A_59 {offsets = [3], sizes = [1], strides = [1]} : vector<16xi32> to vector<1xi32>
      %squeeze3A_95 = vector.extract %slice3A_94[0] : i32 from vector<1xi32>
      %add3A_96 = arith.constant 3 : i32
      %add3A_97 = arith.addi %add3A_57, %add3A_96 : i32
      %dma_start3A_98 = arith.constant 0 : i32
      %dma_start3A_99 = tpu.memref_slice %arg6[%add3A_97, %dma_start3A_98] : memref<512x64xf32, #tpu.memory_space<vmem>> -> memref<1x64xf32, #tpu.memory_space<vmem>>
      %dma_start3A_100 = arith.constant 0 : i32
      %dma_start3A_101 = tpu.memref_slice %arg2[%squeeze3A_95, %dma_start3A_100] : memref<1000000x64xf32, #tpu.memory_space<hbm>> -> memref<1x64xf32, #tpu.memory_space<hbm>>
      %dma_start3A_102 = arith.constant 0 : i32
      %dma_start3A_103 = tpu.memref_slice %arg6[%add3A_97, %dma_start3A_102] : memref<512x64xf32, #tpu.memory_space<vmem>> -> memref<1x64xf32, #tpu.memory_space<vmem>>
      %dma_start3A_104 = arith.constant 0 : i32
      %dma_start3A_105 = tpu.memref_slice %arg2[%squeeze3A_95, %dma_start3A_104] : memref<1000000x64xf32, #tpu.memory_space<hbm>> -> memref<1x64xf32, #tpu.memory_space<hbm>>
      tpu.enqueue_dma source(%dma_start3A_105 : memref<1x64xf32, #tpu.memory_space<hbm>>) target(%dma_start3A_103 : memref<1x64xf32, #tpu.memory_space<vmem>>) target_semaphore(%arg8 : memref<!tpu.dma_semaphore, #tpu.memory_space<semaphore_mem>>)
      %slice3A_106 = vector.extract_strided_slice %get3A_59 {offsets = [4], sizes = [1], strides = [1]} : vector<16xi32> to vector<1xi32>
      %squeeze3A_107 = vector.extract %slice3A_106[0] : i32 from vector<1xi32>
      %add3A_108 = arith.constant 4 : i32
      %add3A_109 = arith.addi %add3A_57, %add3A_108 : i32
      %dma_start3A_110 = arith.constant 0 : i32
      %dma_start3A_111 = tpu.memref_slice %arg6[%add3A_109, %dma_start3A_110] : memref<512x64xf32, #tpu.memory_space<vmem>> -> memref<1x64xf32, #tpu.memory_space<vmem>>
      %dma_start3A_112 = arith.constant 0 : i32
      %dma_start3A_113 = tpu.memref_slice %arg2[%squeeze3A_107, %dma_start3A_112] : memref<1000000x64xf32, #tpu.memory_space<hbm>> -> memref<1x64xf32, #tpu.memory_space<hbm>>
      %dma_start3A_114 = arith.constant 0 : i32
      %dma_start3A_115 = tpu.memref_slice %arg6[%add3A_109, %dma_start3A_114] : memref<512x64xf32, #tpu.memory_space<vmem>> -> memref<1x64xf32, #tpu.memory_space<vmem>>
      %dma_start3A_116 = arith.constant 0 : i32
      %dma_start3A_117 = tpu.memref_slice %arg2[%squeeze3A_107, %dma_start3A_116] : memref<1000000x64xf32, #tpu.memory_space<hbm>> -> memref<1x64xf32, #tpu.memory_space<hbm>>
      tpu.enqueue_dma source(%dma_start3A_117 : memref<1x64xf32, #tpu.memory_space<hbm>>) target(%dma_start3A_115 : memref<1x64xf32, #tpu.memory_space<vmem>>) target_semaphore(%arg8 : memref<!tpu.dma_semaphore, #tpu.memory_space<semaphore_mem>>)
      %slice3A_118 = vector.extract_strided_slice %get3A_59 {offsets = [5], sizes = [1], strides = [1]} : vector<16xi32> to vector<1xi32>
      %squeeze3A_119 = vector.extract %slice3A_118[0] : i32 from vector<1xi32>
      %add3A_120 = arith.constant 5 : i32
      %add3A_121 = arith.addi %add3A_57, %add3A_120 : i32
      %dma_start3A_122 = arith.constant 0 : i32
      %dma_start3A_123 = tpu.memref_slice %arg6[%add3A_121, %dma_start3A_122] : memref<512x64xf32, #tpu.memory_space<vmem>> -> memref<1x64xf32, #tpu.memory_space<vmem>>
      %dma_start3A_124 = arith.constant 0 : i32
      %dma_start3A_125 = tpu.memref_slice %arg2[%squeeze3A_119, %dma_start3A_124] : memref<1000000x64xf32, #tpu.memory_space<hbm>> -> memref<1x64xf32, #tpu.memory_space<hbm>>
      %dma_start3A_126 = arith.constant 0 : i32
      %dma_start3A_127 = tpu.memref_slice %arg6[%add3A_121, %dma_start3A_126] : memref<512x64xf32, #tpu.memory_space<vmem>> -> memref<1x64xf32, #tpu.memory_space<vmem>>
      %dma_start3A_128 = arith.constant 0 : i32
      %dma_start3A_129 = tpu.memref_slice %arg2[%squeeze3A_119, %dma_start3A_128] : memref<1000000x64xf32, #tpu.memory_space<hbm>> -> memref<1x64xf32, #tpu.memory_space<hbm>>
      tpu.enqueue_dma source(%dma_start3A_129 : memref<1x64xf32, #tpu.memory_space<hbm>>) target(%dma_start3A_127 : memref<1x64xf32, #tpu.memory_space<vmem>>) target_semaphore(%arg8 : memref<!tpu.dma_semaphore, #tpu.memory_space<semaphore_mem>>)
      %slice3A_130 = vector.extract_strided_slice %get3A_59 {offsets = [6], sizes = [1], strides = [1]} : vector<16xi32> to vector<1xi32>
      %squeeze3A_131 = vector.extract %slice3A_130[0] : i32 from vector<1xi32>
      %add3A_132 = arith.constant 6 : i32
      %add3A_133 = arith.addi %add3A_57, %add3A_132 : i32
      %dma_start3A_134 = arith.constant 0 : i32
      %dma_start3A_135 = tpu.memref_slice %arg6[%add3A_133, %dma_start3A_134] : memref<512x64xf32, #tpu.memory_space<vmem>> -> memref<1x64xf32, #tpu.memory_space<vmem>>
      %dma_start3A_136 = arith.constant 0 : i32
      %dma_start3A_137 = tpu.memref_slice %arg2[%squeeze3A_131, %dma_start3A_136] : memref<1000000x64xf32, #tpu.memory_space<hbm>> -> memref<1x64xf32, #tpu.memory_space<hbm>>
      %dma_start3A_138 = arith.constant 0 : i32
      %dma_start3A_139 = tpu.memref_slice %arg6[%add3A_133, %dma_start3A_138] : memref<512x64xf32, #tpu.memory_space<vmem>> -> memref<1x64xf32, #tpu.memory_space<vmem>>
      %dma_start3A_140 = arith.constant 0 : i32
      %dma_start3A_141 = tpu.memref_slice %arg2[%squeeze3A_131, %dma_start3A_140] : memref<1000000x64xf32, #tpu.memory_space<hbm>> -> memref<1x64xf32, #tpu.memory_space<hbm>>
      tpu.enqueue_dma source(%dma_start3A_141 : memref<1x64xf32, #tpu.memory_space<hbm>>) target(%dma_start3A_139 : memref<1x64xf32, #tpu.memory_space<vmem>>) target_semaphore(%arg8 : memref<!tpu.dma_semaphore, #tpu.memory_space<semaphore_mem>>)
      %slice3A_142 = vector.extract_strided_slice %get3A_59 {offsets = [7], sizes = [1], strides = [1]} : vector<16xi32> to vector<1xi32>
      %squeeze3A_143 = vector.extract %slice3A_142[0] : i32 from vector<1xi32>
      %add3A_144 = arith.constant 7 : i32
      %add3A_145 = arith.addi %add3A_57, %add3A_144 : i32
      %dma_start3A_146 = arith.constant 0 : i32
      %dma_start3A_147 = tpu.memref_slice %arg6[%add3A_145, %dma_start3A_146] : memref<512x64xf32, #tpu.memory_space<vmem>> -> memref<1x64xf32, #tpu.memory_space<vmem>>
      %dma_start3A_148 = arith.constant 0 : i32
      %dma_start3A_149 = tpu.memref_slice %arg2[%squeeze3A_143, %dma_start3A_148] : memref<1000000x64xf32, #tpu.memory_space<hbm>> -> memref<1x64xf32, #tpu.memory_space<hbm>>
      %dma_start3A_150 = arith.constant 0 : i32
      %dma_start3A_151 = tpu.memref_slice %arg6[%add3A_145, %dma_start3A_150] : memref<512x64xf32, #tpu.memory_space<vmem>> -> memref<1x64xf32, #tpu.memory_space<vmem>>
      %dma_start3A_152 = arith.constant 0 : i32
      %dma_start3A_153 = tpu.memref_slice %arg2[%squeeze3A_143, %dma_start3A_152] : memref<1000000x64xf32, #tpu.memory_space<hbm>> -> memref<1x64xf32, #tpu.memory_space<hbm>>
      tpu.enqueue_dma source(%dma_start3A_153 : memref<1x64xf32, #tpu.memory_space<hbm>>) target(%dma_start3A_151 : memref<1x64xf32, #tpu.memory_space<vmem>>) target_semaphore(%arg8 : memref<!tpu.dma_semaphore, #tpu.memory_space<semaphore_mem>>)
      %slice3A_154 = vector.extract_strided_slice %get3A_59 {offsets = [8], sizes = [1], strides = [1]} : vector<16xi32> to vector<1xi32>
      %squeeze3A_155 = vector.extract %slice3A_154[0] : i32 from vector<1xi32>
      %add3A_156 = arith.constant 8 : i32
      %add3A_157 = arith.addi %add3A_57, %add3A_156 : i32
      %dma_start3A_158 = arith.constant 0 : i32
      %dma_start3A_159 = tpu.memref_slice %arg6[%add3A_157, %dma_start3A_158] : memref<512x64xf32, #tpu.memory_space<vmem>> -> memref<1x64xf32, #tpu.memory_space<vmem>>
      %dma_start3A_160 = arith.constant 0 : i32
      %dma_start3A_161 = tpu.memref_slice %arg2[%squeeze3A_155, %dma_start3A_160] : memref<1000000x64xf32, #tpu.memory_space<hbm>> -> memref<1x64xf32, #tpu.memory_space<hbm>>
      %dma_start3A_162 = arith.constant 0 : i32
      %dma_start3A_163 = tpu.memref_slice %arg6[%add3A_157, %dma_start3A_162] : memref<512x64xf32, #tpu.memory_space<vmem>> -> memref<1x64xf32, #tpu.memory_space<vmem>>
      %dma_start3A_164 = arith.constant 0 : i32
      %dma_start3A_165 = tpu.memref_slice %arg2[%squeeze3A_155, %dma_start3A_164] : memref<1000000x64xf32, #tpu.memory_space<hbm>> -> memref<1x64xf32, #tpu.memory_space<hbm>>
      tpu.enqueue_dma source(%dma_start3A_165 : memref<1x64xf32, #tpu.memory_space<hbm>>) target(%dma_start3A_163 : memref<1x64xf32, #tpu.memory_space<vmem>>) target_semaphore(%arg8 : memref<!tpu.dma_semaphore, #tpu.memory_space<semaphore_mem>>)
      %slice3A_166 = vector.extract_strided_slice %get3A_59 {offsets = [9], sizes = [1], strides = [1]} : vector<16xi32> to vector<1xi32>
      %squeeze3A_167 = vector.extract %slice3A_166[0] : i32 from vector<1xi32>
      %add3A_168 = arith.constant 9 : i32
      %add3A_169 = arith.addi %add3A_57, %add3A_168 : i32
      %dma_start3A_170 = arith.constant 0 : i32
      %dma_start3A_171 = tpu.memref_slice %arg6[%add3A_169, %dma_start3A_170] : memref<512x64xf32, #tpu.memory_space<vmem>> -> memref<1x64xf32, #tpu.memory_space<vmem>>
      %dma_start3A_172 = arith.constant 0 : i32
      %dma_start3A_173 = tpu.memref_slice %arg2[%squeeze3A_167, %dma_start3A_172] : memref<1000000x64xf32, #tpu.memory_space<hbm>> -> memref<1x64xf32, #tpu.memory_space<hbm>>
      %dma_start3A_174 = arith.constant 0 : i32
      %dma_start3A_175 = tpu.memref_slice %arg6[%add3A_169, %dma_start3A_174] : memref<512x64xf32, #tpu.memory_space<vmem>> -> memref<1x64xf32, #tpu.memory_space<vmem>>
      %dma_start3A_176 = arith.constant 0 : i32
      %dma_start3A_177 = tpu.memref_slice %arg2[%squeeze3A_167, %dma_start3A_176] : memref<1000000x64xf32, #tpu.memory_space<hbm>> -> memref<1x64xf32, #tpu.memory_space<hbm>>
      tpu.enqueue_dma source(%dma_start3A_177 : memref<1x64xf32, #tpu.memory_space<hbm>>) target(%dma_start3A_175 : memref<1x64xf32, #tpu.memory_space<vmem>>) target_semaphore(%arg8 : memref<!tpu.dma_semaphore, #tpu.memory_space<semaphore_mem>>)
      %slice3A_178 = vector.extract_strided_slice %get3A_59 {offsets = [10], sizes = [1], strides = [1]} : vector<16xi32> to vector<1xi32>
      %squeeze3A_179 = vector.extract %slice3A_178[0] : i32 from vector<1xi32>
      %add3A_180 = arith.constant 10 : i32
      %add3A_181 = arith.addi %add3A_57, %add3A_180 : i32
      %dma_start3A_182 = arith.constant 0 : i32
      %dma_start3A_183 = tpu.memref_slice %arg6[%add3A_181, %dma_start3A_182] : memref<512x64xf32, #tpu.memory_space<vmem>> -> memref<1x64xf32, #tpu.memory_space<vmem>>
      %dma_start3A_184 = arith.constant 0 : i32
      %dma_start3A_185 = tpu.memref_slice %arg2[%squeeze3A_179, %dma_start3A_184] : memref<1000000x64xf32, #tpu.memory_space<hbm>> -> memref<1x64xf32, #tpu.memory_space<hbm>>
      %dma_start3A_186 = arith.constant 0 : i32
      %dma_start3A_187 = tpu.memref_slice %arg6[%add3A_181, %dma_start3A_186] : memref<512x64xf32, #tpu.memory_space<vmem>> -> memref<1x64xf32, #tpu.memory_space<vmem>>
      %dma_start3A_188 = arith.constant 0 : i32
      %dma_start3A_189 = tpu.memref_slice %arg2[%squeeze3A_179, %dma_start3A_188] : memref<1000000x64xf32, #tpu.memory_space<hbm>> -> memref<1x64xf32, #tpu.memory_space<hbm>>
      tpu.enqueue_dma source(%dma_start3A_189 : memref<1x64xf32, #tpu.memory_space<hbm>>) target(%dma_start3A_187 : memref<1x64xf32, #tpu.memory_space<vmem>>) target_semaphore(%arg8 : memref<!tpu.dma_semaphore, #tpu.memory_space<semaphore_mem>>)
      %slice3A_190 = vector.extract_strided_slice %get3A_59 {offsets = [11], sizes = [1], strides = [1]} : vector<16xi32> to vector<1xi32>
      %squeeze3A_191 = vector.extract %slice3A_190[0] : i32 from vector<1xi32>
      %add3A_192 = arith.constant 11 : i32
      %add3A_193 = arith.addi %add3A_57, %add3A_192 : i32
      %dma_start3A_194 = arith.constant 0 : i32
      %dma_start3A_195 = tpu.memref_slice %arg6[%add3A_193, %dma_start3A_194] : memref<512x64xf32, #tpu.memory_space<vmem>> -> memref<1x64xf32, #tpu.memory_space<vmem>>
      %dma_start3A_196 = arith.constant 0 : i32
      %dma_start3A_197 = tpu.memref_slice %arg2[%squeeze3A_191, %dma_start3A_196] : memref<1000000x64xf32, #tpu.memory_space<hbm>> -> memref<1x64xf32, #tpu.memory_space<hbm>>
      %dma_start3A_198 = arith.constant 0 : i32
      %dma_start3A_199 = tpu.memref_slice %arg6[%add3A_193, %dma_start3A_198] : memref<512x64xf32, #tpu.memory_space<vmem>> -> memref<1x64xf32, #tpu.memory_space<vmem>>
      %dma_start3A_200 = arith.constant 0 : i32
      %dma_start3A_201 = tpu.memref_slice %arg2[%squeeze3A_191, %dma_start3A_200] : memref<1000000x64xf32, #tpu.memory_space<hbm>> -> memref<1x64xf32, #tpu.memory_space<hbm>>
      tpu.enqueue_dma source(%dma_start3A_201 : memref<1x64xf32, #tpu.memory_space<hbm>>) target(%dma_start3A_199 : memref<1x64xf32, #tpu.memory_space<vmem>>) target_semaphore(%arg8 : memref<!tpu.dma_semaphore, #tpu.memory_space<semaphore_mem>>)
      %slice3A_202 = vector.extract_strided_slice %get3A_59 {offsets = [12], sizes = [1], strides = [1]} : vector<16xi32> to vector<1xi32>
      %squeeze3A_203 = vector.extract %slice3A_202[0] : i32 from vector<1xi32>
      %add3A_204 = arith.constant 12 : i32
      %add3A_205 = arith.addi %add3A_57, %add3A_204 : i32
      %dma_start3A_206 = arith.constant 0 : i32
      %dma_start3A_207 = tpu.memref_slice %arg6[%add3A_205, %dma_start3A_206] : memref<512x64xf32, #tpu.memory_space<vmem>> -> memref<1x64xf32, #tpu.memory_space<vmem>>
      %dma_start3A_208 = arith.constant 0 : i32
      %dma_start3A_209 = tpu.memref_slice %arg2[%squeeze3A_203, %dma_start3A_208] : memref<1000000x64xf32, #tpu.memory_space<hbm>> -> memref<1x64xf32, #tpu.memory_space<hbm>>
      %dma_start3A_210 = arith.constant 0 : i32
      %dma_start3A_211 = tpu.memref_slice %arg6[%add3A_205, %dma_start3A_210] : memref<512x64xf32, #tpu.memory_space<vmem>> -> memref<1x64xf32, #tpu.memory_space<vmem>>
      %dma_start3A_212 = arith.constant 0 : i32
      %dma_start3A_213 = tpu.memref_slice %arg2[%squeeze3A_203, %dma_start3A_212] : memref<1000000x64xf32, #tpu.memory_space<hbm>> -> memref<1x64xf32, #tpu.memory_space<hbm>>
      tpu.enqueue_dma source(%dma_start3A_213 : memref<1x64xf32, #tpu.memory_space<hbm>>) target(%dma_start3A_211 : memref<1x64xf32, #tpu.memory_space<vmem>>) target_semaphore(%arg8 : memref<!tpu.dma_semaphore, #tpu.memory_space<semaphore_mem>>)
      %slice3A_214 = vector.extract_strided_slice %get3A_59 {offsets = [13], sizes = [1], strides = [1]} : vector<16xi32> to vector<1xi32>
      %squeeze3A_215 = vector.extract %slice3A_214[0] : i32 from vector<1xi32>
      %add3A_216 = arith.constant 13 : i32
      %add3A_217 = arith.addi %add3A_57, %add3A_216 : i32
      %dma_start3A_218 = arith.constant 0 : i32
      %dma_start3A_219 = tpu.memref_slice %arg6[%add3A_217, %dma_start3A_218] : memref<512x64xf32, #tpu.memory_space<vmem>> -> memref<1x64xf32, #tpu.memory_space<vmem>>
      %dma_start3A_220 = arith.constant 0 : i32
      %dma_start3A_221 = tpu.memref_slice %arg2[%squeeze3A_215, %dma_start3A_220] : memref<1000000x64xf32, #tpu.memory_space<hbm>> -> memref<1x64xf32, #tpu.memory_space<hbm>>
      %dma_start3A_222 = arith.constant 0 : i32
      %dma_start3A_223 = tpu.memref_slice %arg6[%add3A_217, %dma_start3A_222] : memref<512x64xf32, #tpu.memory_space<vmem>> -> memref<1x64xf32, #tpu.memory_space<vmem>>
      %dma_start3A_224 = arith.constant 0 : i32
      %dma_start3A_225 = tpu.memref_slice %arg2[%squeeze3A_215, %dma_start3A_224] : memref<1000000x64xf32, #tpu.memory_space<hbm>> -> memref<1x64xf32, #tpu.memory_space<hbm>>
      tpu.enqueue_dma source(%dma_start3A_225 : memref<1x64xf32, #tpu.memory_space<hbm>>) target(%dma_start3A_223 : memref<1x64xf32, #tpu.memory_space<vmem>>) target_semaphore(%arg8 : memref<!tpu.dma_semaphore, #tpu.memory_space<semaphore_mem>>)
      %slice3A_226 = vector.extract_strided_slice %get3A_59 {offsets = [14], sizes = [1], strides = [1]} : vector<16xi32> to vector<1xi32>
      %squeeze3A_227 = vector.extract %slice3A_226[0] : i32 from vector<1xi32>
      %add3A_228 = arith.constant 14 : i32
      %add3A_229 = arith.addi %add3A_57, %add3A_228 : i32
      %dma_start3A_230 = arith.constant 0 : i32
      %dma_start3A_231 = tpu.memref_slice %arg6[%add3A_229, %dma_start3A_230] : memref<512x64xf32, #tpu.memory_space<vmem>> -> memref<1x64xf32, #tpu.memory_space<vmem>>
      %dma_start3A_232 = arith.constant 0 : i32
      %dma_start3A_233 = tpu.memref_slice %arg2[%squeeze3A_227, %dma_start3A_232] : memref<1000000x64xf32, #tpu.memory_space<hbm>> -> memref<1x64xf32, #tpu.memory_space<hbm>>
      %dma_start3A_234 = arith.constant 0 : i32
      %dma_start3A_235 = tpu.memref_slice %arg6[%add3A_229, %dma_start3A_234] : memref<512x64xf32, #tpu.memory_space<vmem>> -> memref<1x64xf32, #tpu.memory_space<vmem>>
      %dma_start3A_236 = arith.constant 0 : i32
      %dma_start3A_237 = tpu.memref_slice %arg2[%squeeze3A_227, %dma_start3A_236] : memref<1000000x64xf32, #tpu.memory_space<hbm>> -> memref<1x64xf32, #tpu.memory_space<hbm>>
      tpu.enqueue_dma source(%dma_start3A_237 : memref<1x64xf32, #tpu.memory_space<hbm>>) target(%dma_start3A_235 : memref<1x64xf32, #tpu.memory_space<vmem>>) target_semaphore(%arg8 : memref<!tpu.dma_semaphore, #tpu.memory_space<semaphore_mem>>)
      %slice3A_238 = vector.extract_strided_slice %get3A_59 {offsets = [15], sizes = [1], strides = [1]} : vector<16xi32> to vector<1xi32>
      %squeeze3A_239 = vector.extract %slice3A_238[0] : i32 from vector<1xi32>
      %add3A_240 = arith.constant 15 : i32
      %add3A_241 = arith.addi %add3A_57, %add3A_240 : i32
      %dma_start3A_242 = arith.constant 0 : i32
      %dma_start3A_243 = tpu.memref_slice %arg6[%add3A_241, %dma_start3A_242] : memref<512x64xf32, #tpu.memory_space<vmem>> -> memref<1x64xf32, #tpu.memory_space<vmem>>
      %dma_start3A_244 = arith.constant 0 : i32
      %dma_start3A_245 = tpu.memref_slice %arg2[%squeeze3A_239, %dma_start3A_244] : memref<1000000x64xf32, #tpu.memory_space<hbm>> -> memref<1x64xf32, #tpu.memory_space<hbm>>
      %dma_start3A_246 = arith.constant 0 : i32
      %dma_start3A_247 = tpu.memref_slice %arg6[%add3A_241, %dma_start3A_246] : memref<512x64xf32, #tpu.memory_space<vmem>> -> memref<1x64xf32, #tpu.memory_space<vmem>>
      %dma_start3A_248 = arith.constant 0 : i32
      %dma_start3A_249 = tpu.memref_slice %arg2[%squeeze3A_239, %dma_start3A_248] : memref<1000000x64xf32, #tpu.memory_space<hbm>> -> memref<1x64xf32, #tpu.memory_space<hbm>>
      tpu.enqueue_dma source(%dma_start3A_249 : memref<1x64xf32, #tpu.memory_space<hbm>>) target(%dma_start3A_247 : memref<1x64xf32, #tpu.memory_space<vmem>>) target_semaphore(%arg8 : memref<!tpu.dma_semaphore, #tpu.memory_space<semaphore_mem>>)
    }
    %scan3A_13 = arith.constant 16 : i32
    %scan3A_14 = arith.constant 0 : i32
    %scan3A_15 = arith.constant 256 : i32
    %scan3A_16 = arith.addi %scan3A_14, %scan3A_15 : i32
    %scan3A_17 = arith.constant 1 : i32
    scf.for %scan3A_53 = %scan3A_14 to %scan3A_16 step %scan3A_17  : i32 {
      %mul3A_54 = arith.constant 1 : i32
      %mul3A_55 = arith.muli %scan3A_53, %mul3A_54 : i32
      %add3A_56 = arith.constant 0 : i32
      %add3A_57 = arith.addi %add3A_56, %mul3A_55 : i32
      %dma_wait3A_58 = arith.constant 0 : i32
      %dma_wait3A_59 = arith.constant 0 : i32
      %dma_wait3A_60 = tpu.memref_slice %arg6[%dma_wait3A_58, %dma_wait3A_59] : memref<512x64xf32, #tpu.memory_space<vmem>> -> memref<1x64xf32, #tpu.memory_space<vmem>>
      %dma_wait3A_61 = arith.constant 0 : i32
      %dma_wait3A_62 = arith.constant 0 : i32
      %dma_wait3A_63 = tpu.memref_slice %arg2[%dma_wait3A_61, %dma_wait3A_62] : memref<1000000x64xf32, #tpu.memory_space<hbm>> -> memref<1x64xf32, #tpu.memory_space<hbm>>
      %dma_wait3A_64 = arith.constant 0 : i32
      %dma_wait3A_65 = arith.constant 0 : i32
      %dma_wait3A_66 = tpu.memref_slice %arg6[%dma_wait3A_64, %dma_wait3A_65] : memref<512x64xf32, #tpu.memory_space<vmem>> -> memref<1x64xf32, #tpu.memory_space<vmem>>
      %dma_wait3A_67 = arith.constant 0 : i32
      %dma_wait3A_68 = arith.constant 0 : i32
      %dma_wait3A_69 = tpu.memref_slice %arg2[%dma_wait3A_67, %dma_wait3A_68] : memref<1000000x64xf32, #tpu.memory_space<hbm>> -> memref<1x64xf32, #tpu.memory_space<hbm>>
      tpu.wait_dma2 semaphore(%arg7 : memref<!tpu.dma_semaphore, #tpu.memory_space<semaphore_mem>>) src(%dma_wait3A_69 : memref<1x64xf32, #tpu.memory_space<hbm>>) dst(%dma_wait3A_66 : memref<1x64xf32, #tpu.memory_space<vmem>>)
    }
    %scan3A_18 = arith.constant 256 : i32
    %add3A_19 = arith.constant 0 : i32
    %add3A_20 = arith.addi %mul3A_2, %add3A_19 : i32
    %dma_start3A_21 = arith.constant 0 : i32
    %dma_start3A_22 = arith.constant 0 : i32
    %dma_start3A_23 = tpu.memref_slice %arg6[%dma_start3A_21, %dma_start3A_22] : memref<512x64xf32, #tpu.memory_space<vmem>> -> memref<256x64xf32, #tpu.memory_space<vmem>>
    %dma_start3A_24 = arith.constant 0 : i32
    %dma_start3A_25 = tpu.memref_slice %arg4[%add3A_20, %dma_start3A_24] : memref<16384x64xf32, #tpu.memory_space<hbm>> -> memref<256x64xf32, #tpu.memory_space<hbm>>
    %dma_start3A_26 = arith.constant 0 : i32
    %dma_start3A_27 = tpu.memref_slice %arg4[%add3A_20, %dma_start3A_26] : memref<16384x64xf32, #tpu.memory_space<hbm>> -> memref<256x64xf32, #tpu.memory_space<hbm>>
    %dma_start3A_28 = arith.constant 0 : i32
    %dma_start3A_29 = arith.constant 0 : i32
    %dma_start3A_30 = tpu.memref_slice %arg6[%dma_start3A_28, %dma_start3A_29] : memref<512x64xf32, #tpu.memory_space<vmem>> -> memref<256x64xf32, #tpu.memory_space<vmem>>
    tpu.enqueue_dma source(%dma_start3A_30 : memref<256x64xf32, #tpu.memory_space<vmem>>) target(%dma_start3A_27 : memref<256x64xf32, #tpu.memory_space<hbm>>) target_semaphore(%arg9 : memref<!tpu.dma_semaphore, #tpu.memory_space<semaphore_mem>>)
    %scan3A_31 = arith.constant 0 : i32
    %scan3A_32 = arith.constant 256 : i32
    %scan3A_33 = arith.addi %scan3A_31, %scan3A_32 : i32
    %scan3A_34 = arith.constant 1 : i32
    scf.for %scan3A_53 = %scan3A_31 to %scan3A_33 step %scan3A_34  : i32 {
      %mul3A_54 = arith.constant 1 : i32
      %mul3A_55 = arith.muli %scan3A_53, %mul3A_54 : i32
      %add3A_56 = arith.constant 0 : i32
      %add3A_57 = arith.addi %add3A_56, %mul3A_55 : i32
      %dma_wait3A_58 = arith.constant 0 : i32
      %dma_wait3A_59 = arith.constant 0 : i32
      %dma_wait3A_60 = tpu.memref_slice %arg6[%dma_wait3A_58, %dma_wait3A_59] : memref<512x64xf32, #tpu.memory_space<vmem>> -> memref<1x64xf32, #tpu.memory_space<vmem>>
      %dma_wait3A_61 = arith.constant 0 : i32
      %dma_wait3A_62 = arith.constant 0 : i32
      %dma_wait3A_63 = tpu.memref_slice %arg2[%dma_wait3A_61, %dma_wait3A_62] : memref<1000000x64xf32, #tpu.memory_space<hbm>> -> memref<1x64xf32, #tpu.memory_space<hbm>>
      %dma_wait3A_64 = arith.constant 0 : i32
      %dma_wait3A_65 = arith.constant 0 : i32
      %dma_wait3A_66 = tpu.memref_slice %arg6[%dma_wait3A_64, %dma_wait3A_65] : memref<512x64xf32, #tpu.memory_space<vmem>> -> memref<1x64xf32, #tpu.memory_space<vmem>>
      %dma_wait3A_67 = arith.constant 0 : i32
      %dma_wait3A_68 = arith.constant 0 : i32
      %dma_wait3A_69 = tpu.memref_slice %arg2[%dma_wait3A_67, %dma_wait3A_68] : memref<1000000x64xf32, #tpu.memory_space<hbm>> -> memref<1x64xf32, #tpu.memory_space<hbm>>
      tpu.wait_dma2 semaphore(%arg8 : memref<!tpu.dma_semaphore, #tpu.memory_space<semaphore_mem>>) src(%dma_wait3A_69 : memref<1x64xf32, #tpu.memory_space<hbm>>) dst(%dma_wait3A_66 : memref<1x64xf32, #tpu.memory_space<vmem>>)
    }
    %scan3A_35 = arith.constant 256 : i32
    %add3A_36 = arith.constant 256 : i32
    %add3A_37 = arith.addi %mul3A_2, %add3A_36 : i32
    %dma_start3A_38 = arith.constant 256 : i32
    %dma_start3A_39 = arith.constant 0 : i32
    %dma_start3A_40 = tpu.memref_slice %arg6[%dma_start3A_38, %dma_start3A_39] : memref<512x64xf32, #tpu.memory_space<vmem>> -> memref<256x64xf32, #tpu.memory_space<vmem>>
    %dma_start3A_41 = arith.constant 0 : i32
    %dma_start3A_42 = tpu.memref_slice %arg4[%add3A_37, %dma_start3A_41] : memref<16384x64xf32, #tpu.memory_space<hbm>> -> memref<256x64xf32, #tpu.memory_space<hbm>>
    %dma_start3A_43 = arith.constant 0 : i32
    %dma_start3A_44 = tpu.memref_slice %arg4[%add3A_37, %dma_start3A_43] : memref<16384x64xf32, #tpu.memory_space<hbm>> -> memref<256x64xf32, #tpu.memory_space<hbm>>
    %dma_start3A_45 = arith.constant 256 : i32
    %dma_start3A_46 = arith.constant 0 : i32
    %dma_start3A_47 = tpu.memref_slice %arg6[%dma_start3A_45, %dma_start3A_46] : memref<512x64xf32, #tpu.memory_space<vmem>> -> memref<256x64xf32, #tpu.memory_space<vmem>>
    tpu.enqueue_dma source(%dma_start3A_47 : memref<256x64xf32, #tpu.memory_space<vmem>>) target(%dma_start3A_44 : memref<256x64xf32, #tpu.memory_space<hbm>>) target_semaphore(%arg9 : memref<!tpu.dma_semaphore, #tpu.memory_space<semaphore_mem>>)
    %scan3A_48 = arith.constant 0 : i32
    %scan3A_49 = arith.constant 2 : i32
    %scan3A_50 = arith.addi %scan3A_48, %scan3A_49 : i32
    %scan3A_51 = arith.constant 1 : i32
    scf.for %scan3A_53 = %scan3A_48 to %scan3A_50 step %scan3A_51  : i32 {
      %mul3A_54 = arith.constant 1 : i32
      %mul3A_55 = arith.muli %scan3A_53, %mul3A_54 : i32
      %add3A_56 = arith.constant 0 : i32
      %add3A_57 = arith.addi %add3A_56, %mul3A_55 : i32
      %dma_wait3A_58 = arith.constant 0 : i32
      %dma_wait3A_59 = arith.constant 0 : i32
      %dma_wait3A_60 = tpu.memref_slice %arg6[%dma_wait3A_58, %dma_wait3A_59] : memref<512x64xf32, #tpu.memory_space<vmem>> -> memref<256x64xf32, #tpu.memory_space<vmem>>
      %dma_wait3A_61 = arith.constant 0 : i32
      %dma_wait3A_62 = tpu.memref_slice %arg4[%mul3A_2, %dma_wait3A_61] : memref<16384x64xf32, #tpu.memory_space<hbm>> -> memref<256x64xf32, #tpu.memory_space<hbm>>
      %dma_wait3A_63 = arith.constant 0 : i32
      %dma_wait3A_64 = tpu.memref_slice %arg4[%mul3A_2, %dma_wait3A_63] : memref<16384x64xf32, #tpu.memory_space<hbm>> -> memref<256x64xf32, #tpu.memory_space<hbm>>
      %dma_wait3A_65 = arith.constant 0 : i32
      %dma_wait3A_66 = arith.constant 0 : i32
      %dma_wait3A_67 = tpu.memref_slice %arg6[%dma_wait3A_65, %dma_wait3A_66] : memref<512x64xf32, #tpu.memory_space<vmem>> -> memref<256x64xf32, #tpu.memory_space<vmem>>
      tpu.wait_dma2 semaphore(%arg9 : memref<!tpu.dma_semaphore, #tpu.memory_space<semaphore_mem>>) src(%dma_wait3A_67 : memref<256x64xf32, #tpu.memory_space<vmem>>) dst(%dma_wait3A_64 : memref<256x64xf32, #tpu.memory_space<hbm>>)
    }
    %scan3A_52 = arith.constant 2 : i32
    return
  }
}

module attributes {stable_mosaic.version = 14 : i64} {
  func.func @_mlp_body(%arg0: i32, %arg1: memref<2048x64xf32, #tpu.memory_space<vmem>>, %arg2: memref<2048x64xf32, #tpu.memory_space<vmem>>, %arg3: memref<128x128xf32, #tpu.memory_space<vmem>>, %arg4: memref<1x128xf32, #tpu.memory_space<vmem>>, %arg5: memref<64x128xf32, #tpu.memory_space<vmem>>, %arg6: memref<1x64xf32, #tpu.memory_space<vmem>>, %arg7: memref<1x64xf32, #tpu.memory_space<vmem>>, %arg8: memref<1xf32, #tpu.memory_space<smem>>, %arg9: memref<2048x1xf32, #tpu.memory_space<vmem>>) attributes {dimension_semantics = [#tpu.dimension_semantics<arbitrary>], iteration_bounds = array<i64: 8>, scalar_prefetch = 0 : i64, scratch_operands = 0 : i64, tpu.core_type = #tpu.core_type<tc>, window_params = [{transform_indices = @transform_0, window_bounds = array<i64: 2048, 64>}, {transform_indices = @transform_1, window_bounds = array<i64: 2048, 64>}, {pipeline_mode = #tpu.pipeline_mode<synchronous>, transform_indices = @transform_2, window_bounds = array<i64: 128, 128>}, {pipeline_mode = #tpu.pipeline_mode<synchronous>, transform_indices = @transform_3, window_bounds = array<i64: 1, 128>}, {pipeline_mode = #tpu.pipeline_mode<synchronous>, transform_indices = @transform_4, window_bounds = array<i64: 64, 128>}, {pipeline_mode = #tpu.pipeline_mode<synchronous>, transform_indices = @transform_5, window_bounds = array<i64: 1, 64>}, {pipeline_mode = #tpu.pipeline_mode<synchronous>, transform_indices = @transform_6, window_bounds = array<i64: 1, 64>}, {transform_indices = @transform_7, window_bounds = array<i64: 1>}, {transform_indices = @transform_8, window_bounds = array<i64: 2048, 1>}]} {
    %get3A = arith.constant 0 : index
    %get3A_0 = arith.constant 0 : index
    %get3A_1 = vector.load %arg1[%get3A, %get3A_0] : memref<2048x64xf32, #tpu.memory_space<vmem>>, vector<2048x64xf32>
    %get3A_2 = arith.constant 0 : index
    %get3A_3 = arith.constant 0 : index
    %get3A_4 = vector.load %arg3[%get3A_2, %get3A_3] : memref<128x128xf32, #tpu.memory_space<vmem>>, vector<128x64xf32>
    %dot_general3A = arith.constant dense<0.000000e+00> : vector<2048x128xf32>
    %dot_general3A_5 = tpu.matmul %get3A_1, %get3A_4, %dot_general3A {dimension_numbers = #tpu.dot_dimension_numbers<[1], [1], [0], [0], [0, 0, 1, 0], [], []>, precision = #tpu.contract_precision<fp32>, transpose_lhs_hint = false} : vector<2048x64xf32>, vector<128x64xf32>, vector<2048x128xf32> -> vector<2048x128xf32>
    %get3A_6 = arith.constant 0 : index
    %get3A_7 = arith.constant 0 : index
    %get3A_8 = vector.load %arg2[%get3A_6, %get3A_7] : memref<2048x64xf32, #tpu.memory_space<vmem>>, vector<2048x64xf32>
    %get3A_9 = arith.constant 0 : index
    %get3A_10 = arith.constant 64 : index
    %get3A_11 = vector.load %arg3[%get3A_9, %get3A_10] : memref<128x128xf32, #tpu.memory_space<vmem>>, vector<128x64xf32>
    %dot_general3A_12 = arith.constant dense<0.000000e+00> : vector<2048x128xf32>
    %dot_general3A_13 = tpu.matmul %get3A_8, %get3A_11, %dot_general3A_12 {dimension_numbers = #tpu.dot_dimension_numbers<[1], [1], [0], [0], [0, 0, 1, 0], [], []>, precision = #tpu.contract_precision<fp32>, transpose_lhs_hint = false} : vector<2048x64xf32>, vector<128x64xf32>, vector<2048x128xf32> -> vector<2048x128xf32>
    %add3A = arith.addf %dot_general3A_5, %dot_general3A_13 : vector<2048x128xf32>
    %get3A_14 = arith.constant 0 : index
    %get3A_15 = arith.constant 0 : index
    %get3A_16 = vector.load %arg4[%get3A_14, %get3A_15] : memref<1x128xf32, #tpu.memory_space<vmem>>, vector<1x128xf32>
    %add3A_17 = vector.broadcast %get3A_16 : vector<1x128xf32> to vector<2048x128xf32>
    %add3A_18 = arith.addf %add3A, %add3A_17 : vector<2048x128xf32>
    %max3A = arith.constant 0.000000e+00 : f32
    %max3A_19 = vector.broadcast %max3A : f32 to vector<2048x128xf32>
    %max3A_20 = arith.maximumf %add3A_18, %max3A_19 : vector<2048x128xf32>
    %get3A_21 = arith.constant 0 : index
    %get3A_22 = arith.constant 0 : index
    %get3A_23 = vector.load %arg5[%get3A_21, %get3A_22] : memref<64x128xf32, #tpu.memory_space<vmem>>, vector<64x128xf32>
    %dot_general3A_24 = arith.constant dense<0.000000e+00> : vector<2048x64xf32>
    %dot_general3A_25 = tpu.matmul %max3A_20, %get3A_23, %dot_general3A_24 {dimension_numbers = #tpu.dot_dimension_numbers<[1], [1], [0], [0], [0, 0, 1, 0], [], []>, precision = #tpu.contract_precision<fp32>, transpose_lhs_hint = false} : vector<2048x128xf32>, vector<64x128xf32>, vector<2048x64xf32> -> vector<2048x64xf32>
    %get3A_26 = arith.constant 0 : index
    %get3A_27 = arith.constant 0 : index
    %get3A_28 = vector.load %arg6[%get3A_26, %get3A_27] : memref<1x64xf32, #tpu.memory_space<vmem>>, vector<1x64xf32>
    %add3A_29 = vector.broadcast %get3A_28 : vector<1x64xf32> to vector<2048x64xf32>
    %add3A_30 = arith.addf %dot_general3A_25, %add3A_29 : vector<2048x64xf32>
    %max3A_31 = arith.constant 0.000000e+00 : f32
    %max3A_32 = vector.broadcast %max3A_31 : f32 to vector<2048x64xf32>
    %max3A_33 = arith.maximumf %add3A_30, %max3A_32 : vector<2048x64xf32>
    %get3A_34 = arith.constant 0 : index
    %get3A_35 = arith.constant 0 : index
    %get3A_36 = vector.load %arg7[%get3A_34, %get3A_35] : memref<1x64xf32, #tpu.memory_space<vmem>>, vector<1x64xf32>
    %mul3A = vector.broadcast %get3A_36 : vector<1x64xf32> to vector<2048x64xf32>
    %mul3A_37 = arith.mulf %max3A_33, %mul3A : vector<2048x64xf32>
    %reduce_sum3A = arith.constant dense<0.000000e+00> : vector<2048xf32>
    %reduce_sum3A_38 = vector.multi_reduction <add>, %mul3A_37, %reduce_sum3A [1] : vector<2048x64xf32> to vector<2048xf32>
    %broadcast_in_dim3A = vector.shape_cast %reduce_sum3A_38 : vector<2048xf32> to vector<2048x1xf32>
    %get3A_39 = arith.constant 0 : index
    %get3A_40 = memref.load %arg8[%get3A_39] : memref<1xf32, #tpu.memory_space<smem>>
    %add3A_41 = vector.broadcast %get3A_40 : f32 to vector<2048x1xf32>
    %add3A_42 = arith.addf %broadcast_in_dim3A, %add3A_41 : vector<2048x1xf32>
    %swap3A = arith.constant 0 : index
    %swap3A_43 = arith.constant 0 : index
    %swap3A_44 = vector.load %arg9[%swap3A, %swap3A_43] : memref<2048x1xf32, #tpu.memory_space<vmem>>, vector<2048x1xf32>
    tpu.vector_store %arg9[%swap3A, %swap3A_43], %add3A_42 {strides = array<i32>} : memref<2048x1xf32, #tpu.memory_space<vmem>>, vector<2048x1xf32>,
    return
  }
  func.func @transform_0(%arg0: i32) -> (i32, i32) {
    %c0_i32 = arith.constant 0 : i32
    %c0_i32_0 = arith.constant 0 : i32
    return %arg0, %c0_i32 : i32, i32
  }
  func.func @transform_1(%arg0: i32) -> (i32, i32) {
    %c0_i32 = arith.constant 0 : i32
    %c0_i32_0 = arith.constant 0 : i32
    return %arg0, %c0_i32 : i32, i32
  }
  func.func @transform_2(%arg0: i32) -> (i32, i32) {
    %c0_i32 = arith.constant 0 : i32
    %c0_i32_0 = arith.constant 0 : i32
    %c0_i32_1 = arith.constant 0 : i32
    return %c0_i32, %c0_i32_0 : i32, i32
  }
  func.func @transform_3(%arg0: i32) -> (i32, i32) {
    %c0_i32 = arith.constant 0 : i32
    %c0_i32_0 = arith.constant 0 : i32
    %c0_i32_1 = arith.constant 0 : i32
    return %c0_i32, %c0_i32_0 : i32, i32
  }
  func.func @transform_4(%arg0: i32) -> (i32, i32) {
    %c0_i32 = arith.constant 0 : i32
    %c0_i32_0 = arith.constant 0 : i32
    %c0_i32_1 = arith.constant 0 : i32
    return %c0_i32, %c0_i32_0 : i32, i32
  }
  func.func @transform_5(%arg0: i32) -> (i32, i32) {
    %c0_i32 = arith.constant 0 : i32
    %c0_i32_0 = arith.constant 0 : i32
    %c0_i32_1 = arith.constant 0 : i32
    return %c0_i32, %c0_i32_0 : i32, i32
  }
  func.func @transform_6(%arg0: i32) -> (i32, i32) {
    %c0_i32 = arith.constant 0 : i32
    %c0_i32_0 = arith.constant 0 : i32
    %c0_i32_1 = arith.constant 0 : i32
    return %c0_i32, %c0_i32_0 : i32, i32
  }
  func.func @transform_7(%arg0: i32) -> i32 {
    %c0_i32 = arith.constant 0 : i32
    %c0_i32_0 = arith.constant 0 : i32
    return %c0_i32 : i32
  }
  func.func @transform_8(%arg0: i32) -> (i32, i32) {
    %c0_i32 = arith.constant 0 : i32
    %c0_i32_0 = arith.constant 0 : i32
    return %arg0, %c0_i32 : i32, i32
  }
}

</mosaic_0001>

<sc_bundles>
// kernel: kernel.5.cloned.1.call-start
scs
__scs_entry_jumppad:
0x0: {  	(pc) =	sbr.rel $0x88, $3  }
0x1: {  	(tag) =	ssettag $0x0;
	lr =	simm.s32 $0x1  }
0x2: {  	[smem:$0x3F97] =	sst lr;
	_ =	strace $0xD0000000  }
0x3: {  	_ = 	snop  }
0x4: {  	_ = 	snop  }
0x5: {  	_ = 	snop  }
0x6: {  	_ = 	snop  }
0x7: {  	_ = 	snop  }
__scs_overlays_trampoline_lowered:
0x8: {  	[smem:$0x3FA6] =	sst s0  }
0x9: {  	[smem:$0x3FA7] =	sst s1  }
0xa: {  	[smem:$0x3FA8] =	sst s2  }
0xb: {  	[smem:$0x3FA9] =	sst s3  }
0xc: {  	[smem:$0x3FAA] =	sst s4  }
0xd: {  	[smem:$0x3FAB] =	sst s5  }
0xe: {  	[smem:$0x3FAC] =	sst s6  }
0xf: {  	[smem:$0x3FAD] =	sst s7  }
0x10: {  	[smem:$0x3FAE] =	sst s8  }
0x11: {  	[smem:$0x3FAF] =	sst s9;
	s0 =	simm.s32 @!p0 $0x0  }
0x12: {  	s1 =	sld [smem:$0x3F95];
	s0 =	simm.s32 @p0 $0x1  }
0x13: {  	[smem:$0x3FB0] =	sst s0;
	s0 =	simm.s32 @!p1 $0x0  }
0x14: {  	s2 =	sld [smem:$0x3F94];
	s0 =	simm.s32 @p1 $0x1  }
0x15: {  	[smem:$0x3FB1] =	sst s0;
	s0 =	simm.s32 @!p2 $0x0  }
0x16: {  	s3 =	sld [smem:$0x3FDB];
	s0 =	simm.s32 @p2 $0x1  }
0x17: {  	s4 =	simm.s32 $0x1BF5;
	[smem:$0x3FB3] =	sst s0  }
0x18: {  	s0 =	sld [smem:$0x3F96];
	_ =	swait.ge [sflag:s4], $0x0  }
0x19: {  	s7 =	sld [smem:$0x3F97]  }
0x1a: {  	s8 =	sadd.s32 $0xFFFFE003, lr  }
0x1b: {  	s9 =	sadd.s32 $0xFFFFFEF7, lr;
	s5 =	simm.s32 $0xFFFFFFFF;
	p2 =	slt.u32 s8, $0xFFFFF086  }
0x1c: {  	p1 =	slt.u32 s9, $0xF7A;
	s5 =	simm.s32 @!p2 $0x0  }
0x1d: {  	s5 =	simm.s32 @p1 $0x1;
	p0 =	seq.s32 s7, s2  }
0x1e: {  	s7 =	smul.u32 @!p0 $0xF7A, s2;
	p2 =	seq.s32 @!p0 s5, $0x0  }
0x1f: {  	s9 =	smul.u32 $0xF7A, s1;
	s8 =	simm.s32 @!p0 $0x1BF5;
	p2 =	por !p2, p0  }
0x20: {  	[sflag:s8] =	ssyncset.s32 @!p0 $0xFFFFF086;
	s6 =	sadd.s32 @!p0 s3, s7;
	s7 =	simm.s32 @!p0 $0x108  }
0x21: {  	s3 =	sadd.s32 s3, s9;
	s6 =	sadd.s32 @!p0 $0x88, s6;
	s7 =	simm.s32 @p2 $0x1082  }
0x22: {  	[simem:s7], [sflag:s8] =	dma.local @!p0 [hbm:s6], $0xF7A  }
0x23: {  	s9 =	sor.u32 $0xD0000000, s2;
	s6 =	simm.s32 $0x108;
	_ =	swait.ge @!p0 [sflag:s8], $0x0  }
0x24: {  	s3 =	sadd.s32 $0x88, s3;
	s6 =	simm.s32 @!p1 $0x1082;
	[sflag:s4] =	ssyncset.s32 $0xFFFFF086  }
0x25: {  	[simem:s6], [sflag:s4] =	dma.local [hbm:s3], $0xF7A  }
0x26: {  	[smem:$0x3F97] =	sst s1;
	(tag) =	ssettag s2;
	_ =	strace s9  }
0x27: {  	s1 =	sld [smem:$0x3FA7]  }
0x28: {  	s2 =	sld [smem:$0x3FA8]  }
0x29: {  	s4 =	sld [smem:$0x3FAA]  }
0x2a: {  	p0 =	seq.s32 s5, $0x0;
	s5 =	sld [smem:$0x3FAB]  }
0x2b: {  	s6 =	sld [smem:$0x3FAC]  }
0x2c: {  	s7 =	sld [smem:$0x3FAD]  }
0x2d: {  	s3 =	simm.s32 $0x108;
	s8 =	sld [smem:$0x3FAE]  }
0x2e: {  	s3 =	simm.s32 @!p0 $0x1082;
	s9 =	sld [smem:$0x3FAF]  }
0x2f: {  	lr =	sadd.s32 s0, s3;
	s0 =	sld [smem:$0x3FA6]  }
0x30: {  	s3 =	sld [smem:$0x3FA9]  }
0x31: {  	[smem:$0x3FB2] =	sst s10  }
0x32: {  	s10 =	sld [smem:$0x3FB0];
	_ =	sdelay $0x3  }
0x33: {  	p0 =	seq.s32 s10, $0x1;
	s10 =	sld [smem:$0x3FB2];
	_ =	sdelay $0x3  }
0x34: {  	[smem:$0x3FB2] =	sst s10  }
0x35: {  	s10 =	sld [smem:$0x3FB1];
	_ =	sdelay $0x3  }
0x36: {  	p1 =	seq.s32 s10, $0x1;
	s10 =	sld [smem:$0x3FB2];
	_ =	sdelay $0x3  }
0x37: {  	[smem:$0x3FB2] =	sst s10  }
0x38: {  	s10 =	sld [smem:$0x3FB3]  }
0x39: {  	_ = 	snop;
	(pc) =	sbr.ind lr, $3  }
0x3a: {  	_ = 	snop  }
0x3b: {  	_ = 	snop  }
0x3c: {  	p2 =	seq.s32 s10, $0x1;
	s10 =	sld [smem:$0x3FB2]  }
0x3d: {  	_ =	shalt  }
0x3e: {  	_ =	shalt  }
0x3f: {  	_ =	shalt  }
0x40: {  	_ =	shalt  }
0x41: {  	_ =	shalt  }
0x42: {  	_ =	shalt  }
0x43: {  	_ =	shalt  }
0x44: {  	_ =	shalt  }
0x45: {  	_ =	shalt  }
0x46: {  	_ =	shalt  }
0x47: {  	_ =	shalt  }
0x48: {  	_ =	shalt  }
0x49: {  	_ =	shalt  }
0x4a: {  	_ =	shalt  }
0x4b: {  	_ =	shalt  }
0x4c: {  	_ =	shalt  }
0x4d: {  	_ =	shalt  }
0x4e: {  	_ =	shalt  }
0x4f: {  	_ =	shalt  }
0x50: {  	_ =	shalt  }
0x51: {  	_ =	shalt  }
0x52: {  	_ =	shalt  }
0x53: {  	_ =	shalt  }
0x54: {  	_ =	shalt  }
0x55: {  	_ =	shalt  }
0x56: {  	_ =	shalt  }
0x57: {  	_ =	shalt  }
0x58: {  	_ =	shalt  }
0x59: {  	_ =	shalt  }
0x5a: {  	_ =	shalt  }
0x5b: {  	_ =	shalt  }
0x5c: {  	_ =	shalt  }
0x5d: {  	_ =	shalt  }
0x5e: {  	_ =	shalt  }
0x5f: {  	_ =	shalt  }
0x60: {  	_ =	shalt  }
0x61: {  	_ =	shalt  }
0x62: {  	_ =	shalt  }
0x63: {  	_ =	shalt  }
0x64: {  	_ =	shalt  }
0x65: {  	_ =	shalt  }
0x66: {  	_ =	shalt  }
0x67: {  	_ =	shalt  }
0x68: {  	_ =	shalt  }
0x69: {  	_ =	shalt  }
0x6a: {  	_ =	shalt  }
0x6b: {  	_ =	shalt  }
0x6c: {  	_ =	shalt  }
0x6d: {  	_ =	shalt  }
0x6e: {  	_ =	shalt  }
0x6f: {  	_ =	shalt  }
0x70: {  	_ =	shalt  }
0x71: {  	_ =	shalt  }
0x72: {  	_ =	shalt  }
0x73: {  	_ =	shalt  }
0x74: {  	_ =	shalt  }
0x75: {  	_ =	shalt  }
0x76: {  	_ =	shalt  }
0x77: {  	_ =	shalt  }
0x78: {  	_ =	shalt  }
0x79: {  	_ =	shalt  }
0x7a: {  	_ =	shalt  }
0x7b: {  	_ =	shalt  }
0x7c: {  	_ =	shalt  }
0x7d: {  	_ =	shalt  }
0x7e: {  	_ =	shalt  }
0x7f: {  	_ =	shalt  }
0x80: {  	_ =	shalt  }
0x81: {  	_ =	shalt  }
0x82: {  	_ =	shalt  }
0x83: {  	_ =	shalt  }
0x84: {  	_ =	shalt  }
0x85: {  	_ =	shalt  }
0x86: {  	_ =	shalt  }
0x87: {  	_ =	shalt  }
.Lfunc_end0:
.L_simem_size_0:
called_computation_lowered:
.L_overlay_start_0:
0x88: {  	s2 =	sld [smem:$0x3FD9]  }
0x89: {  	s3 =	sld [smem:$0x3FFE];
	_ =	sdelay $0x1  }
0x8a: {  	s1 =	srdreg.scid  }
0x8b: {  	s0 =	sand.u32 $0x1, s1  }
0x8c: {  	s17 =	sshll.u32 s0, $0xA;
	s2 =	sadd.s32 s3, s2  }
0x8d: {  	s2 =	sadd.s32 s2, s17  }
0x8e: {  	[smem:$0x3FBE] =	sst s2  }
0x8f: {  	_ = 	snop  }
0x90: {  	s18 =	sld [smem:$0x3FC8];
	(tm) =	ssettm $0x1  }
0x91: {  	s19 =	sld [smem:$0x3FFB];
	_ =	sdelay $0x3  }
0x92: {  	_ =	strace s19  }
0x93: {  	s2 =	sld [smem:$0x3FFC];
	_ =	sdelay $0x3  }
0x94: {  	_ =	strace s2  }
0x95: {  	s2 =	sld [smem:$0x3FFD];
	_ =	sdelay $0x3  }
0x96: {  	_ =	strace s2  }
0x97: {  	_ =	strace $0x8FFFFFFF  }
0x98: {  	s20 =	sld [smem:$0x3FDB];
	_ =	sdelay $0x1  }
0x99: {  	s4 =	simm.s32 $_scs_section_size  }
0x9a: {  	s5 =	simm.s32 $_size__tile_overlayer_lowered;
	s6 =	simm.s32 $_tile_overlayer_lowered  }
0x9b: {  	s7 =	simm.s32 $0x1BFF;
	s21 =	sshll.u32 s6, $0x1;
	s4 =	sadd.s32 s4, s20  }
0x9c: {  	s22 =	simm.s32 $0x0;
	s5 =	sshll.u32 s5, $0x1;
	s6 =	sadd.s32 s21, s4  }
0x9d: {  	[timem:s22], [sflag:s7] =	dma.local [hbm:s6], s5  }
0x9e: {  	_ =	swait.ge [sflag:s7], s5  }
0x9f: {  	s5 =	ssub.s32 $0x0, s5;
	[sflag:s7] =	ssyncset.done $0x0  }
0xa0: {  	[sflag:s7] =	ssyncadd.s32 s5;
	_ =	sdelay $0x1  }
0xa1: {  	s23 =	simm.s32 $0x1B8B  }
0xa2: {  	_ =	swait.ge [sflag:s23], $0x1  }
0xa3: {  	[sflag:s23] =	ssyncset.done $0x0  }
0xa4: {  	[sflag:s23] =	ssyncadd.s32 $0xFFFFFFFF  }
0xa5: {  	s5 =	sld [smem:$0x0]  }
0xa6: {  	s6 =	sand.u32 $0xFFFFFFFE, s1  }
0xa7: {  	p0 =	sne.s32 s1, s6  }
0xa8: {  	s6 =	sshll.u32 @p0 s6, $0xE  }
0xa9: {  	s6 =	sadd.s32 @p0 $0x11B8D, s6;
	s7 =	sshll.u32 @p0 s5, $0x11  }
0xaa: {  	s6 =	sor.u32 @p0 s7, s6  }
0xab: {  	[sflag:s6] =	ssyncadd.remote.s32 @p0 $0x1;
	_ =	sdelay $0x1  }
0xac: {  	s6 =	simm.s32 @p0 $0x1B8D  }
0xad: {  	_ =	swait.eq @p0 [sflag:s6], $0x1  }
0xae: {  	[sflag:s6] =	ssyncadd.s32 @p0 $0xFFFFFFFF  }
0xaf: {  	s7 =	sshll.u32 @!p0 s1, $0xE  }
0xb0: {  	s7 =	sor.u32 @!p0 $0x4000, s7;
	s6 =	simm.s32 @!p0 $0x1B8D  }
0xb1: {  	s5 =	sshll.u32 @!p0 s5, $0x11;
	s7 =	sadd.s32 @!p0 $0x11B8D, s7;
	_ =	swait.eq @!p0 [sflag:s6], $0x1  }
0xb2: {  	s5 =	sor.u32 @!p0 s5, s7;
	[sflag:s6] =	ssyncadd.s32 @!p0 $0xFFFFFFFF  }
0xb3: {  	s25 =	simm.s32 $0x1B8E;
	s24 =	sld [smem:$0x3FFE];
	[sflag:s5] =	ssyncadd.remote.s32 @!p0 $0x1  }
0xb4: {  	s26 =	simm.s32 $execute0_lowered;
	[smem:$0x3FD2] =	sst s25  }
0xb5: {  	s6 =	sshll.u32 s26, $0x1;
	_ =	strace $0x80000049;
	[dreg:$0x1] =	wrdreg $0xFFFFFFFF  }
0xb6: {  	s28 =	simm.s32 $_size_execute0_lowered;
	s4 =	sadd.s32 s4, s6;
	[dreg:$0x0] =	wrdreg $0x0  }
0xb7: {  	s6 =	sshll.u32 s28, $0x1;
	[dreg:$0x2] =	wrdreg s4  }
0xb8: {  	[dreg:$0x3] =	wrdreg s6  }
0xb9: {  	[dreg:$0x4] =	wrdreg $0xC0  }
0xba: {  	_ =	task [dreg:s22], $0x5FFFF  }
0xbb: {  	[dreg:$0x1] =	wrdreg $0xFFFFFFFF  }
0xbc: {  	[dreg:$0x0] =	wrdreg $0x60  }
0xbd: {  	[dreg:$0x2] =	wrdreg s24  }
0xbe: {  	[dreg:$0x3] =	wrdreg s18  }
0xbf: {  	[dreg:$0x4] =	wrdreg $0x9  }
0xc0: {  	_ =	task.clear_ibuf [dreg:s22], $0x5FFFF;
	_ =	strace $0x90000049  }
0xc1: {  	s29 =	simm.s32 $0x9;
	_ =	strace $0x8000004B  }
0xc2: {  	_ =	swait.ge [sflag:s29], $0x1  }
0xc3: {  	[sflag:s29] =	ssyncadd.s32 $0xFFFFFFFF  }
0xc4: {  	_ =	strace $0x9000004B  }
0xc5: {  	_ =	sfence  }
0xc6: {  	s30 =	sld [smem:$0x0];
	_ =	sdelay $0x2  }
0xc7: {  	s31 =	sshll.u32 s1, $0xD;
	s1 =	sshrl.u32 s1, $0x2  }
0xc8: {  	s4 =	sand.u32 $0x4000, s31;
	s1 =	sadd.s32 s1, s30  }
0xc9: {  	s0 =	sor.u32 s4, s0;
	s1 =	sshll.u32 s1, $0x11  }
0xca: {  	s0 =	sor.u32 s1, s0  }
0xcb: {  	s0 =	sadd.s32 $0x8F2B, s0  }
0xcc: {  	[sflag:s0] =	ssyncadd.remote.s32 $0x1  }
0xcd: {  	_ =	sfence.sel $0xFFFF  }
0xce: {  	[dreg:$0x0] =	wrdreg $0xFFFFFFFF;
	(pc) =	sbr.abs _section_cstart, $3  }
0xcf: {  	[dreg:$0x1] =	wrdreg $0xFFFFFFFF  }
0xd0: {  	_ =	task.clear_ibuf [dreg:s22], $0x2FFFF;
	_ =	strace $0x9FFFFFFF  }
0xd1: {  	(tm) =	ssettm $0x7FFFFFFF  }
tec
execute0_lowered:
.L_overlay_start_1:
0x0: {  	(tag) =	ssettag $0x1  }
0x1: {  	s4 =	rddreg [dreg:$0x0]  }
0x2: {  	s5 =	rddreg [dreg:$0x1]  }
0x3: {  	s2 =	simm.s32 $0x0;
	s3 =	srdreg.scid;
	s0 =	stileid.u32  }
0x4: {  	s10 =	simm.s32 $0x2;
	s12 =	simm.s32 $0x3;
	s6 =	sand.u32 $0x1, s3  }
0x5: {  	s13 =	simm.s32 $0x0;
	s7 =	sshll.u32 s0, $0xA;
	s8 =	sshll.u32 s6, $0x9  }
0x6: {  	[smem:$0x7FF] =	sst s2;
	s3 =	sadd.s32 $0xF83600, s4;
	s7 =	sor.u32 s8, s7  }
0x7: {  	_ =	strace $0x8000004A;
	s8 =	sshll.u32 s7, $0x4;
	s7 =	sshrl.u32 s7, $0x3  }
0x8: {  	s6 =	ssub.s32 $0x2, s6;
	s8 =	sadd.s32 s8, s4;
	s29 =	sadd.s32 s5, s7  }
0x9: {  	s9 =	sshrl.u32 s6, $0x1;
	[dreg:$0x3] =	wrdreg s29;
	s30 =	sadd.s32 $0x110A000, s8  }
0xa: {  	s9 =	ssub.s32 s6, s9;
	s31 =	sadd.s32 $0x110B000, s8;
	[dreg:$0x4] =	wrdreg s30  }
0xb: {  	s7 =	smax.u32 s9, $0x1;
	s8 =	simm.s32 $0x1;
	[dreg:$0x5] =	wrdreg s31  }
.LBB2_1:
0xc: {  	s0 =	rddreg [dreg:$0x3]  }
0xd: {  	[tilespmem:s2], [sflag:$0x1] =	stream.linear.gather [hbm4b:s0+s2], $0x200, $0x38;
	[tilespmem:$0x10200] =	vst v63  }
0xe: {  	_ =	swait.ge [sflag:s8], $0x200  }
0xf: {  	[sflag:s8] =	ssyncset.done $0x0  }
0x10: {  	[sflag:s8] =	ssyncadd.s32 $0xFFFFFE00  }
0x11: {  	v0 =	vld [tilespmem:s2+$0x0];
	_ =	sdelay $0x4  }
0x12: {  	v0 =	vshll.u32 v0, $0x4  }
0x13: {  	(v2sf) =	vpush v0, $0x0  }
0x14: {  	(v2sf) =	vpush v0, $0x1  }
0x15: {  	(v2sf) =	vpush v0, $0x2;
	_ =	sdelay $0x1  }
0x16: {  	(v2sf) =	vpush v0, $0x4;
	_ =	sdelay $0x1  }
0x17: {  	(v2sf) =	vpush v0, $0x3  }
0x18: {  	s17 =	simm.s32 $0x2000;
	(v2sf) =	vpush v0, $0x5  }
0x19: {  	s16 =	simm.s32 $0x0;
	s14 =	simm.s32 $0x100;
	s18 =	simm.s32 $0x0;
	(v2sf) =	vpush v0, $0x6  }
.LBB2_2:
0x1a: {  	p0 =	sne.s32 s17, $0x1E000  }
0x1b: {  	s29 =	sadd.s32 $0x280, s16;
	s22 =	sadd.s32 $0x780, s16;
	s19 =	smov.u32 s17  }
0x1c: {  	s17 =	sadd.s32 $0x2000, s17;
	s25 =	sadd.s32 $0x580, s16;
	s20 =	sadd.s32 $0x800, s16;
	(v2sf) =	vpush v0, $0x7  }
0x1d: {  	s28 =	sadd.s32 $0x480, s16;
	s23 =	sadd.s32 $0x600, s16;
	s21 =	sadd.s32 $0x880, s16  }
0x1e: {  	s30 =	sadd.s32 $0x200, s16;
	s31 =	sadd.s32 $0x400, s16;
	(v2sf) =	vpush v0, $0x8  }
0x1f: {  	s15 =	simm.s32 $0x0;
	s0 =	sadd.s32 $0x500, s16;
	s18 =	sadd.s32 $0x10, s18  }
0x20: {  	s1 =	sadd.s32 $0x300, s16;
	s24 =	sadd.s32 $0x700, s16;
	s26 =	spop (v2sf);
	(v2sf) =	vpush v0, $0x9  }
0x21: {  	s9 =	sand.u32 $0x1FFFFFF0, s26;
	s26 =	sadd.s32 $0x680, s16;
	s11 =	spop (v2sf)  }
0x22: {  	s9 =	sadd.s32 s3, s9;
	s11 =	sand.u32 $0x1FFFFFF0, s11;
	s4 =	spop (v2sf);
	(v2sf) =	vpush v0, $0xA  }
0x23: {  	[tilespmem:s30], [sflag:$0x1] =	stream.linear.gather [hbm4b:s9+s15], $0x80, $0x38;
	[tilespmem:$0x10200] =	vst v63  }
0x24: {  	s9 =	sadd.s32 s3, s11;
	s11 =	sadd.s32 $0x380, s16;
	s30 =	spop (v2sf);
	(v2sf) =	vpush v0, $0xB  }
0x25: {  	[tilespmem:s29], [sflag:$0x1] =	stream.linear.gather [hbm4b:s9+s15], $0x80, $0x38;
	[tilespmem:$0x10200] =	vst v63  }
0x26: {  	s4 =	sand.u32 $0x1FFFFFF0, s4;
	s9 =	sand.u32 $0x1FFFFFF0, s30;
	s29 =	spop (v2sf);
	(v2sf) =	vpush v0, $0xC  }
0x27: {  	s4 =	sadd.s32 s3, s4;
	s29 =	sand.u32 $0x1FFFFFF0, s29;
	s30 =	spop (v2sf)  }
0x28: {  	[tilespmem:s1], [sflag:$0x1] =	stream.linear.gather [hbm4b:s4+s15], $0x80, $0x38;
	(v2sf) =	vpush v0, $0xD;
	[tilespmem:$0x10200] =	vst v63  }
0x29: {  	s1 =	sadd.s32 s3, s29;
	s4 =	sand.u32 $0x1FFFFFF0, s30;
	s29 =	spop (v2sf)  }
0x2a: {  	[tilespmem:s11], [sflag:$0x1] =	stream.linear.gather [hbm4b:s1+s15], $0x80, $0x38;
	(v2sf) =	vpush v0, $0xE;
	[tilespmem:$0x10200] =	vst v63  }
0x2b: {  	s1 =	sadd.s32 s3, s9;
	s9 =	sand.u32 $0x1FFFFFF0, s29;
	s11 =	spop (v2sf)  }
0x2c: {  	[tilespmem:s31], [sflag:$0x1] =	stream.linear.gather [hbm4b:s1+s15], $0x80, $0x38;
	(v2sf) =	vpush v0, $0xF;
	[tilespmem:$0x10200] =	vst v63  }
0x2d: {  	s1 =	sadd.s32 s3, s4;
	s4 =	sand.u32 $0x1FFFFFF0, s11;
	s11 =	spop (v2sf)  }
0x2e: {  	[tilespmem:s28], [sflag:$0x1] =	stream.linear.gather [hbm4b:s1+s15], $0x80, $0x38;
	[tilespmem:$0x10200] =	vst v63  }
0x2f: {  	s1 =	sadd.s32 s3, s9;
	s9 =	sand.u32 $0x1FFFFFF0, s11;
	s11 =	spop (v2sf)  }
0x30: {  	[tilespmem:s0], [sflag:$0x1] =	stream.linear.gather [hbm4b:s1+s15], $0x80, $0x38;
	[tilespmem:$0x10200] =	vst v63  }
0x31: {  	s0 =	sadd.s32 s3, s4;
	s1 =	sand.u32 $0x1FFFFFF0, s11;
	s4 =	spop (v2sf)  }
0x32: {  	[tilespmem:s25], [sflag:$0x1] =	stream.linear.gather [hbm4b:s0+s15], $0x80, $0x38;
	[tilespmem:$0x10200] =	vst v63  }
0x33: {  	s0 =	sadd.s32 s3, s9;
	s4 =	sand.u32 $0x1FFFFFF0, s4;
	s9 =	spop (v2sf)  }
0x34: {  	[tilespmem:s23], [sflag:$0x1] =	stream.linear.gather [hbm4b:s0+s15], $0x80, $0x38;
	[tilespmem:$0x10200] =	vst v63  }
0x35: {  	s0 =	sadd.s32 s3, s1;
	s1 =	sand.u32 $0x1FFFFFF0, s9;
	s9 =	spop (v2sf)  }
0x36: {  	[tilespmem:s26], [sflag:$0x1] =	stream.linear.gather [hbm4b:s0+s15], $0x80, $0x38;
	[tilespmem:$0x10200] =	vst v63  }
0x37: {  	s0 =	sadd.s32 s3, s4;
	s4 =	sand.u32 $0x1FFFFFF0, s9;
	s9 =	spop (v2sf)  }
0x38: {  	[tilespmem:s24], [sflag:$0x1] =	stream.linear.gather [hbm4b:s0+s15], $0x80, $0x38;
	[tilespmem:$0x10200] =	vst v63  }
0x39: {  	s0 =	sadd.s32 s3, s1;
	s1 =	sand.u32 $0x1FFFFFF0, s9;
	s9 =	spop (v2sf)  }
0x3a: {  	[tilespmem:s22], [sflag:$0x1] =	stream.linear.gather [hbm4b:s0+s15], $0x80, $0x38;
	[tilespmem:$0x10200] =	vst v63  }
0x3b: {  	s0 =	sadd.s32 s3, s4;
	s4 =	sand.u32 $0x1FFFFFF0, s9;
	s9 =	spop (v2sf)  }
0x3c: {  	[tilespmem:s20], [sflag:$0x1] =	stream.linear.gather [hbm4b:s0+s15], $0x80, $0x38;
	[tilespmem:$0x10200] =	vst v63  }
0x3d: {  	s0 =	sadd.s32 s3, s1;
	s1 =	sand.u32 $0x1FFFFFF0, s9  }
0x3e: {  	[tilespmem:s21], [sflag:$0x1] =	stream.linear.gather [hbm4b:s0+s15], $0x80, $0x38;
	[tilespmem:$0x10200] =	vst v63  }
0x3f: {  	s4 =	sadd.s32 s3, s4;
	s0 =	sadd.s32 $0x900, s16  }
0x40: {  	[tilespmem:s0], [sflag:$0x1] =	stream.linear.gather [hbm4b:s4+s15], $0x80, $0x38;
	[tilespmem:$0x10200] =	vst v63  }
0x41: {  	s1 =	sadd.s32 s3, s1;
	s0 =	sadd.s32 $0x980, s16  }
0x42: {  	[tilespmem:s0], [sflag:$0x1] =	stream.linear.gather [hbm4b:s1+s15], $0x80, $0x38;
	[tilespmem:$0x10200] =	vst v63  }
0x43: {  	v0 =	vld [tilespmem:s18+$0x0];
	_ =	sdelay $0x4  }
0x44: {  	v0 =	vshll.u32 v0, $0x4  }
0x45: {  	(v2sf) =	vpush v0, $0x0  }
0x46: {  	(v2sf) =	vpush v0, $0x1  }
0x47: {  	(v2sf) =	vpush v0, $0x2;
	_ =	sdelay $0x1  }
0x48: {  	(v2sf) =	vpush v0, $0x4  }
.Ltmp0:
0x49: {  	(pc) =	sbr.rel @p0 .LBB2_2-.Ltmp0, $3  }
0x4a: {  	(v2sf) =	vpush v0, $0x3  }
0x4b: {  	(v2sf) =	vpush v0, $0x5;
	_ =	sdelay $0x1  }
0x4c: {  	s16 =	sshra.s32 s19, $0x2;
	(v2sf) =	vpush v0, $0x6  }
0x4d: {  	_ =	sdelay $0x1  }
0x4e: {  	s0 =	sadd.s32 $0x280, s16;
	s19 =	sadd.s32 $0x780, s16  }
0x4f: {  	s1 =	sadd.s32 $0x580, s16;
	s17 =	sadd.s32 $0x800, s16;
	(v2sf) =	vpush v0, $0x7;
	s4 =	sadd.s32 $0x480, s16  }
0x50: {  	s9 =	sadd.s32 $0x600, s16;
	s18 =	sadd.s32 $0x880, s16;
	s11 =	sadd.s32 $0x200, s16  }
0x51: {  	s20 =	sadd.s32 $0x400, s16;
	s21 =	sadd.s32 $0x500, s16;
	(v2sf) =	vpush v0, $0x8;
	s22 =	spop (v2sf)  }
0x52: {  	s23 =	sadd.s32 $0x300, s16;
	s22 =	sand.u32 $0x1FFFFFF0, s22;
	s24 =	spop (v2sf)  }
0x53: {  	(v2sf) =	vpush v0, $0x9;
	s22 =	sadd.s32 s3, s22;
	s24 =	sand.u32 $0x1FFFFFF0, s24;
	s25 =	spop (v2sf)  }
0x54: {  	[tilespmem:s11], [sflag:$0x1] =	stream.linear.gather [hbm4b:s22+s15], $0x80, $0x38;
	[tilespmem:$0x10200] =	vst v63  }
0x55: {  	s26 =	sadd.s32 $0x380, s16;
	(v2sf) =	vpush v0, $0xA;
	s29 =	sadd.s32 s3, s24;
	s30 =	spop (v2sf)  }
0x56: {  	[tilespmem:s0], [sflag:$0x1] =	stream.linear.gather [hbm4b:s29+s15], $0x80, $0x38;
	[tilespmem:$0x10200] =	vst v63  }
0x57: {  	s11 =	sadd.s32 $0x700, s16;
	s31 =	sand.u32 $0x1FFFFFF0, s25;
	(v2sf) =	vpush v0, $0xB;
	s5 =	spop (v2sf)  }
0x58: {  	s22 =	sadd.s32 s3, s31;
	s0 =	sadd.s32 $0x680, s16;
	s25 =	sand.u32 $0x1FFFFFF0, s5  }
0x59: {  	(v2sf) =	vpush v0, $0xC;
	[tilespmem:s23], [sflag:$0x1] =	stream.linear.gather [hbm4b:s22+s15], $0x80, $0x38;
	[tilespmem:$0x10200] =	vst v63  }
0x5a: {  	s6 =	sand.u32 $0x1FFFFFF0, s30;
	s28 =	spop (v2sf);
	s29 =	sadd.s32 s3, s25  }
0x5b: {  	(v2sf) =	vpush v0, $0xD;
	[tilespmem:s26], [sflag:$0x1] =	stream.linear.gather [hbm4b:s29+s15], $0x80, $0x38;
	[tilespmem:$0x10200] =	vst v63  }
0x5c: {  	s22 =	sadd.s32 s3, s6;
	s23 =	sand.u32 $0x1FFFFFF0, s28;
	s30 =	spop (v2sf)  }
0x5d: {  	(v2sf) =	vpush v0, $0xE;
	[tilespmem:s20], [sflag:$0x1] =	stream.linear.gather [hbm4b:s22+s15], $0x80, $0x38;
	[tilespmem:$0x10200] =	vst v63  }
0x5e: {  	s23 =	sadd.s32 s3, s23;
	s31 =	sand.u32 $0x1FFFFFF0, s30;
	s5 =	spop (v2sf)  }
0x5f: {  	(v2sf) =	vpush v0, $0xF;
	[tilespmem:s4], [sflag:$0x1] =	stream.linear.gather [hbm4b:s23+s15], $0x80, $0x38;
	[tilespmem:$0x10200] =	vst v63  }
0x60: {  	s6 =	sand.u32 $0x1FFFFFF0, s5;
	s20 =	sadd.s32 s3, s31;
	s23 =	spop (v2sf)  }
0x61: {  	[tilespmem:s21], [sflag:$0x1] =	stream.linear.gather [hbm4b:s20+s15], $0x80, $0x38;
	[tilespmem:$0x10200] =	vst v63  }
0x62: {  	s4 =	sadd.s32 s3, s6;
	s24 =	sand.u32 $0x1FFFFFF0, s23;
	s25 =	spop (v2sf)  }
0x63: {  	[tilespmem:s1], [sflag:$0x1] =	stream.linear.gather [hbm4b:s4+s15], $0x80, $0x38;
	[tilespmem:$0x10200] =	vst v63  }
0x64: {  	s20 =	sadd.s32 s3, s24;
	s26 =	sand.u32 $0x1FFFFFF0, s25;
	s28 =	spop (v2sf)  }
0x65: {  	[tilespmem:s9], [sflag:$0x1] =	stream.linear.gather [hbm4b:s20+s15], $0x80, $0x38;
	[tilespmem:$0x10200] =	vst v63  }
0x66: {  	s4 =	sand.u32 $0x1FFFFFF0, s28;
	s1 =	sadd.s32 s3, s26;
	s29 =	spop (v2sf)  }
0x67: {  	[tilespmem:s0], [sflag:$0x1] =	stream.linear.gather [hbm4b:s1+s15], $0x80, $0x38;
	[tilespmem:$0x10200] =	vst v63  }
0x68: {  	s4 =	sadd.s32 s3, s4;
	s30 =	sand.u32 $0x1FFFFFF0, s29;
	s31 =	spop (v2sf)  }
0x69: {  	[tilespmem:s11], [sflag:$0x1] =	stream.linear.gather [hbm4b:s4+s15], $0x80, $0x38;
	[tilespmem:$0x10200] =	vst v63  }
0x6a: {  	s0 =	sadd.s32 s3, s30;
	s1 =	sand.u32 $0x1FFFFFF0, s31;
	s5 =	spop (v2sf)  }
0x6b: {  	[tilespmem:s19], [sflag:$0x1] =	stream.linear.gather [hbm4b:s0+s15], $0x80, $0x38;
	[tilespmem:$0x10200] =	vst v63  }
0x6c: {  	s6 =	sand.u32 $0x1FFFFFF0, s5;
	s9 =	spop (v2sf);
	s1 =	sadd.s32 s3, s1  }
0x6d: {  	[tilespmem:s17], [sflag:$0x1] =	stream.linear.gather [hbm4b:s1+s15], $0x80, $0x38;
	[tilespmem:$0x10200] =	vst v63  }
0x6e: {  	s11 =	sand.u32 $0x1FFFFFF0, s9;
	s0 =	sadd.s32 s3, s6;
	s17 =	spop (v2sf)  }
0x6f: {  	[tilespmem:s18], [sflag:$0x1] =	stream.linear.gather [hbm4b:s0+s15], $0x80, $0x38;
	[tilespmem:$0x10200] =	vst v63  }
0x70: {  	s20 =	sadd.s32 $0x900, s16;
	s1 =	sadd.s32 s3, s11;
	s19 =	sand.u32 $0x1FFFFFF0, s17  }
0x71: {  	[tilespmem:s20], [sflag:$0x1] =	stream.linear.gather [hbm4b:s1+s15], $0x80, $0x38;
	[tilespmem:$0x10200] =	vst v63  }
0x72: {  	s22 =	simm.s32 $0x0;
	s21 =	sadd.s32 $0x980, s16;
	s0 =	sadd.s32 s3, s19  }
0x73: {  	[tilespmem:s21], [sflag:$0x1] =	stream.linear.gather [hbm4b:s0+s15], $0x80, $0x38;
	[tilespmem:$0x10200] =	vst v63  }
0x74: {  	s23 =	sand.u32 $0x180, s14;
	s0 =	sand.u32 $0x70, s22  }
0x75: {  	s0 =	sor.u32 s0, s23  }
0x76: {  	v63 =	vld [tilespmem:s0+$0x0];
	_ =	sdelay $0x4  }
0x77: {  	v0 =	vshll.u32 v63, $0x4  }
0x78: {  	(v2sf) =	vpush v0, $0x0  }
0x79: {  	(v2sf) =	vpush v0, $0x1  }
0x7a: {  	(v2sf) =	vpush v0, $0x2;
	_ =	sdelay $0x1  }
0x7b: {  	(v2sf) =	vpush v0, $0x3;
	_ =	sdelay $0x1  }
0x7c: {  	(v2sf) =	vpush v0, $0x4;
	_ =	sdelay $0x1  }
0x7d: {  	(v2sf) =	vpush v0, $0x5;
	_ =	sdelay $0x1  }
0x7e: {  	(v2sf) =	vpush v0, $0x6;
	_ =	sdelay $0x1  }
0x7f: {  	(v2sf) =	vpush v0, $0x7  }
0x80: {  	s14 =	simm.s32 $0x2000;
	s24 =	simm.s32 $0x10  }
0x81: {  	s25 =	simm.s32 $0x8280;
	s26 =	simm.s32 $0x8200;
	s30 =	simm.s32 $0x8380;
	(v2sf) =	vpush v0, $0x8  }
0x82: {  	s31 =	simm.s32 $0x8300;
	s19 =	sand.u32 $0x70, s24;
	s28 =	spop (v2sf);
	(v2sf) =	vpush v0, $0x9  }
0x83: {  	s22 =	simm.s32 $0x8400;
	s29 =	spop (v2sf);
	s24 =	sand.u32 $0x1FFFFFF0, s28  }
0x84: {  	(v2sf) =	vpush v0, $0xA;
	s0 =	sand.u32 $0x1FFFFFF0, s29;
	s28 =	spop (v2sf);
	s24 =	sadd.s32 s3, s24  }
0x85: {  	[tilespmem:s26], [sflag:$0x2] =	stream.linear.gather [hbm4b:s24+s2], $0x80, $0x38;
	[tilespmem:$0x10200] =	vst v63  }
0x86: {  	s5 =	sand.u32 $0x1FFFFFF0, s28;
	s6 =	spop (v2sf);
	s0 =	sadd.s32 s3, s0;
	(v2sf) =	vpush v0, $0xB  }
0x87: {  	[tilespmem:s25], [sflag:$0x2] =	stream.linear.gather [hbm4b:s0+s2], $0x80, $0x38;
	[tilespmem:$0x10200] =	vst v63  }
0x88: {  	s24 =	sand.u32 $0x1FFFFFF0, s6;
	s28 =	spop (v2sf);
	s11 =	sadd.s32 s3, s5  }
0x89: {  	[tilespmem:s31], [sflag:$0x2] =	stream.linear.gather [hbm4b:s11+s2], $0x80, $0x38;
	[tilespmem:$0x10200] =	vst v63  }
0x8a: {  	s1 =	sand.u32 $0x1FFFFFF0, s28;
	s29 =	spop (v2sf);
	s0 =	sadd.s32 s3, s24  }
0x8b: {  	[tilespmem:s30], [sflag:$0x2] =	stream.linear.gather [hbm4b:s0+s2], $0x80, $0x38;
	[tilespmem:$0x10200] =	vst v63  }
0x8c: {  	s1 =	sadd.s32 s3, s1;
	s31 =	spop (v2sf);
	s30 =	sand.u32 $0x1FFFFFF0, s29  }
0x8d: {  	[tilespmem:s22], [sflag:$0x2] =	stream.linear.gather [hbm4b:s1+s2], $0x80, $0x38;
	[tilespmem:$0x10200] =	vst v63  }
0x8e: {  	s23 =	simm.s32 $0x8480;
	s6 =	spop (v2sf);
	s0 =	sadd.s32 s3, s30  }
0x8f: {  	(v2sf) =	vpush v0, $0xC;
	[tilespmem:s23], [sflag:$0x2] =	stream.linear.gather [hbm4b:s0+s2], $0x80, $0x38;
	[tilespmem:$0x10200] =	vst v63  }
0x90: {  	s16 =	simm.s32 $0x110;
	s4 =	simm.s32 $0x8500;
	s23 =	spop (v2sf)  }
0x91: {  	s9 =	simm.s32 $0x8580;
	s17 =	simm.s32 $0x0;
	s25 =	spop (v2sf);
	(v2sf) =	vpush v0, $0xD  }
0x92: {  	s18 =	simm.s32 $0x8980;
	s20 =	simm.s32 $0x8780;
	s15 =	simm.s32 $0x4000  }
0x93: {  	s21 =	simm.s32 $0x8700;
	s26 =	simm.s32 $0x8600;
	s29 =	spop (v2sf);
	(v2sf) =	vpush v0, $0xE  }
0x94: {  	s28 =	simm.s32 $0x8680;
	s5 =	sand.u32 $0x1FFFFFF0, s31;
	s22 =	sand.u32 $0x1FFFFFF0, s6  }
0x95: {  	s1 =	sadd.s32 s3, s5;
	s0 =	sadd.s32 s3, s22;
	s31 =	spop (v2sf);
	(v2sf) =	vpush v0, $0xF  }
0x96: {  	[tilespmem:s4], [sflag:$0x2] =	stream.linear.gather [hbm4b:s1+s2], $0x80, $0x38;
	[tilespmem:$0x10200] =	vst v63  }
0x97: {  	s22 =	simm.s32 $0x8880;
	s24 =	sand.u32 $0x1FFFFFF0, s23;
	s23 =	simm.s32 $0x8800  }
0x98: {  	[tilespmem:s9], [sflag:$0x2] =	stream.linear.gather [hbm4b:s0+s2], $0x80, $0x38;
	[tilespmem:$0x10200] =	vst v63  }
0x99: {  	s1 =	sadd.s32 s3, s24;
	s4 =	sand.u32 $0x1FFFFFF0, s25;
	s30 =	sand.u32 $0x1FFFFFF0, s29  }
0x9a: {  	[tilespmem:s26], [sflag:$0x2] =	stream.linear.gather [hbm4b:s1+s2], $0x80, $0x38;
	[tilespmem:$0x10200] =	vst v63  }
0x9b: {  	s4 =	sadd.s32 s3, s4;
	s25 =	sadd.s32 s3, s30;
	s24 =	sand.u32 $0x1FFFFFF0, s31  }
0x9c: {  	[tilespmem:s28], [sflag:$0x2] =	stream.linear.gather [hbm4b:s4+s2], $0x80, $0x38;
	[tilespmem:$0x10200] =	vst v63  }
.LBB2_4:
0x9d: {  	p0 =	sne.s32 s15, $0x1E000  }
0x9e: {  	s0 =	sand.u32 $0x180, s16;
	s1 =	spop (v2sf);
	s4 =	smov.u32 s15  }
0x9f: {  	[tilespmem:s21], [sflag:$0x2] =	stream.linear.gather [hbm4b:s25+s2], $0x80, $0x38;
	[tilespmem:$0x10200] =	vst v63  }
0xa0: {  	s9 =	sadd.s32 s3, s24;
	s1 =	sand.u32 $0x1FFFFFF0, s1;
	s11 =	spop (v2sf)  }
0xa1: {  	[tilespmem:s20], [sflag:$0x2] =	stream.linear.gather [hbm4b:s9+s2], $0x80, $0x38;
	[tilespmem:$0x10200] =	vst v63  }
0xa2: {  	s1 =	sadd.s32 s3, s1;
	s9 =	sand.u32 $0x1FFFFFF0, s11;
	s11 =	spop (v2sf)  }
0xa3: {  	[tilespmem:s23], [sflag:$0x2] =	stream.linear.gather [hbm4b:s1+s2], $0x80, $0x38;
	[tilespmem:$0x10200] =	vst v63  }
0xa4: {  	s1 =	sadd.s32 s3, s9;
	s9 =	sand.u32 $0x1FFFFFF0, s11;
	s11 =	spop (v2sf)  }
0xa5: {  	[tilespmem:s22], [sflag:$0x2] =	stream.linear.gather [hbm4b:s1+s2], $0x80, $0x38;
	[tilespmem:$0x10200] =	vst v63  }
0xa6: {  	s9 =	sadd.s32 s3, s9;
	s1 =	sadd.s32 $0x8900, s17;
	s11 =	sand.u32 $0x1FFFFFF0, s11  }
0xa7: {  	[tilespmem:s1], [sflag:$0x2] =	stream.linear.gather [hbm4b:s9+s2], $0x80, $0x38;
	[tilespmem:$0x10200] =	vst v63  }
0xa8: {  	s15 =	sadd.s32 $0x2000, s15;
	s0 =	sor.u32 s19, s0;
	s1 =	sadd.s32 s3, s11  }
0xa9: {  	[tilespmem:s18], [sflag:$0x2] =	stream.linear.gather [hbm4b:s1+s2], $0x80, $0x38;
	[tilespmem:$0x10200] =	vst v63  }
0xaa: {  	v0 =	vld [tilespmem:s0+$0x0];
	_ =	sdelay $0x4  }
0xab: {  	v0 =	vshll.u32 v0, $0x4  }
0xac: {  	(v2sf) =	vpush v0, $0x0  }
0xad: {  	(v2sf) =	vpush v0, $0x1  }
0xae: {  	(v2sf) =	vpush v0, $0x2  }
0xaf: {  	(v2sf) =	vpush v0, $0x3;
	_ =	sdelay $0x1  }
0xb0: {  	(v2sf) =	vpush v0, $0x4;
	_ =	sdelay $0x1  }
0xb1: {  	s16 =	sadd.s32 $0x10, s16;
	(v2sf) =	vpush v0, $0x5  }
0xb2: {  	s17 =	sshra.s32 s14, $0x2;
	s14 =	smov.u32 s4;
	s0 =	sadd.s32 $0xFFFFFF00, s16  }
0xb3: {  	s25 =	sadd.s32 $0x8500, s17;
	s24 =	sadd.s32 $0x8580, s17;
	s1 =	sadd.s32 $0x8280, s17;
	(v2sf) =	vpush v0, $0x6  }
0xb4: {  	s4 =	sadd.s32 $0x8200, s17;
	s21 =	sadd.s32 $0x8700, s17;
	s9 =	sadd.s32 $0x8400, s17  }
0xb5: {  	s29 =	sadd.s32 $0x8480, s17;
	s20 =	sadd.s32 $0x8780, s17;
	s18 =	sadd.s32 $0x8980, s17;
	(v2sf) =	vpush v0, $0x7  }
0xb6: {  	s26 =	sadd.s32 $0x8600, s17;
	s23 =	sadd.s32 $0x8800, s17;
	s19 =	sand.u32 $0x70, s0  }
0xb7: {  	s22 =	sadd.s32 $0x8880, s17;
	(v2sf) =	vpush v0, $0x8  }
0xb8: {  	s28 =	sadd.s32 $0x8680, s17  }
0xb9: {  	s0 =	sadd.s32 $0x8380, s17;
	s11 =	spop (v2sf);
	(v2sf) =	vpush v0, $0x9  }
0xba: {  	s11 =	sand.u32 $0x1FFFFFF0, s11;
	s30 =	spop (v2sf)  }
0xbb: {  	s31 =	sadd.s32 $0x8300, s17;
	s30 =	sand.u32 $0x1FFFFFF0, s30;
	s5 =	spop (v2sf);
	(v2sf) =	vpush v0, $0xA  }
0xbc: {  	s11 =	sadd.s32 s3, s11;
	s5 =	sand.u32 $0x1FFFFFF0, s5;
	s6 =	spop (v2sf)  }
0xbd: {  	[tilespmem:s4], [sflag:$0x2] =	stream.linear.gather [hbm4b:s11+s2], $0x80, $0x38;
	(v2sf) =	vpush v0, $0xB;
	[tilespmem:$0x10200] =	vst v63  }
0xbe: {  	s4 =	sadd.s32 s3, s30;
	s6 =	sand.u32 $0x1FFFFFF0, s6;
	s11 =	spop (v2sf)  }
0xbf: {  	[tilespmem:s1], [sflag:$0x2] =	stream.linear.gather [hbm4b:s4+s2], $0x80, $0x38;
	[tilespmem:$0x10200] =	vst v63  }
0xc0: {  	s1 =	sadd.s32 s3, s5;
	s4 =	sand.u32 $0x1FFFFFF0, s11;
	s5 =	spop (v2sf)  }
0xc1: {  	[tilespmem:s31], [sflag:$0x2] =	stream.linear.gather [hbm4b:s1+s2], $0x80, $0x38;
	(v2sf) =	vpush v0, $0xC;
	[tilespmem:$0x10200] =	vst v63  }
0xc2: {  	s1 =	sadd.s32 s3, s6;
	s5 =	sand.u32 $0x1FFFFFF0, s5;
	s6 =	spop (v2sf)  }
0xc3: {  	[tilespmem:s0], [sflag:$0x2] =	stream.linear.gather [hbm4b:s1+s2], $0x80, $0x38;
	(v2sf) =	vpush v0, $0xD;
	[tilespmem:$0x10200] =	vst v63  }
0xc4: {  	s0 =	sadd.s32 s3, s4;
	s1 =	sand.u32 $0x1FFFFFF0, s6;
	s4 =	spop (v2sf)  }
0xc5: {  	[tilespmem:s9], [sflag:$0x2] =	stream.linear.gather [hbm4b:s0+s2], $0x80, $0x38;
	(v2sf) =	vpush v0, $0xE;
	[tilespmem:$0x10200] =	vst v63  }
0xc6: {  	s0 =	sadd.s32 s3, s5;
	s4 =	sand.u32 $0x1FFFFFF0, s4;
	s5 =	spop (v2sf)  }
0xc7: {  	[tilespmem:s29], [sflag:$0x2] =	stream.linear.gather [hbm4b:s0+s2], $0x80, $0x38;
	(v2sf) =	vpush v0, $0xF;
	[tilespmem:$0x10200] =	vst v63  }
0xc8: {  	s0 =	sadd.s32 s3, s1;
	s1 =	sand.u32 $0x1FFFFFF0, s5;
	s5 =	spop (v2sf)  }
0xc9: {  	[tilespmem:s25], [sflag:$0x2] =	stream.linear.gather [hbm4b:s0+s2], $0x80, $0x38;
	[tilespmem:$0x10200] =	vst v63  }
0xca: {  	s0 =	sadd.s32 s3, s4;
	s4 =	sand.u32 $0x1FFFFFF0, s5;
	s5 =	spop (v2sf)  }
0xcb: {  	[tilespmem:s24], [sflag:$0x2] =	stream.linear.gather [hbm4b:s0+s2], $0x80, $0x38;
	[tilespmem:$0x10200] =	vst v63  }
.Ltmp1:
0xcc: {  	_ = 	snop;
	(pc) =	sbr.rel @p0 .LBB2_4-.Ltmp1, $4  }
0xcd: {  	s0 =	sadd.s32 s3, s1;
	s1 =	sand.u32 $0x1FFFFFF0, s5;
	s5 =	spop (v2sf)  }
0xce: {  	[tilespmem:s26], [sflag:$0x2] =	stream.linear.gather [hbm4b:s0+s2], $0x80, $0x38;
	[tilespmem:$0x10200] =	vst v63  }
0xcf: {  	s25 =	sadd.s32 s3, s1;
	s0 =	sadd.s32 s3, s4;
	s24 =	sand.u32 $0x1FFFFFF0, s5  }
0xd0: {  	[tilespmem:s28], [sflag:$0x2] =	stream.linear.gather [hbm4b:s0+s2], $0x80, $0x38;
	[tilespmem:$0x10200] =	vst v63  }
0xd1: {  	s0 =	sand.u32 $0x180, s16;
	s1 =	spop (v2sf)  }
0xd2: {  	[tilespmem:s21], [sflag:$0x2] =	stream.linear.gather [hbm4b:s25+s2], $0x80, $0x38;
	[tilespmem:$0x10200] =	vst v63  }
0xd3: {  	s4 =	sadd.s32 s3, s24;
	s1 =	sand.u32 $0x1FFFFFF0, s1;
	s5 =	spop (v2sf)  }
0xd4: {  	[tilespmem:s20], [sflag:$0x2] =	stream.linear.gather [hbm4b:s4+s2], $0x80, $0x38;
	[tilespmem:$0x10200] =	vst v63  }
0xd5: {  	s1 =	sadd.s32 s3, s1;
	s9 =	sand.u32 $0x1FFFFFF0, s5;
	s11 =	spop (v2sf)  }
0xd6: {  	[tilespmem:s23], [sflag:$0x2] =	stream.linear.gather [hbm4b:s1+s2], $0x80, $0x38;
	[tilespmem:$0x10200] =	vst v63  }
0xd7: {  	s15 =	sadd.s32 s3, s9;
	s16 =	sand.u32 $0x1FFFFFF0, s11;
	s20 =	spop (v2sf)  }
0xd8: {  	[tilespmem:s22], [sflag:$0x2] =	stream.linear.gather [hbm4b:s15+s2], $0x80, $0x38;
	[tilespmem:$0x10200] =	vst v63  }
0xd9: {  	s21 =	sadd.s32 $0x8900, s17;
	s4 =	sadd.s32 s3, s16;
	s5 =	sand.u32 $0x1FFFFFF0, s20  }
0xda: {  	[tilespmem:s21], [sflag:$0x2] =	stream.linear.gather [hbm4b:s4+s2], $0x80, $0x38;
	[tilespmem:$0x10200] =	vst v63  }
0xdb: {  	s0 =	sor.u32 s19, s0;
	s22 =	sadd.s32 s3, s5  }
0xdc: {  	[tilespmem:s18], [sflag:$0x2] =	stream.linear.gather [hbm4b:s22+s2], $0x80, $0x38;
	[tilespmem:$0x10200] =	vst v63  }
0xdd: {  	v0 =	vld [tilespmem:s0+$0x0];
	_ =	sdelay $0x4  }
0xde: {  	v0 =	vshll.u32 v0, $0x4  }
0xdf: {  	(v2sf) =	vpush v0, $0x0  }
0xe0: {  	(v2sf) =	vpush v0, $0x1  }
0xe1: {  	(v2sf) =	vpush v0, $0x2;
	_ =	sdelay $0x1  }
0xe2: {  	(v2sf) =	vpush v0, $0x3;
	_ =	sdelay $0x1  }
0xe3: {  	(v2sf) =	vpush v0, $0x4;
	_ =	sdelay $0x1  }
0xe4: {  	(v2sf) =	vpush v0, $0x5;
	_ =	sdelay $0x1  }
0xe5: {  	s14 =	sshra.s32 s14, $0x2;
	(v2sf) =	vpush v0, $0x6  }
0xe6: {  	s26 =	sadd.s32 $0x8200, s14;
	s6 =	sadd.s32 $0x8400, s14  }
0xe7: {  	s17 =	sadd.s32 $0x8780, s14;
	s30 =	sadd.s32 $0x8300, s14;
	s9 =	sadd.s32 $0x8480, s14;
	(v2sf) =	vpush v0, $0x7  }
0xe8: {  	s23 =	sadd.s32 $0x8280, s14;
	s1 =	sadd.s32 $0x8500, s14;
	s11 =	sadd.s32 $0x8600, s14  }
0xe9: {  	s16 =	sadd.s32 $0x8800, s14;
	s15 =	sadd.s32 $0x8880, s14;
	s20 =	sadd.s32 $0x8680, s14;
	(v2sf) =	vpush v0, $0x8  }
0xea: {  	s4 =	sadd.s32 $0x8580, s14;
	s18 =	sadd.s32 $0x8700, s14;
	s28 =	spop (v2sf)  }
0xeb: {  	s22 =	sadd.s32 $0x8380, s14;
	(v2sf) =	vpush v0, $0x9;
	s29 =	spop (v2sf);
	s19 =	sand.u32 $0x1FFFFFF0, s28  }
0xec: {  	s21 =	sand.u32 $0x1FFFFFF0, s29;
	s31 =	spop (v2sf);
	s19 =	sadd.s32 s3, s19  }
0xed: {  	(v2sf) =	vpush v0, $0xA;
	[tilespmem:s26], [sflag:$0x2] =	stream.linear.gather [hbm4b:s19+s2], $0x80, $0x38;
	[tilespmem:$0x10200] =	vst v63  }
0xee: {  	s25 =	sand.u32 $0x1FFFFFF0, s31;
	s26 =	spop (v2sf);
	s21 =	sadd.s32 s3, s21  }
0xef: {  	(v2sf) =	vpush v0, $0xB;
	[tilespmem:s23], [sflag:$0x2] =	stream.linear.gather [hbm4b:s21+s2], $0x80, $0x38;
	[tilespmem:$0x10200] =	vst v63  }
0xf0: {  	s28 =	sand.u32 $0x1FFFFFF0, s26;
	s29 =	spop (v2sf);
	s5 =	sadd.s32 s3, s25  }
0xf1: {  	(v2sf) =	vpush v0, $0xC;
	[tilespmem:s30], [sflag:$0x2] =	stream.linear.gather [hbm4b:s5+s2], $0x80, $0x38;
	[tilespmem:$0x10200] =	vst v63  }
0xf2: {  	s31 =	spop (v2sf);
	s0 =	sadd.s32 s3, s28;
	s30 =	sand.u32 $0x1FFFFFF0, s29  }
0xf3: {  	(v2sf) =	vpush v0, $0xD;
	[tilespmem:s22], [sflag:$0x2] =	stream.linear.gather [hbm4b:s0+s2], $0x80, $0x38;
	[tilespmem:$0x10200] =	vst v63  }
0xf4: {  	s21 =	sand.u32 $0x1FFFFFF0, s31;
	s5 =	sadd.s32 s3, s30;
	s22 =	spop (v2sf)  }
0xf5: {  	(v2sf) =	vpush v0, $0xE;
	[tilespmem:s6], [sflag:$0x2] =	stream.linear.gather [hbm4b:s5+s2], $0x80, $0x38;
	[tilespmem:$0x10200] =	vst v63  }
0xf6: {  	s0 =	sadd.s32 s3, s21;
	s23 =	sand.u32 $0x1FFFFFF0, s22;
	s24 =	spop (v2sf)  }
0xf7: {  	(v2sf) =	vpush v0, $0xF;
	[tilespmem:s9], [sflag:$0x2] =	stream.linear.gather [hbm4b:s0+s2], $0x80, $0x38;
	[tilespmem:$0x10200] =	vst v63  }
0xf8: {  	s25 =	sand.u32 $0x1FFFFFF0, s24;
	s26 =	spop (v2sf);
	s5 =	sadd.s32 s3, s23  }
0xf9: {  	[tilespmem:s1], [sflag:$0x2] =	stream.linear.gather [hbm4b:s5+s2], $0x80, $0x38;
	[tilespmem:$0x10200] =	vst v63  }
0xfa: {  	s28 =	sand.u32 $0x1FFFFFF0, s26;
	s0 =	sadd.s32 s3, s25;
	s29 =	spop (v2sf)  }
0xfb: {  	[tilespmem:s4], [sflag:$0x2] =	stream.linear.gather [hbm4b:s0+s2], $0x80, $0x38;
	[tilespmem:$0x10200] =	vst v63  }
0xfc: {  	s1 =	sadd.s32 s3, s28;
	s30 =	sand.u32 $0x1FFFFFF0, s29;
	s31 =	spop (v2sf)  }
0xfd: {  	[tilespmem:s11], [sflag:$0x2] =	stream.linear.gather [hbm4b:s1+s2], $0x80, $0x38;
	[tilespmem:$0x10200] =	vst v63  }
0xfe: {  	s4 =	sand.u32 $0x1FFFFFF0, s31;
	s5 =	spop (v2sf);
	s0 =	sadd.s32 s3, s30  }
0xff: {  	[tilespmem:s20], [sflag:$0x2] =	stream.linear.gather [hbm4b:s0+s2], $0x80, $0x38;
	[tilespmem:$0x10200] =	vst v63  }
0x100: {  	s6 =	sadd.s32 s3, s4;
	s9 =	sand.u32 $0x1FFFFFF0, s5;
	s11 =	spop (v2sf)  }
0x101: {  	[tilespmem:s18], [sflag:$0x2] =	stream.linear.gather [hbm4b:s6+s2], $0x80, $0x38;
	[tilespmem:$0x10200] =	vst v63  }
0x102: {  	s19 =	sadd.s32 s3, s9;
	s21 =	spop (v2sf);
	s20 =	sand.u32 $0x1FFFFFF0, s11  }
0x103: {  	[tilespmem:s17], [sflag:$0x2] =	stream.linear.gather [hbm4b:s19+s2], $0x80, $0x38;
	[tilespmem:$0x10200] =	vst v63  }
0x104: {  	s23 =	sand.u32 $0x1FFFFFF0, s21;
	s24 =	spop (v2sf);
	s22 =	sadd.s32 s3, s20  }
0x105: {  	[tilespmem:s16], [sflag:$0x2] =	stream.linear.gather [hbm4b:s22+s2], $0x80, $0x38;
	[tilespmem:$0x10200] =	vst v63  }
0x106: {  	s25 =	sadd.s32 s3, s23;
	s26 =	sand.u32 $0x1FFFFFF0, s24;
	s28 =	spop (v2sf)  }
0x107: {  	[tilespmem:s15], [sflag:$0x2] =	stream.linear.gather [hbm4b:s25+s2], $0x80, $0x38;
	[tilespmem:$0x10200] =	vst v63  }
0x108: {  	s29 =	sadd.s32 $0x8900, s14;
	s1 =	sadd.s32 s3, s26;
	s4 =	sand.u32 $0x1FFFFFF0, s28  }
0x109: {  	[tilespmem:s29], [sflag:$0x2] =	stream.linear.gather [hbm4b:s1+s2], $0x80, $0x38;
	[tilespmem:$0x10200] =	vst v63  }
0x10a: {  	s30 =	sadd.s32 $0x8980, s14;
	s31 =	sadd.s32 s3, s4  }
0x10b: {  	[tilespmem:s30], [sflag:$0x2] =	stream.linear.gather [hbm4b:s31+s2], $0x80, $0x38;
	[tilespmem:$0x10200] =	vst v63  }
0x10c: {  	_ =	swait.ge [sflag:s8], $0x80  }
0x10d: {  	s14 =	simm.s32 $0xFF;
	[sflag:s8] =	ssyncset.done $0x0  }
.LBB2_6:
0x10e: {  	p0 =	sne.s32 s14, $0x1;
	s14 =	sadd.s32 $0xFFFFFFFF, s14;
	[sflag:s8] =	ssyncadd.s32 $0xFFFFFF80  }
.Ltmp2:
0x10f: {  	(pc) =	sbr.rel @p0 .LBB2_6-.Ltmp2, $3  }
0x110: {  	_ =	sdelay $0x1  }
0x111: {  	_ =	swait.ge [sflag:s8], $0x80  }
0x112: {  	[sflag:s8] =	ssyncset.done $0x0  }
0x113: {  	[sflag:s8] =	ssyncadd.s32 $0xFFFFFF80;
	s0 =	rddreg [dreg:$0x4];
	s1 =	simm.s32 $0x200  }
0x114: {  	[hbm4b:s0+s2] =	stream.linear.scatter [tilespmem:s1], [sflag:$0x3], $0x8000, $0x38;
	[tilespmem:$0x10200] =	vst v63  }
0x115: {  	_ =	swait.ge [sflag:s10], $0x80  }
0x116: {  	s14 =	simm.s32 $0xFF;
	[sflag:s10] =	ssyncset.done $0x0  }
.LBB2_8:
0x117: {  	p0 =	sne.s32 s14, $0x1;
	s14 =	sadd.s32 $0xFFFFFFFF, s14;
	[sflag:s10] =	ssyncadd.s32 $0xFFFFFF80  }
.Ltmp3:
0x118: {  	(pc) =	sbr.rel @p0 .LBB2_8-.Ltmp3, $3  }
0x119: {  	_ =	sdelay $0x1  }
0x11a: {  	_ =	swait.ge [sflag:s10], $0x80  }
0x11b: {  	[sflag:s10] =	ssyncset.done $0x0  }
0x11c: {  	[sflag:s10] =	ssyncadd.s32 $0xFFFFFF80  }
0x11d: {  	s0 =	rddreg [dreg:$0x5];
	s1 =	simm.s32 $0x8200;
	s13 =	sadd.s32 $0x1, s13  }
0x11e: {  	[hbm4b:s0+s2] =	stream.linear.scatter [tilespmem:s1], [sflag:$0x3], $0x8000, $0x38;
	[tilespmem:$0x10200] =	vst v63  }
0x11f: {  	p0 =	sne.s32 s13, s7;
	_ =	swait.ge [sflag:s12], $0x8000  }
.Ltmp4:
0x120: {  	[sflag:s12] =	ssyncset.done $0x0;
	(pc) =	sbr.rel @p0 .LBB2_1-.Ltmp4, $4  }
0x121: {  	[sflag:s12] =	ssyncadd.s32 $0xFFFF8000  }
0x122: {  	_ =	swait.ge [sflag:s12], $0x8000  }
0x123: {  	[sflag:s12] =	ssyncset.done $0x0  }
0x124: {  	[sflag:s12] =	ssyncadd.s32 $0xFFFF8000  }
0x125: {  	_ =	sfence.sel $0x180000  }
0x126: {  	[bflag:$0x0] =	sbarrier.arrive $0xFFFF  }
0x127: {  	_ =	strace $0x9000004A  }
0x128: {  	s0 =	stileid.u32;
	[bflag:$0x2] =	sbarrier.arrive $0xFFFF  }
0x129: {  	p0 =	sne.s32 s0, $0x0;
	s0 =	rddreg [dreg:$0x2]  }
0x12a: {  	s0 =	sadd.s32 @!p0 $0x100000, s0  }
0x12b: {  	[sflag:s0] =	ssyncadd.tile.s32 @!p0 $0x1;
	_ =	shalt  }
.Lfunc_end2:
_tile_overlayer_lowered:
.L_overlay_start_2:
0x12c: {  	(tag) =	ssettag $0x2  }
0x12d: {  	s0 =	rddreg [dreg:$0x0];
	s2 =	stileid.u32  }
0x12e: {  	s1 =	rddreg [dreg:$0x1];
	p0 =	sne.s32 s2, $0x0  }
0x12f: {  	s3 =	rddreg [dreg:$0x2];
	[bflag:$0x3] =	sbarrier.arrive $0xFFFF;
	s2 =	simm.s32 @!p0 $0x1C04  }
0x130: {  	[timem:s3], [sflag:s2] =	dma.local @!p0 [hbm:s0], s1  }
0x131: {  	s0 =	simm.s32 @!p0 $0x4  }
0x132: {  	_ =	swait.ge @!p0 [sflag:s0], s1  }
0x133: {  	s1 =	ssub.s32 @!p0 $0x0, s1;
	[sflag:s0] =	ssyncset.done @!p0 $0x0  }
0x134: {  	[sflag:s0] =	ssyncadd.s32 @!p0 s1  }
0x135: {  	[bflag:$0x3] =	sbarrier.arrive $0xFFFF  }
0x136: {  	_ =	shalt  }

// kernel: kernel.8.cloned.1.call-start
scs
__scs_entry_jumppad:
0x0: {  	(pc) =	sbr.rel $0x88, $3  }
0x1: {  	(tag) =	ssettag $0x0;
	lr =	simm.s32 $0x1  }
0x2: {  	[smem:$0x3F97] =	sst lr;
	_ =	strace $0xD0000000  }
0x3: {  	_ = 	snop  }
0x4: {  	_ = 	snop  }
0x5: {  	_ = 	snop  }
0x6: {  	_ = 	snop  }
0x7: {  	_ = 	snop  }
__scs_overlays_trampoline_lowered:
0x8: {  	[smem:$0x3FA6] =	sst s0  }
0x9: {  	[smem:$0x3FA7] =	sst s1  }
0xa: {  	[smem:$0x3FA8] =	sst s2  }
0xb: {  	[smem:$0x3FA9] =	sst s3  }
0xc: {  	[smem:$0x3FAA] =	sst s4  }
0xd: {  	[smem:$0x3FAB] =	sst s5  }
0xe: {  	[smem:$0x3FAC] =	sst s6  }
0xf: {  	[smem:$0x3FAD] =	sst s7  }
0x10: {  	[smem:$0x3FAE] =	sst s8  }
0x11: {  	[smem:$0x3FAF] =	sst s9;
	s0 =	simm.s32 @!p0 $0x0  }
0x12: {  	s1 =	sld [smem:$0x3F95];
	s0 =	simm.s32 @p0 $0x1  }
0x13: {  	[smem:$0x3FB0] =	sst s0;
	s0 =	simm.s32 @!p1 $0x0  }
0x14: {  	s2 =	sld [smem:$0x3F94];
	s0 =	simm.s32 @p1 $0x1  }
0x15: {  	[smem:$0x3FB1] =	sst s0;
	s0 =	simm.s32 @!p2 $0x0  }
0x16: {  	s3 =	sld [smem:$0x3FDB];
	s0 =	simm.s32 @p2 $0x1  }
0x17: {  	s4 =	simm.s32 $0x1BF5;
	[smem:$0x3FB3] =	sst s0  }
0x18: {  	s0 =	sld [smem:$0x3F96];
	_ =	swait.ge [sflag:s4], $0x0  }
0x19: {  	s7 =	sld [smem:$0x3F97]  }
0x1a: {  	s8 =	sadd.s32 $0xFFFFE003, lr  }
0x1b: {  	s9 =	sadd.s32 $0xFFFFFEF7, lr;
	s5 =	simm.s32 $0xFFFFFFFF;
	p2 =	slt.u32 s8, $0xFFFFF086  }
0x1c: {  	p1 =	slt.u32 s9, $0xF7A;
	s5 =	simm.s32 @!p2 $0x0  }
0x1d: {  	s5 =	simm.s32 @p1 $0x1;
	p0 =	seq.s32 s7, s2  }
0x1e: {  	s7 =	smul.u32 @!p0 $0xF7A, s2;
	p2 =	seq.s32 @!p0 s5, $0x0  }
0x1f: {  	s9 =	smul.u32 $0xF7A, s1;
	s8 =	simm.s32 @!p0 $0x1BF5;
	p2 =	por !p2, p0  }
0x20: {  	[sflag:s8] =	ssyncset.s32 @!p0 $0xFFFFF086;
	s6 =	sadd.s32 @!p0 s3, s7;
	s7 =	simm.s32 @!p0 $0x108  }
0x21: {  	s3 =	sadd.s32 s3, s9;
	s6 =	sadd.s32 @!p0 $0x88, s6;
	s7 =	simm.s32 @p2 $0x1082  }
0x22: {  	[simem:s7], [sflag:s8] =	dma.local @!p0 [hbm:s6], $0xF7A  }
0x23: {  	s9 =	sor.u32 $0xD0000000, s2;
	s6 =	simm.s32 $0x108;
	_ =	swait.ge @!p0 [sflag:s8], $0x0  }
0x24: {  	s3 =	sadd.s32 $0x88, s3;
	s6 =	simm.s32 @!p1 $0x1082;
	[sflag:s4] =	ssyncset.s32 $0xFFFFF086  }
0x25: {  	[simem:s6], [sflag:s4] =	dma.local [hbm:s3], $0xF7A  }
0x26: {  	[smem:$0x3F97] =	sst s1;
	(tag) =	ssettag s2;
	_ =	strace s9  }
0x27: {  	s1 =	sld [smem:$0x3FA7]  }
0x28: {  	s2 =	sld [smem:$0x3FA8]  }
0x29: {  	s4 =	sld [smem:$0x3FAA]  }
0x2a: {  	p0 =	seq.s32 s5, $0x0;
	s5 =	sld [smem:$0x3FAB]  }
0x2b: {  	s6 =	sld [smem:$0x3FAC]  }
0x2c: {  	s7 =	sld [smem:$0x3FAD]  }
0x2d: {  	s3 =	simm.s32 $0x108;
	s8 =	sld [smem:$0x3FAE]  }
0x2e: {  	s3 =	simm.s32 @!p0 $0x1082;
	s9 =	sld [smem:$0x3FAF]  }
0x2f: {  	lr =	sadd.s32 s0, s3;
	s0 =	sld [smem:$0x3FA6]  }
0x30: {  	s3 =	sld [smem:$0x3FA9]  }
0x31: {  	[smem:$0x3FB2] =	sst s10  }
0x32: {  	s10 =	sld [smem:$0x3FB0];
	_ =	sdelay $0x3  }
0x33: {  	p0 =	seq.s32 s10, $0x1;
	s10 =	sld [smem:$0x3FB2];
	_ =	sdelay $0x3  }
0x34: {  	[smem:$0x3FB2] =	sst s10  }
0x35: {  	s10 =	sld [smem:$0x3FB1];
	_ =	sdelay $0x3  }
0x36: {  	p1 =	seq.s32 s10, $0x1;
	s10 =	sld [smem:$0x3FB2];
	_ =	sdelay $0x3  }
0x37: {  	[smem:$0x3FB2] =	sst s10  }
0x38: {  	s10 =	sld [smem:$0x3FB3]  }
0x39: {  	_ = 	snop;
	(pc) =	sbr.ind lr, $3  }
0x3a: {  	_ = 	snop  }
0x3b: {  	_ = 	snop  }
0x3c: {  	p2 =	seq.s32 s10, $0x1;
	s10 =	sld [smem:$0x3FB2]  }
0x3d: {  	_ =	shalt  }
0x3e: {  	_ =	shalt  }
0x3f: {  	_ =	shalt  }
0x40: {  	_ =	shalt  }
0x41: {  	_ =	shalt  }
0x42: {  	_ =	shalt  }
0x43: {  	_ =	shalt  }
0x44: {  	_ =	shalt  }
0x45: {  	_ =	shalt  }
0x46: {  	_ =	shalt  }
0x47: {  	_ =	shalt  }
0x48: {  	_ =	shalt  }
0x49: {  	_ =	shalt  }
0x4a: {  	_ =	shalt  }
0x4b: {  	_ =	shalt  }
0x4c: {  	_ =	shalt  }
0x4d: {  	_ =	shalt  }
0x4e: {  	_ =	shalt  }
0x4f: {  	_ =	shalt  }
0x50: {  	_ =	shalt  }
0x51: {  	_ =	shalt  }
0x52: {  	_ =	shalt  }
0x53: {  	_ =	shalt  }
0x54: {  	_ =	shalt  }
0x55: {  	_ =	shalt  }
0x56: {  	_ =	shalt  }
0x57: {  	_ =	shalt  }
0x58: {  	_ =	shalt  }
0x59: {  	_ =	shalt  }
0x5a: {  	_ =	shalt  }
0x5b: {  	_ =	shalt  }
0x5c: {  	_ =	shalt  }
0x5d: {  	_ =	shalt  }
0x5e: {  	_ =	shalt  }
0x5f: {  	_ =	shalt  }
0x60: {  	_ =	shalt  }
0x61: {  	_ =	shalt  }
0x62: {  	_ =	shalt  }
0x63: {  	_ =	shalt  }
0x64: {  	_ =	shalt  }
0x65: {  	_ =	shalt  }
0x66: {  	_ =	shalt  }
0x67: {  	_ =	shalt  }
0x68: {  	_ =	shalt  }
0x69: {  	_ =	shalt  }
0x6a: {  	_ =	shalt  }
0x6b: {  	_ =	shalt  }
0x6c: {  	_ =	shalt  }
0x6d: {  	_ =	shalt  }
0x6e: {  	_ =	shalt  }
0x6f: {  	_ =	shalt  }
0x70: {  	_ =	shalt  }
0x71: {  	_ =	shalt  }
0x72: {  	_ =	shalt  }
0x73: {  	_ =	shalt  }
0x74: {  	_ =	shalt  }
0x75: {  	_ =	shalt  }
0x76: {  	_ =	shalt  }
0x77: {  	_ =	shalt  }
0x78: {  	_ =	shalt  }
0x79: {  	_ =	shalt  }
0x7a: {  	_ =	shalt  }
0x7b: {  	_ =	shalt  }
0x7c: {  	_ =	shalt  }
0x7d: {  	_ =	shalt  }
0x7e: {  	_ =	shalt  }
0x7f: {  	_ =	shalt  }
0x80: {  	_ =	shalt  }
0x81: {  	_ =	shalt  }
0x82: {  	_ =	shalt  }
0x83: {  	_ =	shalt  }
0x84: {  	_ =	shalt  }
0x85: {  	_ =	shalt  }
0x86: {  	_ =	shalt  }
0x87: {  	_ =	shalt  }
.Lfunc_end0:
.L_simem_size_0:
called_computation.1_lowered:
.L_overlay_start_0:
0x88: {  	s2 =	sld [smem:$0x3FD9]  }
0x89: {  	s3 =	sld [smem:$0x3FFE];
	_ =	sdelay $0x1  }
0x8a: {  	s1 =	srdreg.scid  }
0x8b: {  	s0 =	sand.u32 $0x1, s1  }
0x8c: {  	s17 =	sshll.u32 s0, $0xA;
	s2 =	sadd.s32 s3, s2  }
0x8d: {  	s2 =	sadd.s32 s2, s17  }
0x8e: {  	[smem:$0x3FBE] =	sst s2  }
0x8f: {  	_ = 	snop  }
0x90: {  	s2 =	sld [smem:$0x3FC9];
	(tm) =	ssettm $0x1  }
0x91: {  	s18 =	sld [smem:$0x3FFB];
	_ =	sdelay $0x3  }
0x92: {  	_ =	strace s18  }
0x93: {  	s3 =	sld [smem:$0x3FFC];
	_ =	sdelay $0x3  }
0x94: {  	_ =	strace s3  }
0x95: {  	s3 =	sld [smem:$0x3FFD];
	_ =	sdelay $0x3  }
0x96: {  	_ =	strace s3  }
0x97: {  	_ =	strace $0x8FFFFFFF  }
0x98: {  	s19 =	sld [smem:$0x3FDB];
	_ =	sdelay $0x1  }
0x99: {  	s4 =	simm.s32 $_scs_section_size  }
0x9a: {  	s5 =	simm.s32 $_size__tile_overlayer_lowered;
	s6 =	simm.s32 $_tile_overlayer_lowered  }
0x9b: {  	s22 =	simm.s32 $0x1BFF;
	s21 =	sshll.u32 s6, $0x1;
	s3 =	sadd.s32 s4, s19  }
0x9c: {  	s7 =	simm.s32 $0x0;
	s20 =	sshll.u32 s5, $0x1;
	s5 =	sadd.s32 s21, s3  }
0x9d: {  	[timem:s7], [sflag:s22] =	dma.local [hbm:s5], s20  }
0x9e: {  	_ =	swait.ge [sflag:s22], s20  }
0x9f: {  	s4 =	ssub.s32 $0x0, s20;
	[sflag:s22] =	ssyncset.done $0x0  }
0xa0: {  	[sflag:s22] =	ssyncadd.s32 s4;
	_ =	sdelay $0x1  }
0xa1: {  	s23 =	simm.s32 $0x1B8B  }
0xa2: {  	_ =	swait.ge [sflag:s23], $0x1  }
0xa3: {  	[sflag:s23] =	ssyncset.done $0x0  }
0xa4: {  	s25 =	simm.s32 $0x1B8E;
	s24 =	sld [smem:$0x3FFE];
	[sflag:s23] =	ssyncadd.s32 $0xFFFFFFFF  }
0xa5: {  	s26 =	simm.s32 $execute0_lowered;
	[smem:$0x3FD2] =	sst s25  }
0xa6: {  	s5 =	sshll.u32 s26, $0x1;
	_ =	strace $0x80000046;
	[dreg:$0x1] =	wrdreg $0xFFFFFFFF  }
0xa7: {  	s28 =	simm.s32 $_size_execute0_lowered;
	s3 =	sadd.s32 s3, s5;
	[dreg:$0x0] =	wrdreg $0x0  }
0xa8: {  	s5 =	sshll.u32 s28, $0x1;
	[dreg:$0x2] =	wrdreg s3  }
0xa9: {  	[dreg:$0x3] =	wrdreg s5  }
0xaa: {  	[dreg:$0x4] =	wrdreg $0xC0  }
0xab: {  	_ =	task [dreg:s7], $0x5FFFF  }
0xac: {  	[dreg:$0x1] =	wrdreg $0xFFFFFFFF  }
0xad: {  	[dreg:$0x0] =	wrdreg $0x60  }
0xae: {  	[dreg:$0x2] =	wrdreg s24  }
0xaf: {  	[dreg:$0x3] =	wrdreg s2  }
0xb0: {  	[dreg:$0x4] =	wrdreg $0xA  }
0xb1: {  	_ =	task.clear_ibuf [dreg:s7], $0x5FFFF;
	_ =	strace $0x90000046  }
0xb2: {  	s29 =	simm.s32 $0xA;
	_ =	strace $0x80000048  }
0xb3: {  	_ =	swait.ge [sflag:s29], $0x1  }
0xb4: {  	[sflag:s29] =	ssyncadd.s32 $0xFFFFFFFF  }
0xb5: {  	_ =	strace $0x90000048  }
0xb6: {  	_ =	sfence  }
0xb7: {  	s30 =	sld [smem:$0x0];
	_ =	sdelay $0x2  }
0xb8: {  	s31 =	sshll.u32 s1, $0xD;
	s1 =	sshrl.u32 s1, $0x2  }
0xb9: {  	s3 =	sand.u32 $0x4000, s31;
	s1 =	sadd.s32 s1, s30  }
0xba: {  	s0 =	sor.u32 s3, s0;
	s1 =	sshll.u32 s1, $0x11  }
0xbb: {  	s0 =	sor.u32 s1, s0  }
0xbc: {  	s0 =	sadd.s32 $0x8F2B, s0  }
0xbd: {  	[sflag:s0] =	ssyncadd.remote.s32 $0x1  }
0xbe: {  	_ =	sfence.sel $0xFFFF  }
0xbf: {  	[dreg:$0x0] =	wrdreg $0xFFFFFFFF;
	(pc) =	sbr.abs _section_cstart, $3  }
0xc0: {  	[dreg:$0x1] =	wrdreg $0xFFFFFFFF  }
0xc1: {  	_ =	task.clear_ibuf [dreg:s7], $0x2FFFF;
	_ =	strace $0x9FFFFFFF  }
0xc2: {  	(tm) =	ssettm $0x7FFFFFFF  }
0xc3: {  	_ =	shalt  }
tec
execute0_lowered:
.L_overlay_start_1:
0x0: {  	(tag) =	ssettag $0x1  }
0x1: {  	s4 =	rddreg [dreg:$0x0]  }
0x2: {  	s5 =	rddreg [dreg:$0x1]  }
0x3: {  	s2 =	simm.s32 $0x0;
	s3 =	srdreg.scid;
	s0 =	stileid.u32  }
0x4: {  	s10 =	simm.s32 $0x2;
	s12 =	simm.s32 $0x3;
	s6 =	sand.u32 $0x1, s3  }
0x5: {  	s13 =	simm.s32 $0x0;
	s7 =	sshll.u32 s0, $0xA;
	s8 =	sshll.u32 s6, $0x9  }
0x6: {  	[smem:$0x7FF] =	sst s2;
	s3 =	sadd.s32 $0x1200, s4;
	s7 =	sor.u32 s8, s7  }
0x7: {  	_ =	strace $0x80000047;
	s8 =	sshll.u32 s7, $0x4;
	s7 =	sshrl.u32 s7, $0x3  }
0x8: {  	s6 =	ssub.s32 $0x2, s6;
	s8 =	sadd.s32 s8, s4;
	s29 =	sadd.s32 s5, s7  }
0x9: {  	s9 =	sshrl.u32 s6, $0x1;
	[dreg:$0x3] =	wrdreg s29;
	s30 =	sadd.s32 $0xF43600, s8  }
0xa: {  	s9 =	ssub.s32 s6, s9;
	s31 =	sadd.s32 $0xF44600, s8;
	[dreg:$0x4] =	wrdreg s30  }
0xb: {  	s7 =	smax.u32 s9, $0x1;
	s8 =	simm.s32 $0x1;
	[dreg:$0x5] =	wrdreg s31  }
.LBB2_1:
0xc: {  	s0 =	rddreg [dreg:$0x3]  }
0xd: {  	[tilespmem:s2], [sflag:$0x1] =	stream.linear.gather [hbm4b:s0+s2], $0x200, $0x38;
	[tilespmem:$0x10200] =	vst v63  }
0xe: {  	_ =	swait.ge [sflag:s8], $0x200  }
0xf: {  	[sflag:s8] =	ssyncset.done $0x0  }
0x10: {  	[sflag:s8] =	ssyncadd.s32 $0xFFFFFE00  }
0x11: {  	v0 =	vld [tilespmem:s2+$0x0];
	_ =	sdelay $0x4  }
0x12: {  	v0 =	vshll.u32 v0, $0x4  }
0x13: {  	(v2sf) =	vpush v0, $0x0  }
0x14: {  	(v2sf) =	vpush v0, $0x1  }
0x15: {  	(v2sf) =	vpush v0, $0x2;
	_ =	sdelay $0x1  }
0x16: {  	(v2sf) =	vpush v0, $0x4;
	_ =	sdelay $0x1  }
0x17: {  	(v2sf) =	vpush v0, $0x3  }
0x18: {  	s17 =	simm.s32 $0x2000;
	(v2sf) =	vpush v0, $0x5  }
0x19: {  	s16 =	simm.s32 $0x0;
	s14 =	simm.s32 $0x100;
	s18 =	simm.s32 $0x0;
	(v2sf) =	vpush v0, $0x6  }
.LBB2_2:
0x1a: {  	p0 =	sne.s32 s17, $0x1E000  }
0x1b: {  	s29 =	sadd.s32 $0x280, s16;
	s22 =	sadd.s32 $0x780, s16;
	s19 =	smov.u32 s17  }
0x1c: {  	s17 =	sadd.s32 $0x2000, s17;
	s25 =	sadd.s32 $0x580, s16;
	s20 =	sadd.s32 $0x800, s16;
	(v2sf) =	vpush v0, $0x7  }
0x1d: {  	s28 =	sadd.s32 $0x480, s16;
	s23 =	sadd.s32 $0x600, s16;
	s21 =	sadd.s32 $0x880, s16  }
0x1e: {  	s30 =	sadd.s32 $0x200, s16;
	s31 =	sadd.s32 $0x400, s16;
	(v2sf) =	vpush v0, $0x8  }
0x1f: {  	s15 =	simm.s32 $0x0;
	s0 =	sadd.s32 $0x500, s16;
	s18 =	sadd.s32 $0x10, s18  }
0x20: {  	s1 =	sadd.s32 $0x300, s16;
	s24 =	sadd.s32 $0x700, s16;
	s26 =	spop (v2sf);
	(v2sf) =	vpush v0, $0x9  }
0x21: {  	s9 =	sand.u32 $0x1FFFFFF0, s26;
	s26 =	sadd.s32 $0x680, s16;
	s11 =	spop (v2sf)  }
0x22: {  	s9 =	sadd.s32 s3, s9;
	s11 =	sand.u32 $0x1FFFFFF0, s11;
	s4 =	spop (v2sf);
	(v2sf) =	vpush v0, $0xA  }
0x23: {  	[tilespmem:s30], [sflag:$0x1] =	stream.linear.gather [hbm4b:s9+s15], $0x80, $0x38;
	[tilespmem:$0x10200] =	vst v63  }
0x24: {  	s9 =	sadd.s32 s3, s11;
	s11 =	sadd.s32 $0x380, s16;
	s30 =	spop (v2sf);
	(v2sf) =	vpush v0, $0xB  }
0x25: {  	[tilespmem:s29], [sflag:$0x1] =	stream.linear.gather [hbm4b:s9+s15], $0x80, $0x38;
	[tilespmem:$0x10200] =	vst v63  }
0x26: {  	s4 =	sand.u32 $0x1FFFFFF0, s4;
	s9 =	sand.u32 $0x1FFFFFF0, s30;
	s29 =	spop (v2sf);
	(v2sf) =	vpush v0, $0xC  }
0x27: {  	s4 =	sadd.s32 s3, s4;
	s29 =	sand.u32 $0x1FFFFFF0, s29;
	s30 =	spop (v2sf)  }
0x28: {  	[tilespmem:s1], [sflag:$0x1] =	stream.linear.gather [hbm4b:s4+s15], $0x80, $0x38;
	(v2sf) =	vpush v0, $0xD;
	[tilespmem:$0x10200] =	vst v63  }
0x29: {  	s1 =	sadd.s32 s3, s29;
	s4 =	sand.u32 $0x1FFFFFF0, s30;
	s29 =	spop (v2sf)  }
0x2a: {  	[tilespmem:s11], [sflag:$0x1] =	stream.linear.gather [hbm4b:s1+s15], $0x80, $0x38;
	(v2sf) =	vpush v0, $0xE;
	[tilespmem:$0x10200] =	vst v63  }
0x2b: {  	s1 =	sadd.s32 s3, s9;
	s9 =	sand.u32 $0x1FFFFFF0, s29;
	s11 =	spop (v2sf)  }
0x2c: {  	[tilespmem:s31], [sflag:$0x1] =	stream.linear.gather [hbm4b:s1+s15], $0x80, $0x38;
	(v2sf) =	vpush v0, $0xF;
	[tilespmem:$0x10200] =	vst v63  }
0x2d: {  	s1 =	sadd.s32 s3, s4;
	s4 =	sand.u32 $0x1FFFFFF0, s11;
	s11 =	spop (v2sf)  }
0x2e: {  	[tilespmem:s28], [sflag:$0x1] =	stream.linear.gather [hbm4b:s1+s15], $0x80, $0x38;
	[tilespmem:$0x10200] =	vst v63  }
0x2f: {  	s1 =	sadd.s32 s3, s9;
	s9 =	sand.u32 $0x1FFFFFF0, s11;
	s11 =	spop (v2sf)  }
0x30: {  	[tilespmem:s0], [sflag:$0x1] =	stream.linear.gather [hbm4b:s1+s15], $0x80, $0x38;
	[tilespmem:$0x10200] =	vst v63  }
0x31: {  	s0 =	sadd.s32 s3, s4;
	s1 =	sand.u32 $0x1FFFFFF0, s11;
	s4 =	spop (v2sf)  }
0x32: {  	[tilespmem:s25], [sflag:$0x1] =	stream.linear.gather [hbm4b:s0+s15], $0x80, $0x38;
	[tilespmem:$0x10200] =	vst v63  }
0x33: {  	s0 =	sadd.s32 s3, s9;
	s4 =	sand.u32 $0x1FFFFFF0, s4;
	s9 =	spop (v2sf)  }
0x34: {  	[tilespmem:s23], [sflag:$0x1] =	stream.linear.gather [hbm4b:s0+s15], $0x80, $0x38;
	[tilespmem:$0x10200] =	vst v63  }
0x35: {  	s0 =	sadd.s32 s3, s1;
	s1 =	sand.u32 $0x1FFFFFF0, s9;
	s9 =	spop (v2sf)  }
0x36: {  	[tilespmem:s26], [sflag:$0x1] =	stream.linear.gather [hbm4b:s0+s15], $0x80, $0x38;
	[tilespmem:$0x10200] =	vst v63  }
0x37: {  	s0 =	sadd.s32 s3, s4;
	s4 =	sand.u32 $0x1FFFFFF0, s9;
	s9 =	spop (v2sf)  }
0x38: {  	[tilespmem:s24], [sflag:$0x1] =	stream.linear.gather [hbm4b:s0+s15], $0x80, $0x38;
	[tilespmem:$0x10200] =	vst v63  }
0x39: {  	s0 =	sadd.s32 s3, s1;
	s1 =	sand.u32 $0x1FFFFFF0, s9;
	s9 =	spop (v2sf)  }
0x3a: {  	[tilespmem:s22], [sflag:$0x1] =	stream.linear.gather [hbm4b:s0+s15], $0x80, $0x38;
	[tilespmem:$0x10200] =	vst v63  }
0x3b: {  	s0 =	sadd.s32 s3, s4;
	s4 =	sand.u32 $0x1FFFFFF0, s9;
	s9 =	spop (v2sf)  }
0x3c: {  	[tilespmem:s20], [sflag:$0x1] =	stream.linear.gather [hbm4b:s0+s15], $0x80, $0x38;
	[tilespmem:$0x10200] =	vst v63  }
0x3d: {  	s0 =	sadd.s32 s3, s1;
	s1 =	sand.u32 $0x1FFFFFF0, s9  }
0x3e: {  	[tilespmem:s21], [sflag:$0x1] =	stream.linear.gather [hbm4b:s0+s15], $0x80, $0x38;
	[tilespmem:$0x10200] =	vst v63  }
0x3f: {  	s4 =	sadd.s32 s3, s4;
	s0 =	sadd.s32 $0x900, s16  }
0x40: {  	[tilespmem:s0], [sflag:$0x1] =	stream.linear.gather [hbm4b:s4+s15], $0x80, $0x38;
	[tilespmem:$0x10200] =	vst v63  }
0x41: {  	s1 =	sadd.s32 s3, s1;
	s0 =	sadd.s32 $0x980, s16  }
0x42: {  	[tilespmem:s0], [sflag:$0x1] =	stream.linear.gather [hbm4b:s1+s15], $0x80, $0x38;
	[tilespmem:$0x10200] =	vst v63  }
0x43: {  	v0 =	vld [tilespmem:s18+$0x0];
	_ =	sdelay $0x4  }
0x44: {  	v0 =	vshll.u32 v0, $0x4  }
0x45: {  	(v2sf) =	vpush v0, $0x0  }
0x46: {  	(v2sf) =	vpush v0, $0x1  }
0x47: {  	(v2sf) =	vpush v0, $0x2;
	_ =	sdelay $0x1  }
0x48: {  	(v2sf) =	vpush v0, $0x4  }
.Ltmp0:
0x49: {  	(pc) =	sbr.rel @p0 .LBB2_2-.Ltmp0, $3  }
0x4a: {  	(v2sf) =	vpush v0, $0x3  }
0x4b: {  	(v2sf) =	vpush v0, $0x5;
	_ =	sdelay $0x1  }
0x4c: {  	s16 =	sshra.s32 s19, $0x2;
	(v2sf) =	vpush v0, $0x6  }
0x4d: {  	_ =	sdelay $0x1  }
0x4e: {  	s0 =	sadd.s32 $0x280, s16;
	s19 =	sadd.s32 $0x780, s16  }
0x4f: {  	s1 =	sadd.s32 $0x580, s16;
	s17 =	sadd.s32 $0x800, s16;
	(v2sf) =	vpush v0, $0x7;
	s4 =	sadd.s32 $0x480, s16  }
0x50: {  	s9 =	sadd.s32 $0x600, s16;
	s18 =	sadd.s32 $0x880, s16;
	s11 =	sadd.s32 $0x200, s16  }
0x51: {  	s20 =	sadd.s32 $0x400, s16;
	s21 =	sadd.s32 $0x500, s16;
	(v2sf) =	vpush v0, $0x8;
	s22 =	spop (v2sf)  }
0x52: {  	s23 =	sadd.s32 $0x300, s16;
	s22 =	sand.u32 $0x1FFFFFF0, s22;
	s24 =	spop (v2sf)  }
0x53: {  	(v2sf) =	vpush v0, $0x9;
	s22 =	sadd.s32 s3, s22;
	s24 =	sand.u32 $0x1FFFFFF0, s24;
	s25 =	spop (v2sf)  }
0x54: {  	[tilespmem:s11], [sflag:$0x1] =	stream.linear.gather [hbm4b:s22+s15], $0x80, $0x38;
	[tilespmem:$0x10200] =	vst v63  }
0x55: {  	s26 =	sadd.s32 $0x380, s16;
	(v2sf) =	vpush v0, $0xA;
	s29 =	sadd.s32 s3, s24;
	s30 =	spop (v2sf)  }
0x56: {  	[tilespmem:s0], [sflag:$0x1] =	stream.linear.gather [hbm4b:s29+s15], $0x80, $0x38;
	[tilespmem:$0x10200] =	vst v63  }
0x57: {  	s11 =	sadd.s32 $0x700, s16;
	s31 =	sand.u32 $0x1FFFFFF0, s25;
	(v2sf) =	vpush v0, $0xB;
	s5 =	spop (v2sf)  }
0x58: {  	s22 =	sadd.s32 s3, s31;
	s0 =	sadd.s32 $0x680, s16;
	s25 =	sand.u32 $0x1FFFFFF0, s5  }
0x59: {  	(v2sf) =	vpush v0, $0xC;
	[tilespmem:s23], [sflag:$0x1] =	stream.linear.gather [hbm4b:s22+s15], $0x80, $0x38;
	[tilespmem:$0x10200] =	vst v63  }
0x5a: {  	s6 =	sand.u32 $0x1FFFFFF0, s30;
	s28 =	spop (v2sf);
	s29 =	sadd.s32 s3, s25  }
0x5b: {  	(v2sf) =	vpush v0, $0xD;
	[tilespmem:s26], [sflag:$0x1] =	stream.linear.gather [hbm4b:s29+s15], $0x80, $0x38;
	[tilespmem:$0x10200] =	vst v63  }
0x5c: {  	s22 =	sadd.s32 s3, s6;
	s23 =	sand.u32 $0x1FFFFFF0, s28;
	s30 =	spop (v2sf)  }
0x5d: {  	(v2sf) =	vpush v0, $0xE;
	[tilespmem:s20], [sflag:$0x1] =	stream.linear.gather [hbm4b:s22+s15], $0x80, $0x38;
	[tilespmem:$0x10200] =	vst v63  }
0x5e: {  	s23 =	sadd.s32 s3, s23;
	s31 =	sand.u32 $0x1FFFFFF0, s30;
	s5 =	spop (v2sf)  }
0x5f: {  	(v2sf) =	vpush v0, $0xF;
	[tilespmem:s4], [sflag:$0x1] =	stream.linear.gather [hbm4b:s23+s15], $0x80, $0x38;
	[tilespmem:$0x10200] =	vst v63  }
0x60: {  	s6 =	sand.u32 $0x1FFFFFF0, s5;
	s20 =	sadd.s32 s3, s31;
	s23 =	spop (v2sf)  }
0x61: {  	[tilespmem:s21], [sflag:$0x1] =	stream.linear.gather [hbm4b:s20+s15], $0x80, $0x38;
	[tilespmem:$0x10200] =	vst v63  }
0x62: {  	s4 =	sadd.s32 s3, s6;
	s24 =	sand.u32 $0x1FFFFFF0, s23;
	s25 =	spop (v2sf)  }
0x63: {  	[tilespmem:s1], [sflag:$0x1] =	stream.linear.gather [hbm4b:s4+s15], $0x80, $0x38;
	[tilespmem:$0x10200] =	vst v63  }
0x64: {  	s20 =	sadd.s32 s3, s24;
	s26 =	sand.u32 $0x1FFFFFF0, s25;
	s28 =	spop (v2sf)  }
0x65: {  	[tilespmem:s9], [sflag:$0x1] =	stream.linear.gather [hbm4b:s20+s15], $0x80, $0x38;
	[tilespmem:$0x10200] =	vst v63  }
0x66: {  	s4 =	sand.u32 $0x1FFFFFF0, s28;
	s1 =	sadd.s32 s3, s26;
	s29 =	spop (v2sf)  }
0x67: {  	[tilespmem:s0], [sflag:$0x1] =	stream.linear.gather [hbm4b:s1+s15], $0x80, $0x38;
	[tilespmem:$0x10200] =	vst v63  }
0x68: {  	s4 =	sadd.s32 s3, s4;
	s30 =	sand.u32 $0x1FFFFFF0, s29;
	s31 =	spop (v2sf)  }
0x69: {  	[tilespmem:s11], [sflag:$0x1] =	stream.linear.gather [hbm4b:s4+s15], $0x80, $0x38;
	[tilespmem:$0x10200] =	vst v63  }
0x6a: {  	s0 =	sadd.s32 s3, s30;
	s1 =	sand.u32 $0x1FFFFFF0, s31;
	s5 =	spop (v2sf)  }
0x6b: {  	[tilespmem:s19], [sflag:$0x1] =	stream.linear.gather [hbm4b:s0+s15], $0x80, $0x38;
	[tilespmem:$0x10200] =	vst v63  }
0x6c: {  	s6 =	sand.u32 $0x1FFFFFF0, s5;
	s9 =	spop (v2sf);
	s1 =	sadd.s32 s3, s1  }
0x6d: {  	[tilespmem:s17], [sflag:$0x1] =	stream.linear.gather [hbm4b:s1+s15], $0x80, $0x38;
	[tilespmem:$0x10200] =	vst v63  }
0x6e: {  	s11 =	sand.u32 $0x1FFFFFF0, s9;
	s0 =	sadd.s32 s3, s6;
	s17 =	spop (v2sf)  }
0x6f: {  	[tilespmem:s18], [sflag:$0x1] =	stream.linear.gather [hbm4b:s0+s15], $0x80, $0x38;
	[tilespmem:$0x10200] =	vst v63  }
0x70: {  	s20 =	sadd.s32 $0x900, s16;
	s1 =	sadd.s32 s3, s11;
	s19 =	sand.u32 $0x1FFFFFF0, s17  }
0x71: {  	[tilespmem:s20], [sflag:$0x1] =	stream.linear.gather [hbm4b:s1+s15], $0x80, $0x38;
	[tilespmem:$0x10200] =	vst v63  }
0x72: {  	s22 =	simm.s32 $0x0;
	s21 =	sadd.s32 $0x980, s16;
	s0 =	sadd.s32 s3, s19  }
0x73: {  	[tilespmem:s21], [sflag:$0x1] =	stream.linear.gather [hbm4b:s0+s15], $0x80, $0x38;
	[tilespmem:$0x10200] =	vst v63  }
0x74: {  	s23 =	sand.u32 $0x180, s14;
	s0 =	sand.u32 $0x70, s22  }
0x75: {  	s0 =	sor.u32 s0, s23  }
0x76: {  	v63 =	vld [tilespmem:s0+$0x0];
	_ =	sdelay $0x4  }
0x77: {  	v0 =	vshll.u32 v63, $0x4  }
0x78: {  	(v2sf) =	vpush v0, $0x0  }
0x79: {  	(v2sf) =	vpush v0, $0x1  }
0x7a: {  	(v2sf) =	vpush v0, $0x2;
	_ =	sdelay $0x1  }
0x7b: {  	(v2sf) =	vpush v0, $0x3;
	_ =	sdelay $0x1  }
0x7c: {  	(v2sf) =	vpush v0, $0x4;
	_ =	sdelay $0x1  }
0x7d: {  	(v2sf) =	vpush v0, $0x5;
	_ =	sdelay $0x1  }
0x7e: {  	(v2sf) =	vpush v0, $0x6;
	_ =	sdelay $0x1  }
0x7f: {  	(v2sf) =	vpush v0, $0x7  }
0x80: {  	s14 =	simm.s32 $0x2000;
	s24 =	simm.s32 $0x10  }
0x81: {  	s25 =	simm.s32 $0x8280;
	s26 =	simm.s32 $0x8200;
	s30 =	simm.s32 $0x8380;
	(v2sf) =	vpush v0, $0x8  }
0x82: {  	s31 =	simm.s32 $0x8300;
	s19 =	sand.u32 $0x70, s24;
	s28 =	spop (v2sf);
	(v2sf) =	vpush v0, $0x9  }
0x83: {  	s22 =	simm.s32 $0x8400;
	s29 =	spop (v2sf);
	s24 =	sand.u32 $0x1FFFFFF0, s28  }
0x84: {  	(v2sf) =	vpush v0, $0xA;
	s0 =	sand.u32 $0x1FFFFFF0, s29;
	s28 =	spop (v2sf);
	s24 =	sadd.s32 s3, s24  }
0x85: {  	[tilespmem:s26], [sflag:$0x2] =	stream.linear.gather [hbm4b:s24+s2], $0x80, $0x38;
	[tilespmem:$0x10200] =	vst v63  }
0x86: {  	s5 =	sand.u32 $0x1FFFFFF0, s28;
	s6 =	spop (v2sf);
	s0 =	sadd.s32 s3, s0;
	(v2sf) =	vpush v0, $0xB  }
0x87: {  	[tilespmem:s25], [sflag:$0x2] =	stream.linear.gather [hbm4b:s0+s2], $0x80, $0x38;
	[tilespmem:$0x10200] =	vst v63  }
0x88: {  	s24 =	sand.u32 $0x1FFFFFF0, s6;
	s28 =	spop (v2sf);
	s11 =	sadd.s32 s3, s5  }
0x89: {  	[tilespmem:s31], [sflag:$0x2] =	stream.linear.gather [hbm4b:s11+s2], $0x80, $0x38;
	[tilespmem:$0x10200] =	vst v63  }
0x8a: {  	s1 =	sand.u32 $0x1FFFFFF0, s28;
	s29 =	spop (v2sf);
	s0 =	sadd.s32 s3, s24  }
0x8b: {  	[tilespmem:s30], [sflag:$0x2] =	stream.linear.gather [hbm4b:s0+s2], $0x80, $0x38;
	[tilespmem:$0x10200] =	vst v63  }
0x8c: {  	s1 =	sadd.s32 s3, s1;
	s31 =	spop (v2sf);
	s30 =	sand.u32 $0x1FFFFFF0, s29  }
0x8d: {  	[tilespmem:s22], [sflag:$0x2] =	stream.linear.gather [hbm4b:s1+s2], $0x80, $0x38;
	[tilespmem:$0x10200] =	vst v63  }
0x8e: {  	s23 =	simm.s32 $0x8480;
	s6 =	spop (v2sf);
	s0 =	sadd.s32 s3, s30  }
0x8f: {  	(v2sf) =	vpush v0, $0xC;
	[tilespmem:s23], [sflag:$0x2] =	stream.linear.gather [hbm4b:s0+s2], $0x80, $0x38;
	[tilespmem:$0x10200] =	vst v63  }
0x90: {  	s16 =	simm.s32 $0x110;
	s4 =	simm.s32 $0x8500;
	s23 =	spop (v2sf)  }
0x91: {  	s9 =	simm.s32 $0x8580;
	s17 =	simm.s32 $0x0;
	s25 =	spop (v2sf);
	(v2sf) =	vpush v0, $0xD  }
0x92: {  	s18 =	simm.s32 $0x8980;
	s20 =	simm.s32 $0x8780;
	s15 =	simm.s32 $0x4000  }
0x93: {  	s21 =	simm.s32 $0x8700;
	s26 =	simm.s32 $0x8600;
	s29 =	spop (v2sf);
	(v2sf) =	vpush v0, $0xE  }
0x94: {  	s28 =	simm.s32 $0x8680;
	s5 =	sand.u32 $0x1FFFFFF0, s31;
	s22 =	sand.u32 $0x1FFFFFF0, s6  }
0x95: {  	s1 =	sadd.s32 s3, s5;
	s0 =	sadd.s32 s3, s22;
	s31 =	spop (v2sf);
	(v2sf) =	vpush v0, $0xF  }
0x96: {  	[tilespmem:s4], [sflag:$0x2] =	stream.linear.gather [hbm4b:s1+s2], $0x80, $0x38;
	[tilespmem:$0x10200] =	vst v63  }
0x97: {  	s22 =	simm.s32 $0x8880;
	s24 =	sand.u32 $0x1FFFFFF0, s23;
	s23 =	simm.s32 $0x8800  }
0x98: {  	[tilespmem:s9], [sflag:$0x2] =	stream.linear.gather [hbm4b:s0+s2], $0x80, $0x38;
	[tilespmem:$0x10200] =	vst v63  }
0x99: {  	s1 =	sadd.s32 s3, s24;
	s4 =	sand.u32 $0x1FFFFFF0, s25;
	s30 =	sand.u32 $0x1FFFFFF0, s29  }
0x9a: {  	[tilespmem:s26], [sflag:$0x2] =	stream.linear.gather [hbm4b:s1+s2], $0x80, $0x38;
	[tilespmem:$0x10200] =	vst v63  }
0x9b: {  	s4 =	sadd.s32 s3, s4;
	s25 =	sadd.s32 s3, s30;
	s24 =	sand.u32 $0x1FFFFFF0, s31  }
0x9c: {  	[tilespmem:s28], [sflag:$0x2] =	stream.linear.gather [hbm4b:s4+s2], $0x80, $0x38;
	[tilespmem:$0x10200] =	vst v63  }
.LBB2_4:
0x9d: {  	p0 =	sne.s32 s15, $0x1E000  }
0x9e: {  	s0 =	sand.u32 $0x180, s16;
	s1 =	spop (v2sf);
	s4 =	smov.u32 s15  }
0x9f: {  	[tilespmem:s21], [sflag:$0x2] =	stream.linear.gather [hbm4b:s25+s2], $0x80, $0x38;
	[tilespmem:$0x10200] =	vst v63  }
0xa0: {  	s9 =	sadd.s32 s3, s24;
	s1 =	sand.u32 $0x1FFFFFF0, s1;
	s11 =	spop (v2sf)  }
0xa1: {  	[tilespmem:s20], [sflag:$0x2] =	stream.linear.gather [hbm4b:s9+s2], $0x80, $0x38;
	[tilespmem:$0x10200] =	vst v63  }
0xa2: {  	s1 =	sadd.s32 s3, s1;
	s9 =	sand.u32 $0x1FFFFFF0, s11;
	s11 =	spop (v2sf)  }
0xa3: {  	[tilespmem:s23], [sflag:$0x2] =	stream.linear.gather [hbm4b:s1+s2], $0x80, $0x38;
	[tilespmem:$0x10200] =	vst v63  }
0xa4: {  	s1 =	sadd.s32 s3, s9;
	s9 =	sand.u32 $0x1FFFFFF0, s11;
	s11 =	spop (v2sf)  }
0xa5: {  	[tilespmem:s22], [sflag:$0x2] =	stream.linear.gather [hbm4b:s1+s2], $0x80, $0x38;
	[tilespmem:$0x10200] =	vst v63  }
0xa6: {  	s9 =	sadd.s32 s3, s9;
	s1 =	sadd.s32 $0x8900, s17;
	s11 =	sand.u32 $0x1FFFFFF0, s11  }
0xa7: {  	[tilespmem:s1], [sflag:$0x2] =	stream.linear.gather [hbm4b:s9+s2], $0x80, $0x38;
	[tilespmem:$0x10200] =	vst v63  }
0xa8: {  	s15 =	sadd.s32 $0x2000, s15;
	s0 =	sor.u32 s19, s0;
	s1 =	sadd.s32 s3, s11  }
0xa9: {  	[tilespmem:s18], [sflag:$0x2] =	stream.linear.gather [hbm4b:s1+s2], $0x80, $0x38;
	[tilespmem:$0x10200] =	vst v63  }
0xaa: {  	v0 =	vld [tilespmem:s0+$0x0];
	_ =	sdelay $0x4  }
0xab: {  	v0 =	vshll.u32 v0, $0x4  }
0xac: {  	(v2sf) =	vpush v0, $0x0  }
0xad: {  	(v2sf) =	vpush v0, $0x1  }
0xae: {  	(v2sf) =	vpush v0, $0x2  }
0xaf: {  	(v2sf) =	vpush v0, $0x3;
	_ =	sdelay $0x1  }
0xb0: {  	(v2sf) =	vpush v0, $0x4;
	_ =	sdelay $0x1  }
0xb1: {  	s16 =	sadd.s32 $0x10, s16;
	(v2sf) =	vpush v0, $0x5  }
0xb2: {  	s17 =	sshra.s32 s14, $0x2;
	s14 =	smov.u32 s4;
	s0 =	sadd.s32 $0xFFFFFF00, s16  }
0xb3: {  	s25 =	sadd.s32 $0x8500, s17;
	s24 =	sadd.s32 $0x8580, s17;
	s1 =	sadd.s32 $0x8280, s17;
	(v2sf) =	vpush v0, $0x6  }
0xb4: {  	s4 =	sadd.s32 $0x8200, s17;
	s21 =	sadd.s32 $0x8700, s17;
	s9 =	sadd.s32 $0x8400, s17  }
0xb5: {  	s29 =	sadd.s32 $0x8480, s17;
	s20 =	sadd.s32 $0x8780, s17;
	s18 =	sadd.s32 $0x8980, s17;
	(v2sf) =	vpush v0, $0x7  }
0xb6: {  	s26 =	sadd.s32 $0x8600, s17;
	s23 =	sadd.s32 $0x8800, s17;
	s19 =	sand.u32 $0x70, s0  }
0xb7: {  	s22 =	sadd.s32 $0x8880, s17;
	(v2sf) =	vpush v0, $0x8  }
0xb8: {  	s28 =	sadd.s32 $0x8680, s17  }
0xb9: {  	s0 =	sadd.s32 $0x8380, s17;
	s11 =	spop (v2sf);
	(v2sf) =	vpush v0, $0x9  }
0xba: {  	s11 =	sand.u32 $0x1FFFFFF0, s11;
	s30 =	spop (v2sf)  }
0xbb: {  	s31 =	sadd.s32 $0x8300, s17;
	s30 =	sand.u32 $0x1FFFFFF0, s30;
	s5 =	spop (v2sf);
	(v2sf) =	vpush v0, $0xA  }
0xbc: {  	s11 =	sadd.s32 s3, s11;
	s5 =	sand.u32 $0x1FFFFFF0, s5;
	s6 =	spop (v2sf)  }
0xbd: {  	[tilespmem:s4], [sflag:$0x2] =	stream.linear.gather [hbm4b:s11+s2], $0x80, $0x38;
	(v2sf) =	vpush v0, $0xB;
	[tilespmem:$0x10200] =	vst v63  }
0xbe: {  	s4 =	sadd.s32 s3, s30;
	s6 =	sand.u32 $0x1FFFFFF0, s6;
	s11 =	spop (v2sf)  }
0xbf: {  	[tilespmem:s1], [sflag:$0x2] =	stream.linear.gather [hbm4b:s4+s2], $0x80, $0x38;
	[tilespmem:$0x10200] =	vst v63  }
0xc0: {  	s1 =	sadd.s32 s3, s5;
	s4 =	sand.u32 $0x1FFFFFF0, s11;
	s5 =	spop (v2sf)  }
0xc1: {  	[tilespmem:s31], [sflag:$0x2] =	stream.linear.gather [hbm4b:s1+s2], $0x80, $0x38;
	(v2sf) =	vpush v0, $0xC;
	[tilespmem:$0x10200] =	vst v63  }
0xc2: {  	s1 =	sadd.s32 s3, s6;
	s5 =	sand.u32 $0x1FFFFFF0, s5;
	s6 =	spop (v2sf)  }
0xc3: {  	[tilespmem:s0], [sflag:$0x2] =	stream.linear.gather [hbm4b:s1+s2], $0x80, $0x38;
	(v2sf) =	vpush v0, $0xD;
	[tilespmem:$0x10200] =	vst v63  }
0xc4: {  	s0 =	sadd.s32 s3, s4;
	s1 =	sand.u32 $0x1FFFFFF0, s6;
	s4 =	spop (v2sf)  }
0xc5: {  	[tilespmem:s9], [sflag:$0x2] =	stream.linear.gather [hbm4b:s0+s2], $0x80, $0x38;
	(v2sf) =	vpush v0, $0xE;
	[tilespmem:$0x10200] =	vst v63  }
0xc6: {  	s0 =	sadd.s32 s3, s5;
	s4 =	sand.u32 $0x1FFFFFF0, s4;
	s5 =	spop (v2sf)  }
0xc7: {  	[tilespmem:s29], [sflag:$0x2] =	stream.linear.gather [hbm4b:s0+s2], $0x80, $0x38;
	(v2sf) =	vpush v0, $0xF;
	[tilespmem:$0x10200] =	vst v63  }
0xc8: {  	s0 =	sadd.s32 s3, s1;
	s1 =	sand.u32 $0x1FFFFFF0, s5;
	s5 =	spop (v2sf)  }
0xc9: {  	[tilespmem:s25], [sflag:$0x2] =	stream.linear.gather [hbm4b:s0+s2], $0x80, $0x38;
	[tilespmem:$0x10200] =	vst v63  }
0xca: {  	s0 =	sadd.s32 s3, s4;
	s4 =	sand.u32 $0x1FFFFFF0, s5;
	s5 =	spop (v2sf)  }
0xcb: {  	[tilespmem:s24], [sflag:$0x2] =	stream.linear.gather [hbm4b:s0+s2], $0x80, $0x38;
	[tilespmem:$0x10200] =	vst v63  }
.Ltmp1:
0xcc: {  	_ = 	snop;
	(pc) =	sbr.rel @p0 .LBB2_4-.Ltmp1, $4  }
0xcd: {  	s0 =	sadd.s32 s3, s1;
	s1 =	sand.u32 $0x1FFFFFF0, s5;
	s5 =	spop (v2sf)  }
0xce: {  	[tilespmem:s26], [sflag:$0x2] =	stream.linear.gather [hbm4b:s0+s2], $0x80, $0x38;
	[tilespmem:$0x10200] =	vst v63  }
0xcf: {  	s25 =	sadd.s32 s3, s1;
	s0 =	sadd.s32 s3, s4;
	s24 =	sand.u32 $0x1FFFFFF0, s5  }
0xd0: {  	[tilespmem:s28], [sflag:$0x2] =	stream.linear.gather [hbm4b:s0+s2], $0x80, $0x38;
	[tilespmem:$0x10200] =	vst v63  }
0xd1: {  	s0 =	sand.u32 $0x180, s16;
	s1 =	spop (v2sf)  }
0xd2: {  	[tilespmem:s21], [sflag:$0x2] =	stream.linear.gather [hbm4b:s25+s2], $0x80, $0x38;
	[tilespmem:$0x10200] =	vst v63  }
0xd3: {  	s4 =	sadd.s32 s3, s24;
	s1 =	sand.u32 $0x1FFFFFF0, s1;
	s5 =	spop (v2sf)  }
0xd4: {  	[tilespmem:s20], [sflag:$0x2] =	stream.linear.gather [hbm4b:s4+s2], $0x80, $0x38;
	[tilespmem:$0x10200] =	vst v63  }
0xd5: {  	s1 =	sadd.s32 s3, s1;
	s9 =	sand.u32 $0x1FFFFFF0, s5;
	s11 =	spop (v2sf)  }
0xd6: {  	[tilespmem:s23], [sflag:$0x2] =	stream.linear.gather [hbm4b:s1+s2], $0x80, $0x38;
	[tilespmem:$0x10200] =	vst v63  }
0xd7: {  	s15 =	sadd.s32 s3, s9;
	s16 =	sand.u32 $0x1FFFFFF0, s11;
	s20 =	spop (v2sf)  }
0xd8: {  	[tilespmem:s22], [sflag:$0x2] =	stream.linear.gather [hbm4b:s15+s2], $0x80, $0x38;
	[tilespmem:$0x10200] =	vst v63  }
0xd9: {  	s21 =	sadd.s32 $0x8900, s17;
	s4 =	sadd.s32 s3, s16;
	s5 =	sand.u32 $0x1FFFFFF0, s20  }
0xda: {  	[tilespmem:s21], [sflag:$0x2] =	stream.linear.gather [hbm4b:s4+s2], $0x80, $0x38;
	[tilespmem:$0x10200] =	vst v63  }
0xdb: {  	s0 =	sor.u32 s19, s0;
	s22 =	sadd.s32 s3, s5  }
0xdc: {  	[tilespmem:s18], [sflag:$0x2] =	stream.linear.gather [hbm4b:s22+s2], $0x80, $0x38;
	[tilespmem:$0x10200] =	vst v63  }
0xdd: {  	v0 =	vld [tilespmem:s0+$0x0];
	_ =	sdelay $0x4  }
0xde: {  	v0 =	vshll.u32 v0, $0x4  }
0xdf: {  	(v2sf) =	vpush v0, $0x0  }
0xe0: {  	(v2sf) =	vpush v0, $0x1  }
0xe1: {  	(v2sf) =	vpush v0, $0x2;
	_ =	sdelay $0x1  }
0xe2: {  	(v2sf) =	vpush v0, $0x3;
	_ =	sdelay $0x1  }
0xe3: {  	(v2sf) =	vpush v0, $0x4;
	_ =	sdelay $0x1  }
0xe4: {  	(v2sf) =	vpush v0, $0x5;
	_ =	sdelay $0x1  }
0xe5: {  	s14 =	sshra.s32 s14, $0x2;
	(v2sf) =	vpush v0, $0x6  }
0xe6: {  	s26 =	sadd.s32 $0x8200, s14;
	s6 =	sadd.s32 $0x8400, s14  }
0xe7: {  	s17 =	sadd.s32 $0x8780, s14;
	s30 =	sadd.s32 $0x8300, s14;
	s9 =	sadd.s32 $0x8480, s14;
	(v2sf) =	vpush v0, $0x7  }
0xe8: {  	s23 =	sadd.s32 $0x8280, s14;
	s1 =	sadd.s32 $0x8500, s14;
	s11 =	sadd.s32 $0x8600, s14  }
0xe9: {  	s16 =	sadd.s32 $0x8800, s14;
	s15 =	sadd.s32 $0x8880, s14;
	s20 =	sadd.s32 $0x8680, s14;
	(v2sf) =	vpush v0, $0x8  }
0xea: {  	s4 =	sadd.s32 $0x8580, s14;
	s18 =	sadd.s32 $0x8700, s14;
	s28 =	spop (v2sf)  }
0xeb: {  	s22 =	sadd.s32 $0x8380, s14;
	(v2sf) =	vpush v0, $0x9;
	s29 =	spop (v2sf);
	s19 =	sand.u32 $0x1FFFFFF0, s28  }
0xec: {  	s21 =	sand.u32 $0x1FFFFFF0, s29;
	s31 =	spop (v2sf);
	s19 =	sadd.s32 s3, s19  }
0xed: {  	(v2sf) =	vpush v0, $0xA;
	[tilespmem:s26], [sflag:$0x2] =	stream.linear.gather [hbm4b:s19+s2], $0x80, $0x38;
	[tilespmem:$0x10200] =	vst v63  }
0xee: {  	s25 =	sand.u32 $0x1FFFFFF0, s31;
	s26 =	spop (v2sf);
	s21 =	sadd.s32 s3, s21  }
0xef: {  	(v2sf) =	vpush v0, $0xB;
	[tilespmem:s23], [sflag:$0x2] =	stream.linear.gather [hbm4b:s21+s2], $0x80, $0x38;
	[tilespmem:$0x10200] =	vst v63  }
0xf0: {  	s28 =	sand.u32 $0x1FFFFFF0, s26;
	s29 =	spop (v2sf);
	s5 =	sadd.s32 s3, s25  }
0xf1: {  	(v2sf) =	vpush v0, $0xC;
	[tilespmem:s30], [sflag:$0x2] =	stream.linear.gather [hbm4b:s5+s2], $0x80, $0x38;
	[tilespmem:$0x10200] =	vst v63  }
0xf2: {  	s31 =	spop (v2sf);
	s0 =	sadd.s32 s3, s28;
	s30 =	sand.u32 $0x1FFFFFF0, s29  }
0xf3: {  	(v2sf) =	vpush v0, $0xD;
	[tilespmem:s22], [sflag:$0x2] =	stream.linear.gather [hbm4b:s0+s2], $0x80, $0x38;
	[tilespmem:$0x10200] =	vst v63  }
0xf4: {  	s21 =	sand.u32 $0x1FFFFFF0, s31;
	s5 =	sadd.s32 s3, s30;
	s22 =	spop (v2sf)  }
0xf5: {  	(v2sf) =	vpush v0, $0xE;
	[tilespmem:s6], [sflag:$0x2] =	stream.linear.gather [hbm4b:s5+s2], $0x80, $0x38;
	[tilespmem:$0x10200] =	vst v63  }
0xf6: {  	s0 =	sadd.s32 s3, s21;
	s23 =	sand.u32 $0x1FFFFFF0, s22;
	s24 =	spop (v2sf)  }
0xf7: {  	(v2sf) =	vpush v0, $0xF;
	[tilespmem:s9], [sflag:$0x2] =	stream.linear.gather [hbm4b:s0+s2], $0x80, $0x38;
	[tilespmem:$0x10200] =	vst v63  }
0xf8: {  	s25 =	sand.u32 $0x1FFFFFF0, s24;
	s26 =	spop (v2sf);
	s5 =	sadd.s32 s3, s23  }
0xf9: {  	[tilespmem:s1], [sflag:$0x2] =	stream.linear.gather [hbm4b:s5+s2], $0x80, $0x38;
	[tilespmem:$0x10200] =	vst v63  }
0xfa: {  	s28 =	sand.u32 $0x1FFFFFF0, s26;
	s0 =	sadd.s32 s3, s25;
	s29 =	spop (v2sf)  }
0xfb: {  	[tilespmem:s4], [sflag:$0x2] =	stream.linear.gather [hbm4b:s0+s2], $0x80, $0x38;
	[tilespmem:$0x10200] =	vst v63  }
0xfc: {  	s1 =	sadd.s32 s3, s28;
	s30 =	sand.u32 $0x1FFFFFF0, s29;
	s31 =	spop (v2sf)  }
0xfd: {  	[tilespmem:s11], [sflag:$0x2] =	stream.linear.gather [hbm4b:s1+s2], $0x80, $0x38;
	[tilespmem:$0x10200] =	vst v63  }
0xfe: {  	s4 =	sand.u32 $0x1FFFFFF0, s31;
	s5 =	spop (v2sf);
	s0 =	sadd.s32 s3, s30  }
0xff: {  	[tilespmem:s20], [sflag:$0x2] =	stream.linear.gather [hbm4b:s0+s2], $0x80, $0x38;
	[tilespmem:$0x10200] =	vst v63  }
0x100: {  	s6 =	sadd.s32 s3, s4;
	s9 =	sand.u32 $0x1FFFFFF0, s5;
	s11 =	spop (v2sf)  }
0x101: {  	[tilespmem:s18], [sflag:$0x2] =	stream.linear.gather [hbm4b:s6+s2], $0x80, $0x38;
	[tilespmem:$0x10200] =	vst v63  }
0x102: {  	s19 =	sadd.s32 s3, s9;
	s21 =	spop (v2sf);
	s20 =	sand.u32 $0x1FFFFFF0, s11  }
0x103: {  	[tilespmem:s17], [sflag:$0x2] =	stream.linear.gather [hbm4b:s19+s2], $0x80, $0x38;
	[tilespmem:$0x10200] =	vst v63  }
0x104: {  	s23 =	sand.u32 $0x1FFFFFF0, s21;
	s24 =	spop (v2sf);
	s22 =	sadd.s32 s3, s20  }
0x105: {  	[tilespmem:s16], [sflag:$0x2] =	stream.linear.gather [hbm4b:s22+s2], $0x80, $0x38;
	[tilespmem:$0x10200] =	vst v63  }
0x106: {  	s25 =	sadd.s32 s3, s23;
	s26 =	sand.u32 $0x1FFFFFF0, s24;
	s28 =	spop (v2sf)  }
0x107: {  	[tilespmem:s15], [sflag:$0x2] =	stream.linear.gather [hbm4b:s25+s2], $0x80, $0x38;
	[tilespmem:$0x10200] =	vst v63  }
0x108: {  	s29 =	sadd.s32 $0x8900, s14;
	s1 =	sadd.s32 s3, s26;
	s4 =	sand.u32 $0x1FFFFFF0, s28  }
0x109: {  	[tilespmem:s29], [sflag:$0x2] =	stream.linear.gather [hbm4b:s1+s2], $0x80, $0x38;
	[tilespmem:$0x10200] =	vst v63  }
0x10a: {  	s30 =	sadd.s32 $0x8980, s14;
	s31 =	sadd.s32 s3, s4  }
0x10b: {  	[tilespmem:s30], [sflag:$0x2] =	stream.linear.gather [hbm4b:s31+s2], $0x80, $0x38;
	[tilespmem:$0x10200] =	vst v63  }
0x10c: {  	_ =	swait.ge [sflag:s8], $0x80  }
0x10d: {  	s14 =	simm.s32 $0xFF;
	[sflag:s8] =	ssyncset.done $0x0  }
.LBB2_6:
0x10e: {  	p0 =	sne.s32 s14, $0x1;
	s14 =	sadd.s32 $0xFFFFFFFF, s14;
	[sflag:s8] =	ssyncadd.s32 $0xFFFFFF80  }
.Ltmp2:
0x10f: {  	(pc) =	sbr.rel @p0 .LBB2_6-.Ltmp2, $3  }
0x110: {  	_ =	sdelay $0x1  }
0x111: {  	_ =	swait.ge [sflag:s8], $0x80  }
0x112: {  	[sflag:s8] =	ssyncset.done $0x0  }
0x113: {  	[sflag:s8] =	ssyncadd.s32 $0xFFFFFF80;
	s0 =	rddreg [dreg:$0x4];
	s1 =	simm.s32 $0x200  }
0x114: {  	[hbm4b:s0+s2] =	stream.linear.scatter [tilespmem:s1], [sflag:$0x3], $0x8000, $0x38;
	[tilespmem:$0x10200] =	vst v63  }
0x115: {  	_ =	swait.ge [sflag:s10], $0x80  }
0x116: {  	s14 =	simm.s32 $0xFF;
	[sflag:s10] =	ssyncset.done $0x0  }
.LBB2_8:
0x117: {  	p0 =	sne.s32 s14, $0x1;
	s14 =	sadd.s32 $0xFFFFFFFF, s14;
	[sflag:s10] =	ssyncadd.s32 $0xFFFFFF80  }
.Ltmp3:
0x118: {  	(pc) =	sbr.rel @p0 .LBB2_8-.Ltmp3, $3  }
0x119: {  	_ =	sdelay $0x1  }
0x11a: {  	_ =	swait.ge [sflag:s10], $0x80  }
0x11b: {  	[sflag:s10] =	ssyncset.done $0x0  }
0x11c: {  	[sflag:s10] =	ssyncadd.s32 $0xFFFFFF80  }
0x11d: {  	s0 =	rddreg [dreg:$0x5];
	s1 =	simm.s32 $0x8200;
	s13 =	sadd.s32 $0x1, s13  }
0x11e: {  	[hbm4b:s0+s2] =	stream.linear.scatter [tilespmem:s1], [sflag:$0x3], $0x8000, $0x38;
	[tilespmem:$0x10200] =	vst v63  }
0x11f: {  	p0 =	sne.s32 s13, s7;
	_ =	swait.ge [sflag:s12], $0x8000  }
.Ltmp4:
0x120: {  	[sflag:s12] =	ssyncset.done $0x0;
	(pc) =	sbr.rel @p0 .LBB2_1-.Ltmp4, $4  }
0x121: {  	[sflag:s12] =	ssyncadd.s32 $0xFFFF8000  }
0x122: {  	_ =	swait.ge [sflag:s12], $0x8000  }
0x123: {  	[sflag:s12] =	ssyncset.done $0x0  }
0x124: {  	[sflag:s12] =	ssyncadd.s32 $0xFFFF8000  }
0x125: {  	_ =	sfence.sel $0x180000  }
0x126: {  	[bflag:$0x0] =	sbarrier.arrive $0xFFFF  }
0x127: {  	_ =	strace $0x90000047  }
0x128: {  	s0 =	stileid.u32;
	[bflag:$0x2] =	sbarrier.arrive $0xFFFF  }
0x129: {  	p0 =	sne.s32 s0, $0x0;
	s0 =	rddreg [dreg:$0x2]  }
0x12a: {  	s0 =	sadd.s32 @!p0 $0x100000, s0  }
0x12b: {  	[sflag:s0] =	ssyncadd.tile.s32 @!p0 $0x1;
	_ =	shalt  }
.Lfunc_end2:
_tile_overlayer_lowered:
.L_overlay_start_2:
0x12c: {  	(tag) =	ssettag $0x2  }
0x12d: {  	s0 =	rddreg [dreg:$0x0];
	s2 =	stileid.u32  }
0x12e: {  	s1 =	rddreg [dreg:$0x1];
	p0 =	sne.s32 s2, $0x0  }
0x12f: {  	s3 =	rddreg [dreg:$0x2];
	[bflag:$0x3] =	sbarrier.arrive $0xFFFF;
	s2 =	simm.s32 @!p0 $0x1C04  }
0x130: {  	[timem:s3], [sflag:s2] =	dma.local @!p0 [hbm:s0], s1  }
0x131: {  	s0 =	simm.s32 @!p0 $0x4  }
0x132: {  	_ =	swait.ge @!p0 [sflag:s0], s1  }
0x133: {  	s1 =	ssub.s32 @!p0 $0x0, s1;
	[sflag:s0] =	ssyncset.done @!p0 $0x0  }
0x134: {  	[sflag:s0] =	ssyncadd.s32 @!p0 s1  }
0x135: {  	[bflag:$0x3] =	sbarrier.arrive $0xFFFF  }
0x136: {  	_ =	shalt  }

</sc_bundles>
